<compile_context>
chip_gen: v7x
topology: tpu7x:2x2x1
jax: 0.10.2.dev20260603
libtpu: 0.0.44.dev20260713+nightly
codegen_flags: <defaults>
</compile_context>

<pallas_src>
import functools

import jax
import jax.numpy as jnp
from jax import lax
from jax.experimental import pallas as pl
from jax.experimental.pallas import tpu as pltpu
from jax.experimental.pallas import tpu_sc as plsc

N = 10000
E = 320000
D = 128
NCLS = 6

NPAD = 10240
NW = 32
RPS = NPAD // 16
EPW = E // NW
K = 80
NWIN = EPW // K

NBUF = 4


@functools.cache
def _make_sc_aggregate(with_deg):
    mesh = plsc.VectorSubcoreMesh(core_axis_name="c", subcore_axis_name="s")
    out_type = [jax.ShapeDtypeStruct((2, NPAD, D), jnp.float32)]
    scratch = []
    for _ in range(NBUF):
        scratch += [
            pltpu.VMEM((K,), jnp.int32),
            pltpu.VMEM((K,), jnp.int32),
            pltpu.VMEM((K, D), jnp.float32),
            pltpu.SemaphoreType.DMA,
            pltpu.SemaphoreType.DMA,
            pltpu.SemaphoreType.DMA,
            pltpu.SemaphoreType.DMA,
            pltpu.SemaphoreType.DMA,
        ]
    scratch.append(pltpu.VMEM_SHARED((NPAD, D), jnp.float32))
    scratch.append(pltpu.SemaphoreType.DMA)
    if with_deg:
        out_type.append(jax.ShapeDtypeStruct((2 * NPAD,), jnp.float32))
        scratch += [
            pltpu.VMEM((K,), jnp.float32),
            pltpu.VMEM((RPS,), jnp.float32),
            pltpu.VMEM_SHARED((NPAD,), jnp.float32),
        ]
    return functools.partial(
        pl.kernel,
        out_type=out_type,
        mesh=mesh,
        scratch_types=scratch,
    )(functools.partial(_sc_aggregate_body, with_deg))


def _sc_aggregate_body(with_deg, x_hbm, src_hbm, dst_hbm, agg_out, *rest):
    if with_deg:
        deg_out = rest[0]
        rest = rest[1:]
    bufs = [tuple(rest[i * 8:(i + 1) * 8]) for i in range(NBUF)]
    agg_sh = rest[NBUF * 8]
    sz = rest[NBUF * 8 + 1]
    if with_deg:
        ones_v, zdeg, deg_sh = rest[NBUF * 8 + 2:NBUF * 8 + 5]

    c = lax.axis_index("c")
    s = lax.axis_index("s")
    wid = s * 2 + c

    def _base(w):
        return pl.multiple_of(wid * EPW + w * K, 8)

    def issue_idx(w, b):
        idx_s, idx_d, _, si, sd, _, _, _ = bufs[b]
        pltpu.async_copy(src_hbm.at[pl.ds(_base(w), K)], idx_s, si)
        pltpu.async_copy(dst_hbm.at[pl.ds(_base(w), K)], idx_d, sd)

    def start_gather(w, b):
        idx_s, _, rows, si, _, sg, _, _ = bufs[b]
        pltpu.make_async_copy(src_hbm.at[pl.ds(_base(w), K)], idx_s, si).wait()
        pltpu.async_copy(x_hbm.at[idx_s], rows, sg)

    def start_scatter(w, b):
        _, idx_d, rows, _, sd, sg, ssc, sdg = bufs[b]
        pltpu.make_async_copy(dst_hbm.at[pl.ds(_base(w), K)], idx_d, sd).wait()
        pltpu.make_async_copy(x_hbm.at[bufs[b][0]], rows, sg).wait()
        pltpu.async_copy(rows, agg_sh.at[idx_d], ssc, add=True)
        if with_deg:
            pltpu.async_copy(ones_v, deg_sh.at[idx_d], sdg, add=True)

    def wait_scatter(b):
        _, idx_d, rows, _, _, _, ssc, sdg = bufs[b]
        pltpu.make_async_copy(rows, agg_sh.at[idx_d], ssc).wait()
        if with_deg:
            pltpu.make_async_copy(ones_v, deg_sh.at[idx_d], sdg).wait()

    z16 = jnp.zeros((16,), jnp.float32)
    zrows = bufs[NBUF - 1][2]

    def _zero_row(i, carry):
        for j in range(D // 16):
            zrows[i, pl.ds(j * 16, 16)] = z16
        return carry

    lax.fori_loop(0, K, _zero_row, 0)
    if with_deg:
        for j in range(RPS // 16):
            zdeg[pl.ds(j * 16, 16)] = z16
        o16 = jnp.full((16,), 1.0, jnp.float32)
        for j in range(K // 16):
            ones_v[pl.ds(j * 16, 16)] = o16
    for r in range(RPS // K):
        pltpu.async_copy(zrows, agg_sh.at[pl.ds(s * RPS + r * K, K)], sz)
    if with_deg:
        pltpu.async_copy(zdeg, deg_sh.at[pl.ds(s * RPS, RPS)], sz)
    for j in range(NBUF):
        issue_idx(j, j)
    for j in range(NBUF - 1):
        start_gather(j, j)
    for r in range(RPS // K):
        pltpu.make_async_copy(zrows, agg_sh.at[pl.ds(s * RPS + r * K, K)], sz).wait()
    if with_deg:
        pltpu.make_async_copy(zdeg, deg_sh.at[pl.ds(s * RPS, RPS)], sz).wait()
    plsc.subcore_barrier()
    start_scatter(0, 0)
    start_scatter(1, 1)

    n_main = (NWIN - NBUF - 1) // NBUF

    @pl.loop(0, n_main)
    def _main(it):
        w0 = it * NBUF + NBUF
        for j in range(NBUF):
            w = w0 + j
            wait_scatter(j)
            issue_idx(w, j)
            start_gather(w - 1, (j - 1) % NBUF)
            start_scatter(w - 2, (j - 2) % NBUF)

    wait_scatter(0)
    issue_idx(NWIN - 1, 0)
    start_gather(NWIN - 2, 3)
    start_scatter(NWIN - 3, 2)
    start_gather(NWIN - 1, 0)
    start_scatter(NWIN - 2, 3)
    start_scatter(NWIN - 1, 0)
    wait_scatter(1)
    wait_scatter(2)
    wait_scatter(3)
    wait_scatter(0)
    plsc.subcore_barrier()

    pltpu.sync_copy(agg_sh.at[pl.ds(s * RPS, RPS)],
                    agg_out.at[c, pl.ds(s * RPS, RPS)])
    if with_deg:
        pltpu.sync_copy(deg_sh.at[pl.ds(s * RPS, RPS)], zdeg)
        pltpu.sync_copy(zdeg, deg_out.at[pl.ds(c * NPAD + s * RPS, RPS)])


def _dot(a, b):
    return lax.dot_general(a, b, (((1,), (0,)), ((), ())),
                           preferred_element_type=jnp.float32)


def _mean_from_partials(agg_ref, deg_ref):
    agg = agg_ref[0, :N, :] + agg_ref[1, :N, :]
    deg = jnp.maximum(deg_ref[:N] + deg_ref[NPAD:NPAD + N], 1.0)
    return agg / deg[:, None]


def _layer1_body(x_ref, agg_ref, deg_ref, ws_ref, wn_ref, b_ref, o_ref):
    mean = _mean_from_partials(agg_ref, deg_ref)
    h = _dot(x_ref[...], ws_ref[...]) + _dot(mean, wn_ref[...]) + b_ref[...]
    o_ref[...] = jnp.maximum(h, 0.0)


def _final_body(h_ref, agg_ref, deg_ref, ws_ref, wn_ref, b_ref,
                wf1_ref, bf1_ref, wf2_ref, bf2_ref, o_ref):
    mean = _mean_from_partials(agg_ref, deg_ref)
    h2 = _dot(h_ref[...], ws_ref[...]) + _dot(mean, wn_ref[...]) + b_ref[...]
    h2 = jnp.maximum(h2, 0.0)
    g = jnp.max(h2, axis=0, keepdims=True)
    hid = jnp.maximum(_dot(g, wf1_ref[...]) + bf1_ref[...], 0.0)
    o_ref[...] = _dot(hid, wf2_ref[...]) + bf2_ref[...]


_layer1_call = pl.pallas_call(
    _layer1_body,
    out_shape=jax.ShapeDtypeStruct((N, D), jnp.float32),
)

_final_call = pl.pallas_call(
    _final_body,
    out_shape=jax.ShapeDtypeStruct((1, D), jnp.float32),
)


def kernel(x, edge_index, W_self1, W_neigh1, b1, W_self2, W_neigh2, b2,
           W_fc1, b_fc1, W_fc2, b_fc2):
    src = edge_index[0]
    dst = edge_index[1]
    b1r = b1.reshape(1, D)
    b2r = b2.reshape(1, D)
    bf1r = b_fc1.reshape(1, D)
    wf2p = jnp.pad(W_fc2, ((0, 0), (0, D - NCLS)))
    bf2p = jnp.pad(b_fc2, (0, D - NCLS)).reshape(1, D)

    agg1, deg1 = _make_sc_aggregate(True)(x, src, dst)
    h1 = _layer1_call(x, agg1, deg1, W_self1, W_neigh1, b1r)
    agg2 = _make_sc_aggregate(False)(h1, src, dst)[0]
    out = _final_call(h1, agg2, deg1, W_self2, W_neigh2, b2r,
                      W_fc1, bf1r, wf2p, bf2p)
    return out[:, :NCLS]

# --- scband reference (transcript-rebuilt; emitter-appended) ---
"""Pipeline reference for scband-text-classifier-23021024706790 (READ-ONLY COPY).

The authoritative reference and input builder live on the scoring server;
editing this copy changes nothing except your own understanding.
"""

import jax, jax.numpy as jnp
import numpy as np

N_NODES = 10000
N_EDGES = 320000
D = 128
N_CLASSES = 6


def setup_inputs(seed: int = 0) -> dict:
    key = jax.random.key(seed)
    ks = jax.random.split(key, 12)
    x = jax.random.normal(ks[0], (N_NODES, D), dtype=jnp.float32)
    edge_index = jax.random.randint(ks[1], (2, N_EDGES), 0, N_NODES, dtype=jnp.int64 if jax.config.jax_enable_x64 else jnp.int32).astype(jnp.int32)
    s = 1.0 / np.sqrt(D)
    W_self1 = jax.random.uniform(ks[2], (D, D), jnp.float32, -s, s)
    W_neigh1 = jax.random.uniform(ks[3], (D, D), jnp.float32, -s, s)
    b1 = jnp.zeros((D,), jnp.float32)
    W_self2 = jax.random.uniform(ks[4], (D, D), jnp.float32, -s, s)
    W_neigh2 = jax.random.uniform(ks[5], (D, D), jnp.float32, -s, s)
    b2 = jnp.zeros((D,), jnp.float32)
    W_fc1 = jax.random.uniform(ks[6], (D, D), jnp.float32, -s, s)
    b_fc1 = jnp.zeros((D,), jnp.float32)
    W_fc2 = jax.random.uniform(ks[7], (D, N_CLASSES), jnp.float32, -s, s)
    b_fc2 = jnp.zeros((N_CLASSES,), jnp.float32)
    return {"x": x, "edge_index": edge_index, "W_self1": W_self1, "W_neigh1": W_neigh1, "b1": b1,
            "W_self2": W_self2, "W_neigh2": W_neigh2, "b2": b2,
            "W_fc1": W_fc1, "b_fc1": b_fc1, "W_fc2": W_fc2, "b_fc2": b_fc2}


def _sage_layer(h, src, dst, W_self, W_neigh, b):
    # GraphSAGE mean aggregator: gather messages from src, scatter-mean into dst
    msg = jnp.take(h, src, axis=0)                                   # gather [E, D]
    agg = jax.ops.segment_sum(msg, dst, num_segments=N_NODES)        # scatter-add
    deg = jax.ops.segment_sum(jnp.ones((msg.shape[0],), jnp.float32), dst, num_segments=N_NODES)
    mean = agg / jnp.maximum(deg, 1.0)[:, None]
    return jax.nn.relu(h @ W_self + mean @ W_neigh + b)


def reference(x, edge_index, W_self1, W_neigh1, b1, W_self2, W_neigh2, b2, W_fc1, b_fc1, W_fc2, b_fc2):
    src = edge_index[0]
    dst = edge_index[1]
    h = _sage_layer(x, src, dst, W_self1, W_neigh1, b1)
    h = _sage_layer(h, src, dst, W_self2, W_neigh2, b2)
    # max-pool graph readout over all nodes (single batched graph)
    g = jnp.max(h, axis=0, keepdims=True)                            # [1, D]
    hid = jax.nn.relu(g @ W_fc1 + b_fc1)
    logits = hid @ W_fc2 + b_fc2                                     # [1, 6]
    return logits

if __name__ == "__main__":
    import jax
    _d = setup_inputs()
    print(jax.jit(kernel)(*tuple(_d.values())))

</pallas_src>

<mosaic_0001>
#map = affine_map<(d0, d1) -> (0, 0)>
#map1 = affine_map<(d0, d1) -> (0)>
#map2 = affine_map<(d0, d1) -> (0, 0, 0)>
module attributes {stable_mosaic.version = 14 : i64} {
  func.func @_sc_aggregate_body(%arg0: i32, %arg1: i32, %arg2: memref<10000x128xf32, #tpu.memory_space<hbm>>, %arg3: memref<320000xi32, #tpu.memory_space<hbm>>, %arg4: memref<320000xi32, #tpu.memory_space<hbm>>, %arg5: memref<2x10240x128xf32, #tpu.memory_space<hbm>>, %arg6: memref<20480xf32, #tpu.memory_space<hbm>>, %arg7: memref<80xi32, #tpu.memory_space<vmem>>, %arg8: memref<80xi32, #tpu.memory_space<vmem>>, %arg9: memref<80x128xf32, #tpu.memory_space<vmem>>, %arg10: memref<!tpu.dma_semaphore, #tpu.memory_space<semaphore_mem>>, %arg11: memref<!tpu.dma_semaphore, #tpu.memory_space<semaphore_mem>>, %arg12: memref<!tpu.dma_semaphore, #tpu.memory_space<semaphore_mem>>, %arg13: memref<!tpu.dma_semaphore, #tpu.memory_space<semaphore_mem>>, %arg14: memref<!tpu.dma_semaphore, #tpu.memory_space<semaphore_mem>>, %arg15: memref<80xi32, #tpu.memory_space<vmem>>, %arg16: memref<80xi32, #tpu.memory_space<vmem>>, %arg17: memref<80x128xf32, #tpu.memory_space<vmem>>, %arg18: memref<!tpu.dma_semaphore, #tpu.memory_space<semaphore_mem>>, %arg19: memref<!tpu.dma_semaphore, #tpu.memory_space<semaphore_mem>>, %arg20: memref<!tpu.dma_semaphore, #tpu.memory_space<semaphore_mem>>, %arg21: memref<!tpu.dma_semaphore, #tpu.memory_space<semaphore_mem>>, %arg22: memref<!tpu.dma_semaphore, #tpu.memory_space<semaphore_mem>>, %arg23: memref<80xi32, #tpu.memory_space<vmem>>, %arg24: memref<80xi32, #tpu.memory_space<vmem>>, %arg25: memref<80x128xf32, #tpu.memory_space<vmem>>, %arg26: memref<!tpu.dma_semaphore, #tpu.memory_space<semaphore_mem>>, %arg27: memref<!tpu.dma_semaphore, #tpu.memory_space<semaphore_mem>>, %arg28: memref<!tpu.dma_semaphore, #tpu.memory_space<semaphore_mem>>, %arg29: memref<!tpu.dma_semaphore, #tpu.memory_space<semaphore_mem>>, %arg30: memref<!tpu.dma_semaphore, #tpu.memory_space<semaphore_mem>>, %arg31: memref<80xi32, #tpu.memory_space<vmem>>, %arg32: memref<80xi32, #tpu.memory_space<vmem>>, %arg33: memref<80x128xf32, #tpu.memory_space<vmem>>, %arg34: memref<!tpu.dma_semaphore, #tpu.memory_space<semaphore_mem>>, %arg35: memref<!tpu.dma_semaphore, #tpu.memory_space<semaphore_mem>>, %arg36: memref<!tpu.dma_semaphore, #tpu.memory_space<semaphore_mem>>, %arg37: memref<!tpu.dma_semaphore, #tpu.memory_space<semaphore_mem>>, %arg38: memref<!tpu.dma_semaphore, #tpu.memory_space<semaphore_mem>>, %arg39: memref<10240x128xf32, #tpu.memory_space<vmem_shared>>, %arg40: memref<!tpu.dma_semaphore, #tpu.memory_space<semaphore_mem>>, %arg41: memref<80xf32, #tpu.memory_space<vmem>>, %arg42: memref<640xf32, #tpu.memory_space<vmem>>, %arg43: memref<10240xf32, #tpu.memory_space<vmem_shared>>) attributes {dimension_semantics = [#tpu.dimension_semantics<core_parallel>, #tpu.dimension_semantics<subcore_parallel>], iteration_bounds = array<i64: 2, 16>, scalar_prefetch = 0 : i64, scratch_operands = 37 : i64, tpu.core_type = #tpu.core_type<sc_vector_subcore>, window_params = [{transform_indices = #map}, {transform_indices = #map1}, {transform_indices = #map1}, {transform_indices = #map2}, {transform_indices = #map1}]} {
    %mul3A = arith.constant 2 : i32
    %mul3A_0 = arith.muli %arg1, %mul3A : i32
    %add3A = arith.addi %mul3A_0, %arg0 : i32
    %broadcast_in_dim3A = arith.constant 0.000000e+00 : f32
    %broadcast_in_dim3A_1 = vector.broadcast %broadcast_in_dim3A : f32 to vector<16xf32>
    %scan3A = arith.constant 0 : i32
    %scan3A_2 = arith.constant 0 : i32
    %scan3A_3 = arith.constant 80 : i32
    %scan3A_4 = arith.addi %scan3A_2, %scan3A_3 : i32
    %scan3A_5 = arith.constant 1 : i32
    scf.for %scan3A_558 = %scan3A_2 to %scan3A_4 step %scan3A_5  : i32 {
      %swap3A_559 = arith.index_cast %scan3A_558 : i32 to index
      %swap3A_560 = arith.constant 0 : index
      %swap3A_561 = tpu.vector_load %arg33[%swap3A_559, %swap3A_560] {strides = array<i32>} : memref<80x128xf32, #tpu.memory_space<vmem>>, vector<1x16xf32>,
      %swap3A_562 = vector.shape_cast %swap3A_561 : vector<1x16xf32> to vector<16xf32>
      %swap3A_563 = vector.shape_cast %broadcast_in_dim3A_1 : vector<16xf32> to vector<1x16xf32>
      tpu.vector_store %arg33[%swap3A_559, %swap3A_560], %swap3A_563 {strides = array<i32>} : memref<80x128xf32, #tpu.memory_space<vmem>>, vector<1x16xf32>,
      %swap3A_564 = arith.index_cast %scan3A_558 : i32 to index
      %swap3A_565 = arith.constant 16 : index
      %swap3A_566 = tpu.vector_load %arg33[%swap3A_564, %swap3A_565] {strides = array<i32>} : memref<80x128xf32, #tpu.memory_space<vmem>>, vector<1x16xf32>,
      %swap3A_567 = vector.shape_cast %swap3A_566 : vector<1x16xf32> to vector<16xf32>
      %swap3A_568 = vector.shape_cast %broadcast_in_dim3A_1 : vector<16xf32> to vector<1x16xf32>
      tpu.vector_store %arg33[%swap3A_564, %swap3A_565], %swap3A_568 {strides = array<i32>} : memref<80x128xf32, #tpu.memory_space<vmem>>, vector<1x16xf32>,
      %swap3A_569 = arith.index_cast %scan3A_558 : i32 to index
      %swap3A_570 = arith.constant 32 : index
      %swap3A_571 = tpu.vector_load %arg33[%swap3A_569, %swap3A_570] {strides = array<i32>} : memref<80x128xf32, #tpu.memory_space<vmem>>, vector<1x16xf32>,
      %swap3A_572 = vector.shape_cast %swap3A_571 : vector<1x16xf32> to vector<16xf32>
      %swap3A_573 = vector.shape_cast %broadcast_in_dim3A_1 : vector<16xf32> to vector<1x16xf32>
      tpu.vector_store %arg33[%swap3A_569, %swap3A_570], %swap3A_573 {strides = array<i32>} : memref<80x128xf32, #tpu.memory_space<vmem>>, vector<1x16xf32>,
      %swap3A_574 = arith.index_cast %scan3A_558 : i32 to index
      %swap3A_575 = arith.constant 48 : index
      %swap3A_576 = tpu.vector_load %arg33[%swap3A_574, %swap3A_575] {strides = array<i32>} : memref<80x128xf32, #tpu.memory_space<vmem>>, vector<1x16xf32>,
      %swap3A_577 = vector.shape_cast %swap3A_576 : vector<1x16xf32> to vector<16xf32>
      %swap3A_578 = vector.shape_cast %broadcast_in_dim3A_1 : vector<16xf32> to vector<1x16xf32>
      tpu.vector_store %arg33[%swap3A_574, %swap3A_575], %swap3A_578 {strides = array<i32>} : memref<80x128xf32, #tpu.memory_space<vmem>>, vector<1x16xf32>,
      %swap3A_579 = arith.index_cast %scan3A_558 : i32 to index
      %swap3A_580 = arith.constant 64 : index
      %swap3A_581 = tpu.vector_load %arg33[%swap3A_579, %swap3A_580] {strides = array<i32>} : memref<80x128xf32, #tpu.memory_space<vmem>>, vector<1x16xf32>,
      %swap3A_582 = vector.shape_cast %swap3A_581 : vector<1x16xf32> to vector<16xf32>
      %swap3A_583 = vector.shape_cast %broadcast_in_dim3A_1 : vector<16xf32> to vector<1x16xf32>
      tpu.vector_store %arg33[%swap3A_579, %swap3A_580], %swap3A_583 {strides = array<i32>} : memref<80x128xf32, #tpu.memory_space<vmem>>, vector<1x16xf32>,
      %swap3A_584 = arith.index_cast %scan3A_558 : i32 to index
      %swap3A_585 = arith.constant 80 : index
      %swap3A_586 = tpu.vector_load %arg33[%swap3A_584, %swap3A_585] {strides = array<i32>} : memref<80x128xf32, #tpu.memory_space<vmem>>, vector<1x16xf32>,
      %swap3A_587 = vector.shape_cast %swap3A_586 : vector<1x16xf32> to vector<16xf32>
      %swap3A_588 = vector.shape_cast %broadcast_in_dim3A_1 : vector<16xf32> to vector<1x16xf32>
      tpu.vector_store %arg33[%swap3A_584, %swap3A_585], %swap3A_588 {strides = array<i32>} : memref<80x128xf32, #tpu.memory_space<vmem>>, vector<1x16xf32>,
      %swap3A_589 = arith.index_cast %scan3A_558 : i32 to index
      %swap3A_590 = arith.constant 96 : index
      %swap3A_591 = tpu.vector_load %arg33[%swap3A_589, %swap3A_590] {strides = array<i32>} : memref<80x128xf32, #tpu.memory_space<vmem>>, vector<1x16xf32>,
      %swap3A_592 = vector.shape_cast %swap3A_591 : vector<1x16xf32> to vector<16xf32>
      %swap3A_593 = vector.shape_cast %broadcast_in_dim3A_1 : vector<16xf32> to vector<1x16xf32>
      tpu.vector_store %arg33[%swap3A_589, %swap3A_590], %swap3A_593 {strides = array<i32>} : memref<80x128xf32, #tpu.memory_space<vmem>>, vector<1x16xf32>,
      %swap3A_594 = arith.index_cast %scan3A_558 : i32 to index
      %swap3A_595 = arith.constant 112 : index
      %swap3A_596 = tpu.vector_load %arg33[%swap3A_594, %swap3A_595] {strides = array<i32>} : memref<80x128xf32, #tpu.memory_space<vmem>>, vector<1x16xf32>,
      %swap3A_597 = vector.shape_cast %swap3A_596 : vector<1x16xf32> to vector<16xf32>
      %swap3A_598 = vector.shape_cast %broadcast_in_dim3A_1 : vector<16xf32> to vector<1x16xf32>
      tpu.vector_store %arg33[%swap3A_594, %swap3A_595], %swap3A_598 {strides = array<i32>} : memref<80x128xf32, #tpu.memory_space<vmem>>, vector<1x16xf32>,
    }
    %scan3A_6 = arith.constant 80 : i32
    %swap3A = arith.constant 0 : index
    %swap3A_7 = tpu.vector_load %arg42[%swap3A] {strides = array<i32>} : memref<640xf32, #tpu.memory_space<vmem>>, vector<16xf32>,
    %swap3A_8 = vector.shape_cast %swap3A_7 : vector<16xf32> to vector<16xf32>
    %swap3A_9 = vector.shape_cast %broadcast_in_dim3A_1 : vector<16xf32> to vector<16xf32>
    tpu.vector_store %arg42[%swap3A], %swap3A_9 {strides = array<i32>} : memref<640xf32, #tpu.memory_space<vmem>>, vector<16xf32>,
    %swap3A_10 = arith.constant 16 : index
    %swap3A_11 = tpu.vector_load %arg42[%swap3A_10] {strides = array<i32>} : memref<640xf32, #tpu.memory_space<vmem>>, vector<16xf32>,
    %swap3A_12 = vector.shape_cast %swap3A_11 : vector<16xf32> to vector<16xf32>
    %swap3A_13 = vector.shape_cast %broadcast_in_dim3A_1 : vector<16xf32> to vector<16xf32>
    tpu.vector_store %arg42[%swap3A_10], %swap3A_13 {strides = array<i32>} : memref<640xf32, #tpu.memory_space<vmem>>, vector<16xf32>,
    %swap3A_14 = arith.constant 32 : index
    %swap3A_15 = tpu.vector_load %arg42[%swap3A_14] {strides = array<i32>} : memref<640xf32, #tpu.memory_space<vmem>>, vector<16xf32>,
    %swap3A_16 = vector.shape_cast %swap3A_15 : vector<16xf32> to vector<16xf32>
    %swap3A_17 = vector.shape_cast %broadcast_in_dim3A_1 : vector<16xf32> to vector<16xf32>
    tpu.vector_store %arg42[%swap3A_14], %swap3A_17 {strides = array<i32>} : memref<640xf32, #tpu.memory_space<vmem>>, vector<16xf32>,
    %swap3A_18 = arith.constant 48 : index
    %swap3A_19 = tpu.vector_load %arg42[%swap3A_18] {strides = array<i32>} : memref<640xf32, #tpu.memory_space<vmem>>, vector<16xf32>,
    %swap3A_20 = vector.shape_cast %swap3A_19 : vector<16xf32> to vector<16xf32>
    %swap3A_21 = vector.shape_cast %broadcast_in_dim3A_1 : vector<16xf32> to vector<16xf32>
    tpu.vector_store %arg42[%swap3A_18], %swap3A_21 {strides = array<i32>} : memref<640xf32, #tpu.memory_space<vmem>>, vector<16xf32>,
    %swap3A_22 = arith.constant 64 : index
    %swap3A_23 = tpu.vector_load %arg42[%swap3A_22] {strides = array<i32>} : memref<640xf32, #tpu.memory_space<vmem>>, vector<16xf32>,
    %swap3A_24 = vector.shape_cast %swap3A_23 : vector<16xf32> to vector<16xf32>
    %swap3A_25 = vector.shape_cast %broadcast_in_dim3A_1 : vector<16xf32> to vector<16xf32>
    tpu.vector_store %arg42[%swap3A_22], %swap3A_25 {strides = array<i32>} : memref<640xf32, #tpu.memory_space<vmem>>, vector<16xf32>,
    %swap3A_26 = arith.constant 80 : index
    %swap3A_27 = tpu.vector_load %arg42[%swap3A_26] {strides = array<i32>} : memref<640xf32, #tpu.memory_space<vmem>>, vector<16xf32>,
    %swap3A_28 = vector.shape_cast %swap3A_27 : vector<16xf32> to vector<16xf32>
    %swap3A_29 = vector.shape_cast %broadcast_in_dim3A_1 : vector<16xf32> to vector<16xf32>
    tpu.vector_store %arg42[%swap3A_26], %swap3A_29 {strides = array<i32>} : memref<640xf32, #tpu.memory_space<vmem>>, vector<16xf32>,
    %swap3A_30 = arith.constant 96 : index
    %swap3A_31 = tpu.vector_load %arg42[%swap3A_30] {strides = array<i32>} : memref<640xf32, #tpu.memory_space<vmem>>, vector<16xf32>,
    %swap3A_32 = vector.shape_cast %swap3A_31 : vector<16xf32> to vector<16xf32>
    %swap3A_33 = vector.shape_cast %broadcast_in_dim3A_1 : vector<16xf32> to vector<16xf32>
    tpu.vector_store %arg42[%swap3A_30], %swap3A_33 {strides = array<i32>} : memref<640xf32, #tpu.memory_space<vmem>>, vector<16xf32>,
    %swap3A_34 = arith.constant 112 : index
    %swap3A_35 = tpu.vector_load %arg42[%swap3A_34] {strides = array<i32>} : memref<640xf32, #tpu.memory_space<vmem>>, vector<16xf32>,
    %swap3A_36 = vector.shape_cast %swap3A_35 : vector<16xf32> to vector<16xf32>
    %swap3A_37 = vector.shape_cast %broadcast_in_dim3A_1 : vector<16xf32> to vector<16xf32>
    tpu.vector_store %arg42[%swap3A_34], %swap3A_37 {strides = array<i32>} : memref<640xf32, #tpu.memory_space<vmem>>, vector<16xf32>,
    %swap3A_38 = arith.constant 128 : index
    %swap3A_39 = tpu.vector_load %arg42[%swap3A_38] {strides = array<i32>} : memref<640xf32, #tpu.memory_space<vmem>>, vector<16xf32>,
    %swap3A_40 = vector.shape_cast %swap3A_39 : vector<16xf32> to vector<16xf32>
    %swap3A_41 = vector.shape_cast %broadcast_in_dim3A_1 : vector<16xf32> to vector<16xf32>
    tpu.vector_store %arg42[%swap3A_38], %swap3A_41 {strides = array<i32>} : memref<640xf32, #tpu.memory_space<vmem>>, vector<16xf32>,
    %swap3A_42 = arith.constant 144 : index
    %swap3A_43 = tpu.vector_load %arg42[%swap3A_42] {strides = array<i32>} : memref<640xf32, #tpu.memory_space<vmem>>, vector<16xf32>,
    %swap3A_44 = vector.shape_cast %swap3A_43 : vector<16xf32> to vector<16xf32>
    %swap3A_45 = vector.shape_cast %broadcast_in_dim3A_1 : vector<16xf32> to vector<16xf32>
    tpu.vector_store %arg42[%swap3A_42], %swap3A_45 {strides = array<i32>} : memref<640xf32, #tpu.memory_space<vmem>>, vector<16xf32>,
    %swap3A_46 = arith.constant 160 : index
    %swap3A_47 = tpu.vector_load %arg42[%swap3A_46] {strides = array<i32>} : memref<640xf32, #tpu.memory_space<vmem>>, vector<16xf32>,
    %swap3A_48 = vector.shape_cast %swap3A_47 : vector<16xf32> to vector<16xf32>
    %swap3A_49 = vector.shape_cast %broadcast_in_dim3A_1 : vector<16xf32> to vector<16xf32>
    tpu.vector_store %arg42[%swap3A_46], %swap3A_49 {strides = array<i32>} : memref<640xf32, #tpu.memory_space<vmem>>, vector<16xf32>,
    %swap3A_50 = arith.constant 176 : index
    %swap3A_51 = tpu.vector_load %arg42[%swap3A_50] {strides = array<i32>} : memref<640xf32, #tpu.memory_space<vmem>>, vector<16xf32>,
    %swap3A_52 = vector.shape_cast %swap3A_51 : vector<16xf32> to vector<16xf32>
    %swap3A_53 = vector.shape_cast %broadcast_in_dim3A_1 : vector<16xf32> to vector<16xf32>
    tpu.vector_store %arg42[%swap3A_50], %swap3A_53 {strides = array<i32>} : memref<640xf32, #tpu.memory_space<vmem>>, vector<16xf32>,
    %swap3A_54 = arith.constant 192 : index
    %swap3A_55 = tpu.vector_load %arg42[%swap3A_54] {strides = array<i32>} : memref<640xf32, #tpu.memory_space<vmem>>, vector<16xf32>,
    %swap3A_56 = vector.shape_cast %swap3A_55 : vector<16xf32> to vector<16xf32>
    %swap3A_57 = vector.shape_cast %broadcast_in_dim3A_1 : vector<16xf32> to vector<16xf32>
    tpu.vector_store %arg42[%swap3A_54], %swap3A_57 {strides = array<i32>} : memref<640xf32, #tpu.memory_space<vmem>>, vector<16xf32>,
    %swap3A_58 = arith.constant 208 : index
    %swap3A_59 = tpu.vector_load %arg42[%swap3A_58] {strides = array<i32>} : memref<640xf32, #tpu.memory_space<vmem>>, vector<16xf32>,
    %swap3A_60 = vector.shape_cast %swap3A_59 : vector<16xf32> to vector<16xf32>
    %swap3A_61 = vector.shape_cast %broadcast_in_dim3A_1 : vector<16xf32> to vector<16xf32>
    tpu.vector_store %arg42[%swap3A_58], %swap3A_61 {strides = array<i32>} : memref<640xf32, #tpu.memory_space<vmem>>, vector<16xf32>,
    %swap3A_62 = arith.constant 224 : index
    %swap3A_63 = tpu.vector_load %arg42[%swap3A_62] {strides = array<i32>} : memref<640xf32, #tpu.memory_space<vmem>>, vector<16xf32>,
    %swap3A_64 = vector.shape_cast %swap3A_63 : vector<16xf32> to vector<16xf32>
    %swap3A_65 = vector.shape_cast %broadcast_in_dim3A_1 : vector<16xf32> to vector<16xf32>
    tpu.vector_store %arg42[%swap3A_62], %swap3A_65 {strides = array<i32>} : memref<640xf32, #tpu.memory_space<vmem>>, vector<16xf32>,
    %swap3A_66 = arith.constant 240 : index
    %swap3A_67 = tpu.vector_load %arg42[%swap3A_66] {strides = array<i32>} : memref<640xf32, #tpu.memory_space<vmem>>, vector<16xf32>,
    %swap3A_68 = vector.shape_cast %swap3A_67 : vector<16xf32> to vector<16xf32>
    %swap3A_69 = vector.shape_cast %broadcast_in_dim3A_1 : vector<16xf32> to vector<16xf32>
    tpu.vector_store %arg42[%swap3A_66], %swap3A_69 {strides = array<i32>} : memref<640xf32, #tpu.memory_space<vmem>>, vector<16xf32>,
    %swap3A_70 = arith.constant 256 : index
    %swap3A_71 = tpu.vector_load %arg42[%swap3A_70] {strides = array<i32>} : memref<640xf32, #tpu.memory_space<vmem>>, vector<16xf32>,
    %swap3A_72 = vector.shape_cast %swap3A_71 : vector<16xf32> to vector<16xf32>
    %swap3A_73 = vector.shape_cast %broadcast_in_dim3A_1 : vector<16xf32> to vector<16xf32>
    tpu.vector_store %arg42[%swap3A_70], %swap3A_73 {strides = array<i32>} : memref<640xf32, #tpu.memory_space<vmem>>, vector<16xf32>,
    %swap3A_74 = arith.constant 272 : index
    %swap3A_75 = tpu.vector_load %arg42[%swap3A_74] {strides = array<i32>} : memref<640xf32, #tpu.memory_space<vmem>>, vector<16xf32>,
    %swap3A_76 = vector.shape_cast %swap3A_75 : vector<16xf32> to vector<16xf32>
    %swap3A_77 = vector.shape_cast %broadcast_in_dim3A_1 : vector<16xf32> to vector<16xf32>
    tpu.vector_store %arg42[%swap3A_74], %swap3A_77 {strides = array<i32>} : memref<640xf32, #tpu.memory_space<vmem>>, vector<16xf32>,
    %swap3A_78 = arith.constant 288 : index
    %swap3A_79 = tpu.vector_load %arg42[%swap3A_78] {strides = array<i32>} : memref<640xf32, #tpu.memory_space<vmem>>, vector<16xf32>,
    %swap3A_80 = vector.shape_cast %swap3A_79 : vector<16xf32> to vector<16xf32>
    %swap3A_81 = vector.shape_cast %broadcast_in_dim3A_1 : vector<16xf32> to vector<16xf32>
    tpu.vector_store %arg42[%swap3A_78], %swap3A_81 {strides = array<i32>} : memref<640xf32, #tpu.memory_space<vmem>>, vector<16xf32>,
    %swap3A_82 = arith.constant 304 : index
    %swap3A_83 = tpu.vector_load %arg42[%swap3A_82] {strides = array<i32>} : memref<640xf32, #tpu.memory_space<vmem>>, vector<16xf32>,
    %swap3A_84 = vector.shape_cast %swap3A_83 : vector<16xf32> to vector<16xf32>
    %swap3A_85 = vector.shape_cast %broadcast_in_dim3A_1 : vector<16xf32> to vector<16xf32>
    tpu.vector_store %arg42[%swap3A_82], %swap3A_85 {strides = array<i32>} : memref<640xf32, #tpu.memory_space<vmem>>, vector<16xf32>,
    %swap3A_86 = arith.constant 320 : index
    %swap3A_87 = tpu.vector_load %arg42[%swap3A_86] {strides = array<i32>} : memref<640xf32, #tpu.memory_space<vmem>>, vector<16xf32>,
    %swap3A_88 = vector.shape_cast %swap3A_87 : vector<16xf32> to vector<16xf32>
    %swap3A_89 = vector.shape_cast %broadcast_in_dim3A_1 : vector<16xf32> to vector<16xf32>
    tpu.vector_store %arg42[%swap3A_86], %swap3A_89 {strides = array<i32>} : memref<640xf32, #tpu.memory_space<vmem>>, vector<16xf32>,
    %swap3A_90 = arith.constant 336 : index
    %swap3A_91 = tpu.vector_load %arg42[%swap3A_90] {strides = array<i32>} : memref<640xf32, #tpu.memory_space<vmem>>, vector<16xf32>,
    %swap3A_92 = vector.shape_cast %swap3A_91 : vector<16xf32> to vector<16xf32>
    %swap3A_93 = vector.shape_cast %broadcast_in_dim3A_1 : vector<16xf32> to vector<16xf32>
    tpu.vector_store %arg42[%swap3A_90], %swap3A_93 {strides = array<i32>} : memref<640xf32, #tpu.memory_space<vmem>>, vector<16xf32>,
    %swap3A_94 = arith.constant 352 : index
    %swap3A_95 = tpu.vector_load %arg42[%swap3A_94] {strides = array<i32>} : memref<640xf32, #tpu.memory_space<vmem>>, vector<16xf32>,
    %swap3A_96 = vector.shape_cast %swap3A_95 : vector<16xf32> to vector<16xf32>
    %swap3A_97 = vector.shape_cast %broadcast_in_dim3A_1 : vector<16xf32> to vector<16xf32>
    tpu.vector_store %arg42[%swap3A_94], %swap3A_97 {strides = array<i32>} : memref<640xf32, #tpu.memory_space<vmem>>, vector<16xf32>,
    %swap3A_98 = arith.constant 368 : index
    %swap3A_99 = tpu.vector_load %arg42[%swap3A_98] {strides = array<i32>} : memref<640xf32, #tpu.memory_space<vmem>>, vector<16xf32>,
    %swap3A_100 = vector.shape_cast %swap3A_99 : vector<16xf32> to vector<16xf32>
    %swap3A_101 = vector.shape_cast %broadcast_in_dim3A_1 : vector<16xf32> to vector<16xf32>
    tpu.vector_store %arg42[%swap3A_98], %swap3A_101 {strides = array<i32>} : memref<640xf32, #tpu.memory_space<vmem>>, vector<16xf32>,
    %swap3A_102 = arith.constant 384 : index
    %swap3A_103 = tpu.vector_load %arg42[%swap3A_102] {strides = array<i32>} : memref<640xf32, #tpu.memory_space<vmem>>, vector<16xf32>,
    %swap3A_104 = vector.shape_cast %swap3A_103 : vector<16xf32> to vector<16xf32>
    %swap3A_105 = vector.shape_cast %broadcast_in_dim3A_1 : vector<16xf32> to vector<16xf32>
    tpu.vector_store %arg42[%swap3A_102], %swap3A_105 {strides = array<i32>} : memref<640xf32, #tpu.memory_space<vmem>>, vector<16xf32>,
    %swap3A_106 = arith.constant 400 : index
    %swap3A_107 = tpu.vector_load %arg42[%swap3A_106] {strides = array<i32>} : memref<640xf32, #tpu.memory_space<vmem>>, vector<16xf32>,
    %swap3A_108 = vector.shape_cast %swap3A_107 : vector<16xf32> to vector<16xf32>
    %swap3A_109 = vector.shape_cast %broadcast_in_dim3A_1 : vector<16xf32> to vector<16xf32>
    tpu.vector_store %arg42[%swap3A_106], %swap3A_109 {strides = array<i32>} : memref<640xf32, #tpu.memory_space<vmem>>, vector<16xf32>,
    %swap3A_110 = arith.constant 416 : index
    %swap3A_111 = tpu.vector_load %arg42[%swap3A_110] {strides = array<i32>} : memref<640xf32, #tpu.memory_space<vmem>>, vector<16xf32>,
    %swap3A_112 = vector.shape_cast %swap3A_111 : vector<16xf32> to vector<16xf32>
    %swap3A_113 = vector.shape_cast %broadcast_in_dim3A_1 : vector<16xf32> to vector<16xf32>
    tpu.vector_store %arg42[%swap3A_110], %swap3A_113 {strides = array<i32>} : memref<640xf32, #tpu.memory_space<vmem>>, vector<16xf32>,
    %swap3A_114 = arith.constant 432 : index
    %swap3A_115 = tpu.vector_load %arg42[%swap3A_114] {strides = array<i32>} : memref<640xf32, #tpu.memory_space<vmem>>, vector<16xf32>,
    %swap3A_116 = vector.shape_cast %swap3A_115 : vector<16xf32> to vector<16xf32>
    %swap3A_117 = vector.shape_cast %broadcast_in_dim3A_1 : vector<16xf32> to vector<16xf32>
    tpu.vector_store %arg42[%swap3A_114], %swap3A_117 {strides = array<i32>} : memref<640xf32, #tpu.memory_space<vmem>>, vector<16xf32>,
    %swap3A_118 = arith.constant 448 : index
    %swap3A_119 = tpu.vector_load %arg42[%swap3A_118] {strides = array<i32>} : memref<640xf32, #tpu.memory_space<vmem>>, vector<16xf32>,
    %swap3A_120 = vector.shape_cast %swap3A_119 : vector<16xf32> to vector<16xf32>
    %swap3A_121 = vector.shape_cast %broadcast_in_dim3A_1 : vector<16xf32> to vector<16xf32>
    tpu.vector_store %arg42[%swap3A_118], %swap3A_121 {strides = array<i32>} : memref<640xf32, #tpu.memory_space<vmem>>, vector<16xf32>,
    %swap3A_122 = arith.constant 464 : index
    %swap3A_123 = tpu.vector_load %arg42[%swap3A_122] {strides = array<i32>} : memref<640xf32, #tpu.memory_space<vmem>>, vector<16xf32>,
    %swap3A_124 = vector.shape_cast %swap3A_123 : vector<16xf32> to vector<16xf32>
    %swap3A_125 = vector.shape_cast %broadcast_in_dim3A_1 : vector<16xf32> to vector<16xf32>
    tpu.vector_store %arg42[%swap3A_122], %swap3A_125 {strides = array<i32>} : memref<640xf32, #tpu.memory_space<vmem>>, vector<16xf32>,
    %swap3A_126 = arith.constant 480 : index
    %swap3A_127 = tpu.vector_load %arg42[%swap3A_126] {strides = array<i32>} : memref<640xf32, #tpu.memory_space<vmem>>, vector<16xf32>,
    %swap3A_128 = vector.shape_cast %swap3A_127 : vector<16xf32> to vector<16xf32>
    %swap3A_129 = vector.shape_cast %broadcast_in_dim3A_1 : vector<16xf32> to vector<16xf32>
    tpu.vector_store %arg42[%swap3A_126], %swap3A_129 {strides = array<i32>} : memref<640xf32, #tpu.memory_space<vmem>>, vector<16xf32>,
    %swap3A_130 = arith.constant 496 : index
    %swap3A_131 = tpu.vector_load %arg42[%swap3A_130] {strides = array<i32>} : memref<640xf32, #tpu.memory_space<vmem>>, vector<16xf32>,
    %swap3A_132 = vector.shape_cast %swap3A_131 : vector<16xf32> to vector<16xf32>
    %swap3A_133 = vector.shape_cast %broadcast_in_dim3A_1 : vector<16xf32> to vector<16xf32>
    tpu.vector_store %arg42[%swap3A_130], %swap3A_133 {strides = array<i32>} : memref<640xf32, #tpu.memory_space<vmem>>, vector<16xf32>,
    %swap3A_134 = arith.constant 512 : index
    %swap3A_135 = tpu.vector_load %arg42[%swap3A_134] {strides = array<i32>} : memref<640xf32, #tpu.memory_space<vmem>>, vector<16xf32>,
    %swap3A_136 = vector.shape_cast %swap3A_135 : vector<16xf32> to vector<16xf32>
    %swap3A_137 = vector.shape_cast %broadcast_in_dim3A_1 : vector<16xf32> to vector<16xf32>
    tpu.vector_store %arg42[%swap3A_134], %swap3A_137 {strides = array<i32>} : memref<640xf32, #tpu.memory_space<vmem>>, vector<16xf32>,
    %swap3A_138 = arith.constant 528 : index
    %swap3A_139 = tpu.vector_load %arg42[%swap3A_138] {strides = array<i32>} : memref<640xf32, #tpu.memory_space<vmem>>, vector<16xf32>,
    %swap3A_140 = vector.shape_cast %swap3A_139 : vector<16xf32> to vector<16xf32>
    %swap3A_141 = vector.shape_cast %broadcast_in_dim3A_1 : vector<16xf32> to vector<16xf32>
    tpu.vector_store %arg42[%swap3A_138], %swap3A_141 {strides = array<i32>} : memref<640xf32, #tpu.memory_space<vmem>>, vector<16xf32>,
    %swap3A_142 = arith.constant 544 : index
    %swap3A_143 = tpu.vector_load %arg42[%swap3A_142] {strides = array<i32>} : memref<640xf32, #tpu.memory_space<vmem>>, vector<16xf32>,
    %swap3A_144 = vector.shape_cast %swap3A_143 : vector<16xf32> to vector<16xf32>
    %swap3A_145 = vector.shape_cast %broadcast_in_dim3A_1 : vector<16xf32> to vector<16xf32>
    tpu.vector_store %arg42[%swap3A_142], %swap3A_145 {strides = array<i32>} : memref<640xf32, #tpu.memory_space<vmem>>, vector<16xf32>,
    %swap3A_146 = arith.constant 560 : index
    %swap3A_147 = tpu.vector_load %arg42[%swap3A_146] {strides = array<i32>} : memref<640xf32, #tpu.memory_space<vmem>>, vector<16xf32>,
    %swap3A_148 = vector.shape_cast %swap3A_147 : vector<16xf32> to vector<16xf32>
    %swap3A_149 = vector.shape_cast %broadcast_in_dim3A_1 : vector<16xf32> to vector<16xf32>
    tpu.vector_store %arg42[%swap3A_146], %swap3A_149 {strides = array<i32>} : memref<640xf32, #tpu.memory_space<vmem>>, vector<16xf32>,
    %swap3A_150 = arith.constant 576 : index
    %swap3A_151 = tpu.vector_load %arg42[%swap3A_150] {strides = array<i32>} : memref<640xf32, #tpu.memory_space<vmem>>, vector<16xf32>,
    %swap3A_152 = vector.shape_cast %swap3A_151 : vector<16xf32> to vector<16xf32>
    %swap3A_153 = vector.shape_cast %broadcast_in_dim3A_1 : vector<16xf32> to vector<16xf32>
    tpu.vector_store %arg42[%swap3A_150], %swap3A_153 {strides = array<i32>} : memref<640xf32, #tpu.memory_space<vmem>>, vector<16xf32>,
    %swap3A_154 = arith.constant 592 : index
    %swap3A_155 = tpu.vector_load %arg42[%swap3A_154] {strides = array<i32>} : memref<640xf32, #tpu.memory_space<vmem>>, vector<16xf32>,
    %swap3A_156 = vector.shape_cast %swap3A_155 : vector<16xf32> to vector<16xf32>
    %swap3A_157 = vector.shape_cast %broadcast_in_dim3A_1 : vector<16xf32> to vector<16xf32>
    tpu.vector_store %arg42[%swap3A_154], %swap3A_157 {strides = array<i32>} : memref<640xf32, #tpu.memory_space<vmem>>, vector<16xf32>,
    %swap3A_158 = arith.constant 608 : index
    %swap3A_159 = tpu.vector_load %arg42[%swap3A_158] {strides = array<i32>} : memref<640xf32, #tpu.memory_space<vmem>>, vector<16xf32>,
    %swap3A_160 = vector.shape_cast %swap3A_159 : vector<16xf32> to vector<16xf32>
    %swap3A_161 = vector.shape_cast %broadcast_in_dim3A_1 : vector<16xf32> to vector<16xf32>
    tpu.vector_store %arg42[%swap3A_158], %swap3A_161 {strides = array<i32>} : memref<640xf32, #tpu.memory_space<vmem>>, vector<16xf32>,
    %swap3A_162 = arith.constant 624 : index
    %swap3A_163 = tpu.vector_load %arg42[%swap3A_162] {strides = array<i32>} : memref<640xf32, #tpu.memory_space<vmem>>, vector<16xf32>,
    %swap3A_164 = vector.shape_cast %swap3A_163 : vector<16xf32> to vector<16xf32>
    %swap3A_165 = vector.shape_cast %broadcast_in_dim3A_1 : vector<16xf32> to vector<16xf32>
    tpu.vector_store %arg42[%swap3A_162], %swap3A_165 {strides = array<i32>} : memref<640xf32, #tpu.memory_space<vmem>>, vector<16xf32>,
    %broadcast_in_dim3A_166 = arith.constant 1.000000e+00 : f32
    %broadcast_in_dim3A_167 = vector.broadcast %broadcast_in_dim3A_166 : f32 to vector<16xf32>
    %swap3A_168 = arith.constant 0 : index
    %swap3A_169 = tpu.vector_load %arg41[%swap3A_168] {strides = array<i32>} : memref<80xf32, #tpu.memory_space<vmem>>, vector<16xf32>,
    %swap3A_170 = vector.shape_cast %swap3A_169 : vector<16xf32> to vector<16xf32>
    %swap3A_171 = vector.shape_cast %broadcast_in_dim3A_167 : vector<16xf32> to vector<16xf32>
    tpu.vector_store %arg41[%swap3A_168], %swap3A_171 {strides = array<i32>} : memref<80xf32, #tpu.memory_space<vmem>>, vector<16xf32>,
    %swap3A_172 = arith.constant 16 : index
    %swap3A_173 = tpu.vector_load %arg41[%swap3A_172] {strides = array<i32>} : memref<80xf32, #tpu.memory_space<vmem>>, vector<16xf32>,
    %swap3A_174 = vector.shape_cast %swap3A_173 : vector<16xf32> to vector<16xf32>
    %swap3A_175 = vector.shape_cast %broadcast_in_dim3A_167 : vector<16xf32> to vector<16xf32>
    tpu.vector_store %arg41[%swap3A_172], %swap3A_175 {strides = array<i32>} : memref<80xf32, #tpu.memory_space<vmem>>, vector<16xf32>,
    %swap3A_176 = arith.constant 32 : index
    %swap3A_177 = tpu.vector_load %arg41[%swap3A_176] {strides = array<i32>} : memref<80xf32, #tpu.memory_space<vmem>>, vector<16xf32>,
    %swap3A_178 = vector.shape_cast %swap3A_177 : vector<16xf32> to vector<16xf32>
    %swap3A_179 = vector.shape_cast %broadcast_in_dim3A_167 : vector<16xf32> to vector<16xf32>
    tpu.vector_store %arg41[%swap3A_176], %swap3A_179 {strides = array<i32>} : memref<80xf32, #tpu.memory_space<vmem>>, vector<16xf32>,
    %swap3A_180 = arith.constant 48 : index
    %swap3A_181 = tpu.vector_load %arg41[%swap3A_180] {strides = array<i32>} : memref<80xf32, #tpu.memory_space<vmem>>, vector<16xf32>,
    %swap3A_182 = vector.shape_cast %swap3A_181 : vector<16xf32> to vector<16xf32>
    %swap3A_183 = vector.shape_cast %broadcast_in_dim3A_167 : vector<16xf32> to vector<16xf32>
    tpu.vector_store %arg41[%swap3A_180], %swap3A_183 {strides = array<i32>} : memref<80xf32, #tpu.memory_space<vmem>>, vector<16xf32>,
    %swap3A_184 = arith.constant 64 : index
    %swap3A_185 = tpu.vector_load %arg41[%swap3A_184] {strides = array<i32>} : memref<80xf32, #tpu.memory_space<vmem>>, vector<16xf32>,
    %swap3A_186 = vector.shape_cast %swap3A_185 : vector<16xf32> to vector<16xf32>
    %swap3A_187 = vector.shape_cast %broadcast_in_dim3A_167 : vector<16xf32> to vector<16xf32>
    tpu.vector_store %arg41[%swap3A_184], %swap3A_187 {strides = array<i32>} : memref<80xf32, #tpu.memory_space<vmem>>, vector<16xf32>,
    %mul3A_188 = arith.constant 640 : i32
    %mul3A_189 = arith.muli %arg1, %mul3A_188 : i32
    %add3A_190 = arith.constant 0 : i32
    %add3A_191 = arith.addi %mul3A_189, %add3A_190 : i32
    %dma_start3A = arith.constant 0 : i32
    %dma_start3A_192 = tpu.memref_slice %arg39[%add3A_191, %dma_start3A] : memref<10240x128xf32, #tpu.memory_space<vmem_shared>> -> memref<80x128xf32, #tpu.memory_space<vmem_shared>>
    %dma_start3A_193 = arith.constant 0 : i32
    %dma_start3A_194 = tpu.memref_slice %arg39[%add3A_191, %dma_start3A_193] : memref<10240x128xf32, #tpu.memory_space<vmem_shared>> -> memref<80x128xf32, #tpu.memory_space<vmem_shared>>
    tpu.enqueue_dma source(%arg33 : memref<80x128xf32, #tpu.memory_space<vmem>>) target(%dma_start3A_194 : memref<80x128xf32, #tpu.memory_space<vmem_shared>>) target_semaphore(%arg40 : memref<!tpu.dma_semaphore, #tpu.memory_space<semaphore_mem>>)
    %mul3A_195 = arith.constant 640 : i32
    %mul3A_196 = arith.muli %arg1, %mul3A_195 : i32
    %add3A_197 = arith.constant 80 : i32
    %add3A_198 = arith.addi %mul3A_196, %add3A_197 : i32
    %dma_start3A_199 = arith.constant 0 : i32
    %dma_start3A_200 = tpu.memref_slice %arg39[%add3A_198, %dma_start3A_199] : memref<10240x128xf32, #tpu.memory_space<vmem_shared>> -> memref<80x128xf32, #tpu.memory_space<vmem_shared>>
    %dma_start3A_201 = arith.constant 0 : i32
    %dma_start3A_202 = tpu.memref_slice %arg39[%add3A_198, %dma_start3A_201] : memref<10240x128xf32, #tpu.memory_space<vmem_shared>> -> memref<80x128xf32, #tpu.memory_space<vmem_shared>>
    tpu.enqueue_dma source(%arg33 : memref<80x128xf32, #tpu.memory_space<vmem>>) target(%dma_start3A_202 : memref<80x128xf32, #tpu.memory_space<vmem_shared>>) target_semaphore(%arg40 : memref<!tpu.dma_semaphore, #tpu.memory_space<semaphore_mem>>)
    %mul3A_203 = arith.constant 640 : i32
    %mul3A_204 = arith.muli %arg1, %mul3A_203 : i32
    %add3A_205 = arith.constant 160 : i32
    %add3A_206 = arith.addi %mul3A_204, %add3A_205 : i32
    %dma_start3A_207 = arith.constant 0 : i32
    %dma_start3A_208 = tpu.memref_slice %arg39[%add3A_206, %dma_start3A_207] : memref<10240x128xf32, #tpu.memory_space<vmem_shared>> -> memref<80x128xf32, #tpu.memory_space<vmem_shared>>
    %dma_start3A_209 = arith.constant 0 : i32
    %dma_start3A_210 = tpu.memref_slice %arg39[%add3A_206, %dma_start3A_209] : memref<10240x128xf32, #tpu.memory_space<vmem_shared>> -> memref<80x128xf32, #tpu.memory_space<vmem_shared>>
    tpu.enqueue_dma source(%arg33 : memref<80x128xf32, #tpu.memory_space<vmem>>) target(%dma_start3A_210 : memref<80x128xf32, #tpu.memory_space<vmem_shared>>) target_semaphore(%arg40 : memref<!tpu.dma_semaphore, #tpu.memory_space<semaphore_mem>>)
    %mul3A_211 = arith.constant 640 : i32
    %mul3A_212 = arith.muli %arg1, %mul3A_211 : i32
    %add3A_213 = arith.constant 240 : i32
    %add3A_214 = arith.addi %mul3A_212, %add3A_213 : i32
    %dma_start3A_215 = arith.constant 0 : i32
    %dma_start3A_216 = tpu.memref_slice %arg39[%add3A_214, %dma_start3A_215] : memref<10240x128xf32, #tpu.memory_space<vmem_shared>> -> memref<80x128xf32, #tpu.memory_space<vmem_shared>>
    %dma_start3A_217 = arith.constant 0 : i32
    %dma_start3A_218 = tpu.memref_slice %arg39[%add3A_214, %dma_start3A_217] : memref<10240x128xf32, #tpu.memory_space<vmem_shared>> -> memref<80x128xf32, #tpu.memory_space<vmem_shared>>
    tpu.enqueue_dma source(%arg33 : memref<80x128xf32, #tpu.memory_space<vmem>>) target(%dma_start3A_218 : memref<80x128xf32, #tpu.memory_space<vmem_shared>>) target_semaphore(%arg40 : memref<!tpu.dma_semaphore, #tpu.memory_space<semaphore_mem>>)
    %mul3A_219 = arith.constant 640 : i32
    %mul3A_220 = arith.muli %arg1, %mul3A_219 : i32
    %add3A_221 = arith.constant 320 : i32
    %add3A_222 = arith.addi %mul3A_220, %add3A_221 : i32
    %dma_start3A_223 = arith.constant 0 : i32
    %dma_start3A_224 = tpu.memref_slice %arg39[%add3A_222, %dma_start3A_223] : memref<10240x128xf32, #tpu.memory_space<vmem_shared>> -> memref<80x128xf32, #tpu.memory_space<vmem_shared>>
    %dma_start3A_225 = arith.constant 0 : i32
    %dma_start3A_226 = tpu.memref_slice %arg39[%add3A_222, %dma_start3A_225] : memref<10240x128xf32, #tpu.memory_space<vmem_shared>> -> memref<80x128xf32, #tpu.memory_space<vmem_shared>>
    tpu.enqueue_dma source(%arg33 : memref<80x128xf32, #tpu.memory_space<vmem>>) target(%dma_start3A_226 : memref<80x128xf32, #tpu.memory_space<vmem_shared>>) target_semaphore(%arg40 : memref<!tpu.dma_semaphore, #tpu.memory_space<semaphore_mem>>)
    %mul3A_227 = arith.constant 640 : i32
    %mul3A_228 = arith.muli %arg1, %mul3A_227 : i32
    %add3A_229 = arith.constant 400 : i32
    %add3A_230 = arith.addi %mul3A_228, %add3A_229 : i32
    %dma_start3A_231 = arith.constant 0 : i32
    %dma_start3A_232 = tpu.memref_slice %arg39[%add3A_230, %dma_start3A_231] : memref<10240x128xf32, #tpu.memory_space<vmem_shared>> -> memref<80x128xf32, #tpu.memory_space<vmem_shared>>
    %dma_start3A_233 = arith.constant 0 : i32
    %dma_start3A_234 = tpu.memref_slice %arg39[%add3A_230, %dma_start3A_233] : memref<10240x128xf32, #tpu.memory_space<vmem_shared>> -> memref<80x128xf32, #tpu.memory_space<vmem_shared>>
    tpu.enqueue_dma source(%arg33 : memref<80x128xf32, #tpu.memory_space<vmem>>) target(%dma_start3A_234 : memref<80x128xf32, #tpu.memory_space<vmem_shared>>) target_semaphore(%arg40 : memref<!tpu.dma_semaphore, #tpu.memory_space<semaphore_mem>>)
    %mul3A_235 = arith.constant 640 : i32
    %mul3A_236 = arith.muli %arg1, %mul3A_235 : i32
    %add3A_237 = arith.constant 480 : i32
    %add3A_238 = arith.addi %mul3A_236, %add3A_237 : i32
    %dma_start3A_239 = arith.constant 0 : i32
    %dma_start3A_240 = tpu.memref_slice %arg39[%add3A_238, %dma_start3A_239] : memref<10240x128xf32, #tpu.memory_space<vmem_shared>> -> memref<80x128xf32, #tpu.memory_space<vmem_shared>>
    %dma_start3A_241 = arith.constant 0 : i32
    %dma_start3A_242 = tpu.memref_slice %arg39[%add3A_238, %dma_start3A_241] : memref<10240x128xf32, #tpu.memory_space<vmem_shared>> -> memref<80x128xf32, #tpu.memory_space<vmem_shared>>
    tpu.enqueue_dma source(%arg33 : memref<80x128xf32, #tpu.memory_space<vmem>>) target(%dma_start3A_242 : memref<80x128xf32, #tpu.memory_space<vmem_shared>>) target_semaphore(%arg40 : memref<!tpu.dma_semaphore, #tpu.memory_space<semaphore_mem>>)
    %mul3A_243 = arith.constant 640 : i32
    %mul3A_244 = arith.muli %arg1, %mul3A_243 : i32
    %add3A_245 = arith.constant 560 : i32
    %add3A_246 = arith.addi %mul3A_244, %add3A_245 : i32
    %dma_start3A_247 = arith.constant 0 : i32
    %dma_start3A_248 = tpu.memref_slice %arg39[%add3A_246, %dma_start3A_247] : memref<10240x128xf32, #tpu.memory_space<vmem_shared>> -> memref<80x128xf32, #tpu.memory_space<vmem_shared>>
    %dma_start3A_249 = arith.constant 0 : i32
    %dma_start3A_250 = tpu.memref_slice %arg39[%add3A_246, %dma_start3A_249] : memref<10240x128xf32, #tpu.memory_space<vmem_shared>> -> memref<80x128xf32, #tpu.memory_space<vmem_shared>>
    tpu.enqueue_dma source(%arg33 : memref<80x128xf32, #tpu.memory_space<vmem>>) target(%dma_start3A_250 : memref<80x128xf32, #tpu.memory_space<vmem_shared>>) target_semaphore(%arg40 : memref<!tpu.dma_semaphore, #tpu.memory_space<semaphore_mem>>)
    %mul3A_251 = arith.constant 640 : i32
    %mul3A_252 = arith.muli %arg1, %mul3A_251 : i32
    %dma_start3A_253 = tpu.memref_slice %arg43[%mul3A_252] : memref<10240xf32, #tpu.memory_space<vmem_shared>> -> memref<640xf32, #tpu.memory_space<vmem_shared>>
    %dma_start3A_254 = tpu.memref_slice %arg43[%mul3A_252] : memref<10240xf32, #tpu.memory_space<vmem_shared>> -> memref<640xf32, #tpu.memory_space<vmem_shared>>
    tpu.enqueue_dma source(%arg42 : memref<640xf32, #tpu.memory_space<vmem>>) target(%dma_start3A_254 : memref<640xf32, #tpu.memory_space<vmem_shared>>) target_semaphore(%arg40 : memref<!tpu.dma_semaphore, #tpu.memory_space<semaphore_mem>>)
    %mul3A_255 = arith.constant 10000 : i32
    %mul3A_256 = arith.muli %add3A, %mul3A_255 : i32
    %add3A_257 = arith.constant 0 : i32
    %add3A_258 = arith.addi %mul3A_256, %add3A_257 : i32
    %multiple_of3A = tpu.assume_multiple %add3A_258, 8 : i32
    %dma_start3A_259 = tpu.memref_slice %arg3[%multiple_of3A] : memref<320000xi32, #tpu.memory_space<hbm>> -> memref<80xi32, #tpu.memory_space<hbm>>
    %dma_start3A_260 = tpu.memref_slice %arg3[%multiple_of3A] : memref<320000xi32, #tpu.memory_space<hbm>> -> memref<80xi32, #tpu.memory_space<hbm>>
    tpu.enqueue_dma source(%dma_start3A_260 : memref<80xi32, #tpu.memory_space<hbm>>) target(%arg7 : memref<80xi32, #tpu.memory_space<vmem>>) target_semaphore(%arg10 : memref<!tpu.dma_semaphore, #tpu.memory_space<semaphore_mem>>)
    %mul3A_261 = arith.constant 10000 : i32
    %mul3A_262 = arith.muli %add3A, %mul3A_261 : i32
    %add3A_263 = arith.constant 0 : i32
    %add3A_264 = arith.addi %mul3A_262, %add3A_263 : i32
    %multiple_of3A_265 = tpu.assume_multiple %add3A_264, 8 : i32
    %dma_start3A_266 = tpu.memref_slice %arg4[%multiple_of3A_265] : memref<320000xi32, #tpu.memory_space<hbm>> -> memref<80xi32, #tpu.memory_space<hbm>>
    %dma_start3A_267 = tpu.memref_slice %arg4[%multiple_of3A_265] : memref<320000xi32, #tpu.memory_space<hbm>> -> memref<80xi32, #tpu.memory_space<hbm>>
    tpu.enqueue_dma source(%dma_start3A_267 : memref<80xi32, #tpu.memory_space<hbm>>) target(%arg8 : memref<80xi32, #tpu.memory_space<vmem>>) target_semaphore(%arg11 : memref<!tpu.dma_semaphore, #tpu.memory_space<semaphore_mem>>)
    %mul3A_268 = arith.constant 10000 : i32
    %mul3A_269 = arith.muli %add3A, %mul3A_268 : i32
    %add3A_270 = arith.constant 80 : i32
    %add3A_271 = arith.addi %mul3A_269, %add3A_270 : i32
    %multiple_of3A_272 = tpu.assume_multiple %add3A_271, 8 : i32
    %dma_start3A_273 = tpu.memref_slice %arg3[%multiple_of3A_272] : memref<320000xi32, #tpu.memory_space<hbm>> -> memref<80xi32, #tpu.memory_space<hbm>>
    %dma_start3A_274 = tpu.memref_slice %arg3[%multiple_of3A_272] : memref<320000xi32, #tpu.memory_space<hbm>> -> memref<80xi32, #tpu.memory_space<hbm>>
    tpu.enqueue_dma source(%dma_start3A_274 : memref<80xi32, #tpu.memory_space<hbm>>) target(%arg15 : memref<80xi32, #tpu.memory_space<vmem>>) target_semaphore(%arg18 : memref<!tpu.dma_semaphore, #tpu.memory_space<semaphore_mem>>)
    %mul3A_275 = arith.constant 10000 : i32
    %mul3A_276 = arith.muli %add3A, %mul3A_275 : i32
    %add3A_277 = arith.constant 80 : i32
    %add3A_278 = arith.addi %mul3A_276, %add3A_277 : i32
    %multiple_of3A_279 = tpu.assume_multiple %add3A_278, 8 : i32
    %dma_start3A_280 = tpu.memref_slice %arg4[%multiple_of3A_279] : memref<320000xi32, #tpu.memory_space<hbm>> -> memref<80xi32, #tpu.memory_space<hbm>>
    %dma_start3A_281 = tpu.memref_slice %arg4[%multiple_of3A_279] : memref<320000xi32, #tpu.memory_space<hbm>> -> memref<80xi32, #tpu.memory_space<hbm>>
    tpu.enqueue_dma source(%dma_start3A_281 : memref<80xi32, #tpu.memory_space<hbm>>) target(%arg16 : memref<80xi32, #tpu.memory_space<vmem>>) target_semaphore(%arg19 : memref<!tpu.dma_semaphore, #tpu.memory_space<semaphore_mem>>)
    %mul3A_282 = arith.constant 10000 : i32
    %mul3A_283 = arith.muli %add3A, %mul3A_282 : i32
    %add3A_284 = arith.constant 160 : i32
    %add3A_285 = arith.addi %mul3A_283, %add3A_284 : i32
    %multiple_of3A_286 = tpu.assume_multiple %add3A_285, 8 : i32
    %dma_start3A_287 = tpu.memref_slice %arg3[%multiple_of3A_286] : memref<320000xi32, #tpu.memory_space<hbm>> -> memref<80xi32, #tpu.memory_space<hbm>>
    %dma_start3A_288 = tpu.memref_slice %arg3[%multiple_of3A_286] : memref<320000xi32, #tpu.memory_space<hbm>> -> memref<80xi32, #tpu.memory_space<hbm>>
    tpu.enqueue_dma source(%dma_start3A_288 : memref<80xi32, #tpu.memory_space<hbm>>) target(%arg23 : memref<80xi32, #tpu.memory_space<vmem>>) target_semaphore(%arg26 : memref<!tpu.dma_semaphore, #tpu.memory_space<semaphore_mem>>)
    %mul3A_289 = arith.constant 10000 : i32
    %mul3A_290 = arith.muli %add3A, %mul3A_289 : i32
    %add3A_291 = arith.constant 160 : i32
    %add3A_292 = arith.addi %mul3A_290, %add3A_291 : i32
    %multiple_of3A_293 = tpu.assume_multiple %add3A_292, 8 : i32
    %dma_start3A_294 = tpu.memref_slice %arg4[%multiple_of3A_293] : memref<320000xi32, #tpu.memory_space<hbm>> -> memref<80xi32, #tpu.memory_space<hbm>>
    %dma_start3A_295 = tpu.memref_slice %arg4[%multiple_of3A_293] : memref<320000xi32, #tpu.memory_space<hbm>> -> memref<80xi32, #tpu.memory_space<hbm>>
    tpu.enqueue_dma source(%dma_start3A_295 : memref<80xi32, #tpu.memory_space<hbm>>) target(%arg24 : memref<80xi32, #tpu.memory_space<vmem>>) target_semaphore(%arg27 : memref<!tpu.dma_semaphore, #tpu.memory_space<semaphore_mem>>)
    %mul3A_296 = arith.constant 10000 : i32
    %mul3A_297 = arith.muli %add3A, %mul3A_296 : i32
    %add3A_298 = arith.constant 240 : i32
    %add3A_299 = arith.addi %mul3A_297, %add3A_298 : i32
    %multiple_of3A_300 = tpu.assume_multiple %add3A_299, 8 : i32
    %dma_start3A_301 = tpu.memref_slice %arg3[%multiple_of3A_300] : memref<320000xi32, #tpu.memory_space<hbm>> -> memref<80xi32, #tpu.memory_space<hbm>>
    %dma_start3A_302 = tpu.memref_slice %arg3[%multiple_of3A_300] : memref<320000xi32, #tpu.memory_space<hbm>> -> memref<80xi32, #tpu.memory_space<hbm>>
    tpu.enqueue_dma source(%dma_start3A_302 : memref<80xi32, #tpu.memory_space<hbm>>) target(%arg31 : memref<80xi32, #tpu.memory_space<vmem>>) target_semaphore(%arg34 : memref<!tpu.dma_semaphore, #tpu.memory_space<semaphore_mem>>)
    %mul3A_303 = arith.constant 10000 : i32
    %mul3A_304 = arith.muli %add3A, %mul3A_303 : i32
    %add3A_305 = arith.constant 240 : i32
    %add3A_306 = arith.addi %mul3A_304, %add3A_305 : i32
    %multiple_of3A_307 = tpu.assume_multiple %add3A_306, 8 : i32
    %dma_start3A_308 = tpu.memref_slice %arg4[%multiple_of3A_307] : memref<320000xi32, #tpu.memory_space<hbm>> -> memref<80xi32, #tpu.memory_space<hbm>>
    %dma_start3A_309 = tpu.memref_slice %arg4[%multiple_of3A_307] : memref<320000xi32, #tpu.memory_space<hbm>> -> memref<80xi32, #tpu.memory_space<hbm>>
    tpu.enqueue_dma source(%dma_start3A_309 : memref<80xi32, #tpu.memory_space<hbm>>) target(%arg32 : memref<80xi32, #tpu.memory_space<vmem>>) target_semaphore(%arg35 : memref<!tpu.dma_semaphore, #tpu.memory_space<semaphore_mem>>)
    %mul3A_310 = arith.constant 10000 : i32
    %mul3A_311 = arith.muli %add3A, %mul3A_310 : i32
    %add3A_312 = arith.constant 0 : i32
    %add3A_313 = arith.addi %mul3A_311, %add3A_312 : i32
    %multiple_of3A_314 = tpu.assume_multiple %add3A_313, 8 : i32
    %dma_wait3A = tpu.memref_slice %arg3[%multiple_of3A_314] : memref<320000xi32, #tpu.memory_space<hbm>> -> memref<80xi32, #tpu.memory_space<hbm>>
    %dma_wait3A_315 = tpu.memref_slice %arg3[%multiple_of3A_314] : memref<320000xi32, #tpu.memory_space<hbm>> -> memref<80xi32, #tpu.memory_space<hbm>>
    tpu.wait_dma2 semaphore(%arg10 : memref<!tpu.dma_semaphore, #tpu.memory_space<semaphore_mem>>) src(%dma_wait3A_315 : memref<80xi32, #tpu.memory_space<hbm>>) dst(%arg7 : memref<80xi32, #tpu.memory_space<vmem>>)
    %dma_start3A_316 = arith.constant 0 : i32
    %dma_start3A_317 = arith.constant 0 : i32
    %dma_start3A_318 = tpu.memref_slice %arg2[%dma_start3A_316, %dma_start3A_317] : memref<10000x128xf32, #tpu.memory_space<hbm>> -> memref<10000x128xf32, #tpu.memory_space<hbm>>
    tpu.enqueue_indirect_dma source(%dma_start3A_318 : memref<10000x128xf32, #tpu.memory_space<hbm>>) target(%arg9 : memref<80x128xf32, #tpu.memory_space<vmem>>) offsets(%arg7 : memref<80xi32, #tpu.memory_space<vmem>>) semaphore(%arg12 : memref<!tpu.dma_semaphore, #tpu.memory_space<semaphore_mem>>)
    %mul3A_319 = arith.constant 10000 : i32
    %mul3A_320 = arith.muli %add3A, %mul3A_319 : i32
    %add3A_321 = arith.constant 80 : i32
    %add3A_322 = arith.addi %mul3A_320, %add3A_321 : i32
    %multiple_of3A_323 = tpu.assume_multiple %add3A_322, 8 : i32
    %dma_wait3A_324 = tpu.memref_slice %arg3[%multiple_of3A_323] : memref<320000xi32, #tpu.memory_space<hbm>> -> memref<80xi32, #tpu.memory_space<hbm>>
    %dma_wait3A_325 = tpu.memref_slice %arg3[%multiple_of3A_323] : memref<320000xi32, #tpu.memory_space<hbm>> -> memref<80xi32, #tpu.memory_space<hbm>>
    tpu.wait_dma2 semaphore(%arg18 : memref<!tpu.dma_semaphore, #tpu.memory_space<semaphore_mem>>) src(%dma_wait3A_325 : memref<80xi32, #tpu.memory_space<hbm>>) dst(%arg15 : memref<80xi32, #tpu.memory_space<vmem>>)
    %dma_start3A_326 = arith.constant 0 : i32
    %dma_start3A_327 = arith.constant 0 : i32
    %dma_start3A_328 = tpu.memref_slice %arg2[%dma_start3A_326, %dma_start3A_327] : memref<10000x128xf32, #tpu.memory_space<hbm>> -> memref<10000x128xf32, #tpu.memory_space<hbm>>
    tpu.enqueue_indirect_dma source(%dma_start3A_328 : memref<10000x128xf32, #tpu.memory_space<hbm>>) target(%arg17 : memref<80x128xf32, #tpu.memory_space<vmem>>) offsets(%arg15 : memref<80xi32, #tpu.memory_space<vmem>>) semaphore(%arg20 : memref<!tpu.dma_semaphore, #tpu.memory_space<semaphore_mem>>)
    %mul3A_329 = arith.constant 10000 : i32
    %mul3A_330 = arith.muli %add3A, %mul3A_329 : i32
    %add3A_331 = arith.constant 160 : i32
    %add3A_332 = arith.addi %mul3A_330, %add3A_331 : i32
    %multiple_of3A_333 = tpu.assume_multiple %add3A_332, 8 : i32
    %dma_wait3A_334 = tpu.memref_slice %arg3[%multiple_of3A_333] : memref<320000xi32, #tpu.memory_space<hbm>> -> memref<80xi32, #tpu.memory_space<hbm>>
    %dma_wait3A_335 = tpu.memref_slice %arg3[%multiple_of3A_333] : memref<320000xi32, #tpu.memory_space<hbm>> -> memref<80xi32, #tpu.memory_space<hbm>>
    tpu.wait_dma2 semaphore(%arg26 : memref<!tpu.dma_semaphore, #tpu.memory_space<semaphore_mem>>) src(%dma_wait3A_335 : memref<80xi32, #tpu.memory_space<hbm>>) dst(%arg23 : memref<80xi32, #tpu.memory_space<vmem>>)
    %dma_start3A_336 = arith.constant 0 : i32
    %dma_start3A_337 = arith.constant 0 : i32
    %dma_start3A_338 = tpu.memref_slice %arg2[%dma_start3A_336, %dma_start3A_337] : memref<10000x128xf32, #tpu.memory_space<hbm>> -> memref<10000x128xf32, #tpu.memory_space<hbm>>
    tpu.enqueue_indirect_dma source(%dma_start3A_338 : memref<10000x128xf32, #tpu.memory_space<hbm>>) target(%arg25 : memref<80x128xf32, #tpu.memory_space<vmem>>) offsets(%arg23 : memref<80xi32, #tpu.memory_space<vmem>>) semaphore(%arg28 : memref<!tpu.dma_semaphore, #tpu.memory_space<semaphore_mem>>)
    %mul3A_339 = arith.constant 640 : i32
    %mul3A_340 = arith.muli %arg1, %mul3A_339 : i32
    %add3A_341 = arith.constant 0 : i32
    %add3A_342 = arith.addi %mul3A_340, %add3A_341 : i32
    %dma_wait3A_343 = arith.constant 0 : i32
    %dma_wait3A_344 = tpu.memref_slice %arg39[%add3A_342, %dma_wait3A_343] : memref<10240x128xf32, #tpu.memory_space<vmem_shared>> -> memref<80x128xf32, #tpu.memory_space<vmem_shared>>
    %dma_wait3A_345 = arith.constant 0 : i32
    %dma_wait3A_346 = tpu.memref_slice %arg39[%add3A_342, %dma_wait3A_345] : memref<10240x128xf32, #tpu.memory_space<vmem_shared>> -> memref<80x128xf32, #tpu.memory_space<vmem_shared>>
    tpu.wait_dma2 semaphore(%arg40 : memref<!tpu.dma_semaphore, #tpu.memory_space<semaphore_mem>>) src(%arg33 : memref<80x128xf32, #tpu.memory_space<vmem>>) dst(%dma_wait3A_346 : memref<80x128xf32, #tpu.memory_space<vmem_shared>>)
    %mul3A_347 = arith.constant 640 : i32
    %mul3A_348 = arith.muli %arg1, %mul3A_347 : i32
    %add3A_349 = arith.constant 80 : i32
    %add3A_350 = arith.addi %mul3A_348, %add3A_349 : i32
    %dma_wait3A_351 = arith.constant 0 : i32
    %dma_wait3A_352 = tpu.memref_slice %arg39[%add3A_350, %dma_wait3A_351] : memref<10240x128xf32, #tpu.memory_space<vmem_shared>> -> memref<80x128xf32, #tpu.memory_space<vmem_shared>>
    %dma_wait3A_353 = arith.constant 0 : i32
    %dma_wait3A_354 = tpu.memref_slice %arg39[%add3A_350, %dma_wait3A_353] : memref<10240x128xf32, #tpu.memory_space<vmem_shared>> -> memref<80x128xf32, #tpu.memory_space<vmem_shared>>
    tpu.wait_dma2 semaphore(%arg40 : memref<!tpu.dma_semaphore, #tpu.memory_space<semaphore_mem>>) src(%arg33 : memref<80x128xf32, #tpu.memory_space<vmem>>) dst(%dma_wait3A_354 : memref<80x128xf32, #tpu.memory_space<vmem_shared>>)
    %mul3A_355 = arith.constant 640 : i32
    %mul3A_356 = arith.muli %arg1, %mul3A_355 : i32
    %add3A_357 = arith.constant 160 : i32
    %add3A_358 = arith.addi %mul3A_356, %add3A_357 : i32
    %dma_wait3A_359 = arith.constant 0 : i32
    %dma_wait3A_360 = tpu.memref_slice %arg39[%add3A_358, %dma_wait3A_359] : memref<10240x128xf32, #tpu.memory_space<vmem_shared>> -> memref<80x128xf32, #tpu.memory_space<vmem_shared>>
    %dma_wait3A_361 = arith.constant 0 : i32
    %dma_wait3A_362 = tpu.memref_slice %arg39[%add3A_358, %dma_wait3A_361] : memref<10240x128xf32, #tpu.memory_space<vmem_shared>> -> memref<80x128xf32, #tpu.memory_space<vmem_shared>>
    tpu.wait_dma2 semaphore(%arg40 : memref<!tpu.dma_semaphore, #tpu.memory_space<semaphore_mem>>) src(%arg33 : memref<80x128xf32, #tpu.memory_space<vmem>>) dst(%dma_wait3A_362 : memref<80x128xf32, #tpu.memory_space<vmem_shared>>)
    %mul3A_363 = arith.constant 640 : i32
    %mul3A_364 = arith.muli %arg1, %mul3A_363 : i32
    %add3A_365 = arith.constant 240 : i32
    %add3A_366 = arith.addi %mul3A_364, %add3A_365 : i32
    %dma_wait3A_367 = arith.constant 0 : i32
    %dma_wait3A_368 = tpu.memref_slice %arg39[%add3A_366, %dma_wait3A_367] : memref<10240x128xf32, #tpu.memory_space<vmem_shared>> -> memref<80x128xf32, #tpu.memory_space<vmem_shared>>
    %dma_wait3A_369 = arith.constant 0 : i32
    %dma_wait3A_370 = tpu.memref_slice %arg39[%add3A_366, %dma_wait3A_369] : memref<10240x128xf32, #tpu.memory_space<vmem_shared>> -> memref<80x128xf32, #tpu.memory_space<vmem_shared>>
    tpu.wait_dma2 semaphore(%arg40 : memref<!tpu.dma_semaphore, #tpu.memory_space<semaphore_mem>>) src(%arg33 : memref<80x128xf32, #tpu.memory_space<vmem>>) dst(%dma_wait3A_370 : memref<80x128xf32, #tpu.memory_space<vmem_shared>>)
    %mul3A_371 = arith.constant 640 : i32
    %mul3A_372 = arith.muli %arg1, %mul3A_371 : i32
    %add3A_373 = arith.constant 320 : i32
    %add3A_374 = arith.addi %mul3A_372, %add3A_373 : i32
    %dma_wait3A_375 = arith.constant 0 : i32
    %dma_wait3A_376 = tpu.memref_slice %arg39[%add3A_374, %dma_wait3A_375] : memref<10240x128xf32, #tpu.memory_space<vmem_shared>> -> memref<80x128xf32, #tpu.memory_space<vmem_shared>>
    %dma_wait3A_377 = arith.constant 0 : i32
    %dma_wait3A_378 = tpu.memref_slice %arg39[%add3A_374, %dma_wait3A_377] : memref<10240x128xf32, #tpu.memory_space<vmem_shared>> -> memref<80x128xf32, #tpu.memory_space<vmem_shared>>
    tpu.wait_dma2 semaphore(%arg40 : memref<!tpu.dma_semaphore, #tpu.memory_space<semaphore_mem>>) src(%arg33 : memref<80x128xf32, #tpu.memory_space<vmem>>) dst(%dma_wait3A_378 : memref<80x128xf32, #tpu.memory_space<vmem_shared>>)
    %mul3A_379 = arith.constant 640 : i32
    %mul3A_380 = arith.muli %arg1, %mul3A_379 : i32
    %add3A_381 = arith.constant 400 : i32
    %add3A_382 = arith.addi %mul3A_380, %add3A_381 : i32
    %dma_wait3A_383 = arith.constant 0 : i32
    %dma_wait3A_384 = tpu.memref_slice %arg39[%add3A_382, %dma_wait3A_383] : memref<10240x128xf32, #tpu.memory_space<vmem_shared>> -> memref<80x128xf32, #tpu.memory_space<vmem_shared>>
    %dma_wait3A_385 = arith.constant 0 : i32
    %dma_wait3A_386 = tpu.memref_slice %arg39[%add3A_382, %dma_wait3A_385] : memref<10240x128xf32, #tpu.memory_space<vmem_shared>> -> memref<80x128xf32, #tpu.memory_space<vmem_shared>>
    tpu.wait_dma2 semaphore(%arg40 : memref<!tpu.dma_semaphore, #tpu.memory_space<semaphore_mem>>) src(%arg33 : memref<80x128xf32, #tpu.memory_space<vmem>>) dst(%dma_wait3A_386 : memref<80x128xf32, #tpu.memory_space<vmem_shared>>)
    %mul3A_387 = arith.constant 640 : i32
    %mul3A_388 = arith.muli %arg1, %mul3A_387 : i32
    %add3A_389 = arith.constant 480 : i32
    %add3A_390 = arith.addi %mul3A_388, %add3A_389 : i32
    %dma_wait3A_391 = arith.constant 0 : i32
    %dma_wait3A_392 = tpu.memref_slice %arg39[%add3A_390, %dma_wait3A_391] : memref<10240x128xf32, #tpu.memory_space<vmem_shared>> -> memref<80x128xf32, #tpu.memory_space<vmem_shared>>
    %dma_wait3A_393 = arith.constant 0 : i32
    %dma_wait3A_394 = tpu.memref_slice %arg39[%add3A_390, %dma_wait3A_393] : memref<10240x128xf32, #tpu.memory_space<vmem_shared>> -> memref<80x128xf32, #tpu.memory_space<vmem_shared>>
    tpu.wait_dma2 semaphore(%arg40 : memref<!tpu.dma_semaphore, #tpu.memory_space<semaphore_mem>>) src(%arg33 : memref<80x128xf32, #tpu.memory_space<vmem>>) dst(%dma_wait3A_394 : memref<80x128xf32, #tpu.memory_space<vmem_shared>>)
    %mul3A_395 = arith.constant 640 : i32
    %mul3A_396 = arith.muli %arg1, %mul3A_395 : i32
    %add3A_397 = arith.constant 560 : i32
    %add3A_398 = arith.addi %mul3A_396, %add3A_397 : i32
    %dma_wait3A_399 = arith.constant 0 : i32
    %dma_wait3A_400 = tpu.memref_slice %arg39[%add3A_398, %dma_wait3A_399] : memref<10240x128xf32, #tpu.memory_space<vmem_shared>> -> memref<80x128xf32, #tpu.memory_space<vmem_shared>>
    %dma_wait3A_401 = arith.constant 0 : i32
    %dma_wait3A_402 = tpu.memref_slice %arg39[%add3A_398, %dma_wait3A_401] : memref<10240x128xf32, #tpu.memory_space<vmem_shared>> -> memref<80x128xf32, #tpu.memory_space<vmem_shared>>
    tpu.wait_dma2 semaphore(%arg40 : memref<!tpu.dma_semaphore, #tpu.memory_space<semaphore_mem>>) src(%arg33 : memref<80x128xf32, #tpu.memory_space<vmem>>) dst(%dma_wait3A_402 : memref<80x128xf32, #tpu.memory_space<vmem_shared>>)
    %mul3A_403 = arith.constant 640 : i32
    %mul3A_404 = arith.muli %arg1, %mul3A_403 : i32
    %dma_wait3A_405 = tpu.memref_slice %arg43[%mul3A_404] : memref<10240xf32, #tpu.memory_space<vmem_shared>> -> memref<640xf32, #tpu.memory_space<vmem_shared>>
    %dma_wait3A_406 = tpu.memref_slice %arg43[%mul3A_404] : memref<10240xf32, #tpu.memory_space<vmem_shared>> -> memref<640xf32, #tpu.memory_space<vmem_shared>>
    tpu.wait_dma2 semaphore(%arg40 : memref<!tpu.dma_semaphore, #tpu.memory_space<semaphore_mem>>) src(%arg42 : memref<640xf32, #tpu.memory_space<vmem>>) dst(%dma_wait3A_406 : memref<640xf32, #tpu.memory_space<vmem_shared>>)
    %barrier3A = arith.constant 0 : index
    tpu.barrier barrier_id(%barrier3A)
    %mul3A_407 = arith.constant 10000 : i32
    %mul3A_408 = arith.muli %add3A, %mul3A_407 : i32
    %add3A_409 = arith.constant 0 : i32
    %add3A_410 = arith.addi %mul3A_408, %add3A_409 : i32
    %multiple_of3A_411 = tpu.assume_multiple %add3A_410, 8 : i32
    %dma_wait3A_412 = tpu.memref_slice %arg4[%multiple_of3A_411] : memref<320000xi32, #tpu.memory_space<hbm>> -> memref<80xi32, #tpu.memory_space<hbm>>
    %dma_wait3A_413 = tpu.memref_slice %arg4[%multiple_of3A_411] : memref<320000xi32, #tpu.memory_space<hbm>> -> memref<80xi32, #tpu.memory_space<hbm>>
    tpu.wait_dma2 semaphore(%arg11 : memref<!tpu.dma_semaphore, #tpu.memory_space<semaphore_mem>>) src(%dma_wait3A_413 : memref<80xi32, #tpu.memory_space<hbm>>) dst(%arg8 : memref<80xi32, #tpu.memory_space<vmem>>)
    %dma_wait3A_414 = arith.constant 0 : i32
    %dma_wait3A_415 = arith.constant 0 : i32
    %dma_wait3A_416 = tpu.memref_slice %arg2[%dma_wait3A_414, %dma_wait3A_415] : memref<10000x128xf32, #tpu.memory_space<hbm>> -> memref<10000x128xf32, #tpu.memory_space<hbm>>
    tpu.wait_indirect_dma semaphore(%arg12 : memref<!tpu.dma_semaphore, #tpu.memory_space<semaphore_mem>>) src(%dma_wait3A_416 : memref<10000x128xf32, #tpu.memory_space<hbm>>) dst(%arg9 : memref<80x128xf32, #tpu.memory_space<vmem>>)
    %dma_start3A_417 = arith.constant 0 : i32
    %dma_start3A_418 = arith.constant 0 : i32
    %dma_start3A_419 = tpu.memref_slice %arg39[%dma_start3A_417, %dma_start3A_418] : memref<10240x128xf32, #tpu.memory_space<vmem_shared>> -> memref<10240x128xf32, #tpu.memory_space<vmem_shared>>
    tpu.enqueue_indirect_dma source(%arg9 : memref<80x128xf32, #tpu.memory_space<vmem>>) target(%dma_start3A_419 : memref<10240x128xf32, #tpu.memory_space<vmem_shared>>) offsets(%arg8 : memref<80xi32, #tpu.memory_space<vmem>>) semaphore(%arg13 : memref<!tpu.dma_semaphore, #tpu.memory_space<semaphore_mem>>) {add = true}
    %dma_start3A_420 = arith.constant 0 : i32
    %dma_start3A_421 = tpu.memref_slice %arg43[%dma_start3A_420] : memref<10240xf32, #tpu.memory_space<vmem_shared>> -> memref<10240xf32, #tpu.memory_space<vmem_shared>>
    tpu.enqueue_indirect_dma source(%arg41 : memref<80xf32, #tpu.memory_space<vmem>>) target(%dma_start3A_421 : memref<10240xf32, #tpu.memory_space<vmem_shared>>) offsets(%arg8 : memref<80xi32, #tpu.memory_space<vmem>>) semaphore(%arg14 : memref<!tpu.dma_semaphore, #tpu.memory_space<semaphore_mem>>) {add = true}
    %mul3A_422 = arith.constant 10000 : i32
    %mul3A_423 = arith.muli %add3A, %mul3A_422 : i32
    %add3A_424 = arith.constant 80 : i32
    %add3A_425 = arith.addi %mul3A_423, %add3A_424 : i32
    %multiple_of3A_426 = tpu.assume_multiple %add3A_425, 8 : i32
    %dma_wait3A_427 = tpu.memref_slice %arg4[%multiple_of3A_426] : memref<320000xi32, #tpu.memory_space<hbm>> -> memref<80xi32, #tpu.memory_space<hbm>>
    %dma_wait3A_428 = tpu.memref_slice %arg4[%multiple_of3A_426] : memref<320000xi32, #tpu.memory_space<hbm>> -> memref<80xi32, #tpu.memory_space<hbm>>
    tpu.wait_dma2 semaphore(%arg19 : memref<!tpu.dma_semaphore, #tpu.memory_space<semaphore_mem>>) src(%dma_wait3A_428 : memref<80xi32, #tpu.memory_space<hbm>>) dst(%arg16 : memref<80xi32, #tpu.memory_space<vmem>>)
    %dma_wait3A_429 = arith.constant 0 : i32
    %dma_wait3A_430 = arith.constant 0 : i32
    %dma_wait3A_431 = tpu.memref_slice %arg2[%dma_wait3A_429, %dma_wait3A_430] : memref<10000x128xf32, #tpu.memory_space<hbm>> -> memref<10000x128xf32, #tpu.memory_space<hbm>>
    tpu.wait_indirect_dma semaphore(%arg20 : memref<!tpu.dma_semaphore, #tpu.memory_space<semaphore_mem>>) src(%dma_wait3A_431 : memref<10000x128xf32, #tpu.memory_space<hbm>>) dst(%arg17 : memref<80x128xf32, #tpu.memory_space<vmem>>)
    %dma_start3A_432 = arith.constant 0 : i32
    %dma_start3A_433 = arith.constant 0 : i32
    %dma_start3A_434 = tpu.memref_slice %arg39[%dma_start3A_432, %dma_start3A_433] : memref<10240x128xf32, #tpu.memory_space<vmem_shared>> -> memref<10240x128xf32, #tpu.memory_space<vmem_shared>>
    tpu.enqueue_indirect_dma source(%arg17 : memref<80x128xf32, #tpu.memory_space<vmem>>) target(%dma_start3A_434 : memref<10240x128xf32, #tpu.memory_space<vmem_shared>>) offsets(%arg16 : memref<80xi32, #tpu.memory_space<vmem>>) semaphore(%arg21 : memref<!tpu.dma_semaphore, #tpu.memory_space<semaphore_mem>>) {add = true}
    %dma_start3A_435 = arith.constant 0 : i32
    %dma_start3A_436 = tpu.memref_slice %arg43[%dma_start3A_435] : memref<10240xf32, #tpu.memory_space<vmem_shared>> -> memref<10240xf32, #tpu.memory_space<vmem_shared>>
    tpu.enqueue_indirect_dma source(%arg41 : memref<80xf32, #tpu.memory_space<vmem>>) target(%dma_start3A_436 : memref<10240xf32, #tpu.memory_space<vmem_shared>>) offsets(%arg16 : memref<80xi32, #tpu.memory_space<vmem>>) semaphore(%arg22 : memref<!tpu.dma_semaphore, #tpu.memory_space<semaphore_mem>>) {add = true}
    %scan3A_437 = arith.constant 0 : i32
    %scan3A_438 = arith.constant 30 : i32
    %scan3A_439 = arith.addi %scan3A_437, %scan3A_438 : i32
    %scan3A_440 = arith.constant 1 : i32
    scf.for %scan3A_558 = %scan3A_437 to %scan3A_439 step %scan3A_440  : i32 {
      %mul3A_559 = arith.constant 1 : i32
      %mul3A_560 = arith.muli %scan3A_558, %mul3A_559 : i32
      %add3A_561 = arith.constant 0 : i32
      %add3A_562 = arith.addi %add3A_561, %mul3A_560 : i32
      %mul3A_563 = arith.constant 4 : i32
      %mul3A_564 = arith.muli %add3A_562, %mul3A_563 : i32
      %add3A_565 = arith.constant 4 : i32
      %add3A_566 = arith.addi %mul3A_564, %add3A_565 : i32
      %add3A_567 = arith.constant 0 : i32
      %add3A_568 = arith.addi %add3A_566, %add3A_567 : i32
      %dma_wait3A_569 = arith.constant 0 : i32
      %dma_wait3A_570 = arith.constant 0 : i32
      %dma_wait3A_571 = tpu.memref_slice %arg39[%dma_wait3A_569, %dma_wait3A_570] : memref<10240x128xf32, #tpu.memory_space<vmem_shared>> -> memref<10240x128xf32, #tpu.memory_space<vmem_shared>>
      tpu.wait_indirect_dma semaphore(%arg13 : memref<!tpu.dma_semaphore, #tpu.memory_space<semaphore_mem>>) src(%arg9 : memref<80x128xf32, #tpu.memory_space<vmem>>) dst(%dma_wait3A_571 : memref<10240x128xf32, #tpu.memory_space<vmem_shared>>)
      %dma_wait3A_572 = arith.constant 0 : i32
      %dma_wait3A_573 = tpu.memref_slice %arg43[%dma_wait3A_572] : memref<10240xf32, #tpu.memory_space<vmem_shared>> -> memref<10240xf32, #tpu.memory_space<vmem_shared>>
      tpu.wait_indirect_dma semaphore(%arg14 : memref<!tpu.dma_semaphore, #tpu.memory_space<semaphore_mem>>) src(%arg41 : memref<80xf32, #tpu.memory_space<vmem>>) dst(%dma_wait3A_573 : memref<10240xf32, #tpu.memory_space<vmem_shared>>)
      %mul3A_574 = arith.constant 10000 : i32
      %mul3A_575 = arith.muli %add3A, %mul3A_574 : i32
      %mul3A_576 = arith.constant 80 : i32
      %mul3A_577 = arith.muli %add3A_568, %mul3A_576 : i32
      %add3A_578 = arith.addi %mul3A_575, %mul3A_577 : i32
      %multiple_of3A_579 = tpu.assume_multiple %add3A_578, 8 : i32
      %dma_start3A_580 = tpu.memref_slice %arg3[%multiple_of3A_579] : memref<320000xi32, #tpu.memory_space<hbm>> -> memref<80xi32, #tpu.memory_space<hbm>>
      %dma_start3A_581 = tpu.memref_slice %arg3[%multiple_of3A_579] : memref<320000xi32, #tpu.memory_space<hbm>> -> memref<80xi32, #tpu.memory_space<hbm>>
      tpu.enqueue_dma source(%dma_start3A_581 : memref<80xi32, #tpu.memory_space<hbm>>) target(%arg7 : memref<80xi32, #tpu.memory_space<vmem>>) target_semaphore(%arg10 : memref<!tpu.dma_semaphore, #tpu.memory_space<semaphore_mem>>)
      %mul3A_582 = arith.constant 10000 : i32
      %mul3A_583 = arith.muli %add3A, %mul3A_582 : i32
      %mul3A_584 = arith.constant 80 : i32
      %mul3A_585 = arith.muli %add3A_568, %mul3A_584 : i32
      %add3A_586 = arith.addi %mul3A_583, %mul3A_585 : i32
      %multiple_of3A_587 = tpu.assume_multiple %add3A_586, 8 : i32
      %dma_start3A_588 = tpu.memref_slice %arg4[%multiple_of3A_587] : memref<320000xi32, #tpu.memory_space<hbm>> -> memref<80xi32, #tpu.memory_space<hbm>>
      %dma_start3A_589 = tpu.memref_slice %arg4[%multiple_of3A_587] : memref<320000xi32, #tpu.memory_space<hbm>> -> memref<80xi32, #tpu.memory_space<hbm>>
      tpu.enqueue_dma source(%dma_start3A_589 : memref<80xi32, #tpu.memory_space<hbm>>) target(%arg8 : memref<80xi32, #tpu.memory_space<vmem>>) target_semaphore(%arg11 : memref<!tpu.dma_semaphore, #tpu.memory_space<semaphore_mem>>)
      %sub3A = arith.constant 1 : i32
      %sub3A_590 = arith.subi %add3A_568, %sub3A : i32
      %mul3A_591 = arith.constant 10000 : i32
      %mul3A_592 = arith.muli %add3A, %mul3A_591 : i32
      %mul3A_593 = arith.constant 80 : i32
      %mul3A_594 = arith.muli %sub3A_590, %mul3A_593 : i32
      %add3A_595 = arith.addi %mul3A_592, %mul3A_594 : i32
      %multiple_of3A_596 = tpu.assume_multiple %add3A_595, 8 : i32
      %dma_wait3A_597 = tpu.memref_slice %arg3[%multiple_of3A_596] : memref<320000xi32, #tpu.memory_space<hbm>> -> memref<80xi32, #tpu.memory_space<hbm>>
      %dma_wait3A_598 = tpu.memref_slice %arg3[%multiple_of3A_596] : memref<320000xi32, #tpu.memory_space<hbm>> -> memref<80xi32, #tpu.memory_space<hbm>>
      tpu.wait_dma2 semaphore(%arg34 : memref<!tpu.dma_semaphore, #tpu.memory_space<semaphore_mem>>) src(%dma_wait3A_598 : memref<80xi32, #tpu.memory_space<hbm>>) dst(%arg31 : memref<80xi32, #tpu.memory_space<vmem>>)
      %dma_start3A_599 = arith.constant 0 : i32
      %dma_start3A_600 = arith.constant 0 : i32
      %dma_start3A_601 = tpu.memref_slice %arg2[%dma_start3A_599, %dma_start3A_600] : memref<10000x128xf32, #tpu.memory_space<hbm>> -> memref<10000x128xf32, #tpu.memory_space<hbm>>
      tpu.enqueue_indirect_dma source(%dma_start3A_601 : memref<10000x128xf32, #tpu.memory_space<hbm>>) target(%arg33 : memref<80x128xf32, #tpu.memory_space<vmem>>) offsets(%arg31 : memref<80xi32, #tpu.memory_space<vmem>>) semaphore(%arg36 : memref<!tpu.dma_semaphore, #tpu.memory_space<semaphore_mem>>)
      %sub3A_602 = arith.constant 2 : i32
      %sub3A_603 = arith.subi %add3A_568, %sub3A_602 : i32
      %mul3A_604 = arith.constant 10000 : i32
      %mul3A_605 = arith.muli %add3A, %mul3A_604 : i32
      %mul3A_606 = arith.constant 80 : i32
      %mul3A_607 = arith.muli %sub3A_603, %mul3A_606 : i32
      %add3A_608 = arith.addi %mul3A_605, %mul3A_607 : i32
      %multiple_of3A_609 = tpu.assume_multiple %add3A_608, 8 : i32
      %dma_wait3A_610 = tpu.memref_slice %arg4[%multiple_of3A_609] : memref<320000xi32, #tpu.memory_space<hbm>> -> memref<80xi32, #tpu.memory_space<hbm>>
      %dma_wait3A_611 = tpu.memref_slice %arg4[%multiple_of3A_609] : memref<320000xi32, #tpu.memory_space<hbm>> -> memref<80xi32, #tpu.memory_space<hbm>>
      tpu.wait_dma2 semaphore(%arg27 : memref<!tpu.dma_semaphore, #tpu.memory_space<semaphore_mem>>) src(%dma_wait3A_611 : memref<80xi32, #tpu.memory_space<hbm>>) dst(%arg24 : memref<80xi32, #tpu.memory_space<vmem>>)
      %dma_wait3A_612 = arith.constant 0 : i32
      %dma_wait3A_613 = arith.constant 0 : i32
      %dma_wait3A_614 = tpu.memref_slice %arg2[%dma_wait3A_612, %dma_wait3A_613] : memref<10000x128xf32, #tpu.memory_space<hbm>> -> memref<10000x128xf32, #tpu.memory_space<hbm>>
      tpu.wait_indirect_dma semaphore(%arg28 : memref<!tpu.dma_semaphore, #tpu.memory_space<semaphore_mem>>) src(%dma_wait3A_614 : memref<10000x128xf32, #tpu.memory_space<hbm>>) dst(%arg25 : memref<80x128xf32, #tpu.memory_space<vmem>>)
      %dma_start3A_615 = arith.constant 0 : i32
      %dma_start3A_616 = arith.constant 0 : i32
      %dma_start3A_617 = tpu.memref_slice %arg39[%dma_start3A_615, %dma_start3A_616] : memref<10240x128xf32, #tpu.memory_space<vmem_shared>> -> memref<10240x128xf32, #tpu.memory_space<vmem_shared>>
      tpu.enqueue_indirect_dma source(%arg25 : memref<80x128xf32, #tpu.memory_space<vmem>>) target(%dma_start3A_617 : memref<10240x128xf32, #tpu.memory_space<vmem_shared>>) offsets(%arg24 : memref<80xi32, #tpu.memory_space<vmem>>) semaphore(%arg29 : memref<!tpu.dma_semaphore, #tpu.memory_space<semaphore_mem>>) {add = true}
      %dma_start3A_618 = arith.constant 0 : i32
      %dma_start3A_619 = tpu.memref_slice %arg43[%dma_start3A_618] : memref<10240xf32, #tpu.memory_space<vmem_shared>> -> memref<10240xf32, #tpu.memory_space<vmem_shared>>
      tpu.enqueue_indirect_dma source(%arg41 : memref<80xf32, #tpu.memory_space<vmem>>) target(%dma_start3A_619 : memref<10240xf32, #tpu.memory_space<vmem_shared>>) offsets(%arg24 : memref<80xi32, #tpu.memory_space<vmem>>) semaphore(%arg30 : memref<!tpu.dma_semaphore, #tpu.memory_space<semaphore_mem>>) {add = true}
      %add3A_620 = arith.constant 1 : i32
      %add3A_621 = arith.addi %add3A_566, %add3A_620 : i32
      %dma_wait3A_622 = arith.constant 0 : i32
      %dma_wait3A_623 = arith.constant 0 : i32
      %dma_wait3A_624 = tpu.memref_slice %arg39[%dma_wait3A_622, %dma_wait3A_623] : memref<10240x128xf32, #tpu.memory_space<vmem_shared>> -> memref<10240x128xf32, #tpu.memory_space<vmem_shared>>
      tpu.wait_indirect_dma semaphore(%arg21 : memref<!tpu.dma_semaphore, #tpu.memory_space<semaphore_mem>>) src(%arg17 : memref<80x128xf32, #tpu.memory_space<vmem>>) dst(%dma_wait3A_624 : memref<10240x128xf32, #tpu.memory_space<vmem_shared>>)
      %dma_wait3A_625 = arith.constant 0 : i32
      %dma_wait3A_626 = tpu.memref_slice %arg43[%dma_wait3A_625] : memref<10240xf32, #tpu.memory_space<vmem_shared>> -> memref<10240xf32, #tpu.memory_space<vmem_shared>>
      tpu.wait_indirect_dma semaphore(%arg22 : memref<!tpu.dma_semaphore, #tpu.memory_space<semaphore_mem>>) src(%arg41 : memref<80xf32, #tpu.memory_space<vmem>>) dst(%dma_wait3A_626 : memref<10240xf32, #tpu.memory_space<vmem_shared>>)
      %mul3A_627 = arith.constant 10000 : i32
      %mul3A_628 = arith.muli %add3A, %mul3A_627 : i32
      %mul3A_629 = arith.constant 80 : i32
      %mul3A_630 = arith.muli %add3A_621, %mul3A_629 : i32
      %add3A_631 = arith.addi %mul3A_628, %mul3A_630 : i32
      %multiple_of3A_632 = tpu.assume_multiple %add3A_631, 8 : i32
      %dma_start3A_633 = tpu.memref_slice %arg3[%multiple_of3A_632] : memref<320000xi32, #tpu.memory_space<hbm>> -> memref<80xi32, #tpu.memory_space<hbm>>
      %dma_start3A_634 = tpu.memref_slice %arg3[%multiple_of3A_632] : memref<320000xi32, #tpu.memory_space<hbm>> -> memref<80xi32, #tpu.memory_space<hbm>>
      tpu.enqueue_dma source(%dma_start3A_634 : memref<80xi32, #tpu.memory_space<hbm>>) target(%arg15 : memref<80xi32, #tpu.memory_space<vmem>>) target_semaphore(%arg18 : memref<!tpu.dma_semaphore, #tpu.memory_space<semaphore_mem>>)
      %mul3A_635 = arith.constant 10000 : i32
      %mul3A_636 = arith.muli %add3A, %mul3A_635 : i32
      %mul3A_637 = arith.constant 80 : i32
      %mul3A_638 = arith.muli %add3A_621, %mul3A_637 : i32
      %add3A_639 = arith.addi %mul3A_636, %mul3A_638 : i32
      %multiple_of3A_640 = tpu.assume_multiple %add3A_639, 8 : i32
      %dma_start3A_641 = tpu.memref_slice %arg4[%multiple_of3A_640] : memref<320000xi32, #tpu.memory_space<hbm>> -> memref<80xi32, #tpu.memory_space<hbm>>
      %dma_start3A_642 = tpu.memref_slice %arg4[%multiple_of3A_640] : memref<320000xi32, #tpu.memory_space<hbm>> -> memref<80xi32, #tpu.memory_space<hbm>>
      tpu.enqueue_dma source(%dma_start3A_642 : memref<80xi32, #tpu.memory_space<hbm>>) target(%arg16 : memref<80xi32, #tpu.memory_space<vmem>>) target_semaphore(%arg19 : memref<!tpu.dma_semaphore, #tpu.memory_space<semaphore_mem>>)
      %sub3A_643 = arith.constant 1 : i32
      %sub3A_644 = arith.subi %add3A_621, %sub3A_643 : i32
      %mul3A_645 = arith.constant 10000 : i32
      %mul3A_646 = arith.muli %add3A, %mul3A_645 : i32
      %mul3A_647 = arith.constant 80 : i32
      %mul3A_648 = arith.muli %sub3A_644, %mul3A_647 : i32
      %add3A_649 = arith.addi %mul3A_646, %mul3A_648 : i32
      %multiple_of3A_650 = tpu.assume_multiple %add3A_649, 8 : i32
      %dma_wait3A_651 = tpu.memref_slice %arg3[%multiple_of3A_650] : memref<320000xi32, #tpu.memory_space<hbm>> -> memref<80xi32, #tpu.memory_space<hbm>>
      %dma_wait3A_652 = tpu.memref_slice %arg3[%multiple_of3A_650] : memref<320000xi32, #tpu.memory_space<hbm>> -> memref<80xi32, #tpu.memory_space<hbm>>
      tpu.wait_dma2 semaphore(%arg10 : memref<!tpu.dma_semaphore, #tpu.memory_space<semaphore_mem>>) src(%dma_wait3A_652 : memref<80xi32, #tpu.memory_space<hbm>>) dst(%arg7 : memref<80xi32, #tpu.memory_space<vmem>>)
      %dma_start3A_653 = arith.constant 0 : i32
      %dma_start3A_654 = arith.constant 0 : i32
      %dma_start3A_655 = tpu.memref_slice %arg2[%dma_start3A_653, %dma_start3A_654] : memref<10000x128xf32, #tpu.memory_space<hbm>> -> memref<10000x128xf32, #tpu.memory_space<hbm>>
      tpu.enqueue_indirect_dma source(%dma_start3A_655 : memref<10000x128xf32, #tpu.memory_space<hbm>>) target(%arg9 : memref<80x128xf32, #tpu.memory_space<vmem>>) offsets(%arg7 : memref<80xi32, #tpu.memory_space<vmem>>) semaphore(%arg12 : memref<!tpu.dma_semaphore, #tpu.memory_space<semaphore_mem>>)
      %sub3A_656 = arith.constant 2 : i32
      %sub3A_657 = arith.subi %add3A_621, %sub3A_656 : i32
      %mul3A_658 = arith.constant 10000 : i32
      %mul3A_659 = arith.muli %add3A, %mul3A_658 : i32
      %mul3A_660 = arith.constant 80 : i32
      %mul3A_661 = arith.muli %sub3A_657, %mul3A_660 : i32
      %add3A_662 = arith.addi %mul3A_659, %mul3A_661 : i32
      %multiple_of3A_663 = tpu.assume_multiple %add3A_662, 8 : i32
      %dma_wait3A_664 = tpu.memref_slice %arg4[%multiple_of3A_663] : memref<320000xi32, #tpu.memory_space<hbm>> -> memref<80xi32, #tpu.memory_space<hbm>>
      %dma_wait3A_665 = tpu.memref_slice %arg4[%multiple_of3A_663] : memref<320000xi32, #tpu.memory_space<hbm>> -> memref<80xi32, #tpu.memory_space<hbm>>
      tpu.wait_dma2 semaphore(%arg35 : memref<!tpu.dma_semaphore, #tpu.memory_space<semaphore_mem>>) src(%dma_wait3A_665 : memref<80xi32, #tpu.memory_space<hbm>>) dst(%arg32 : memref<80xi32, #tpu.memory_space<vmem>>)
      %dma_wait3A_666 = arith.constant 0 : i32
      %dma_wait3A_667 = arith.constant 0 : i32
      %dma_wait3A_668 = tpu.memref_slice %arg2[%dma_wait3A_666, %dma_wait3A_667] : memref<10000x128xf32, #tpu.memory_space<hbm>> -> memref<10000x128xf32, #tpu.memory_space<hbm>>
      tpu.wait_indirect_dma semaphore(%arg36 : memref<!tpu.dma_semaphore, #tpu.memory_space<semaphore_mem>>) src(%dma_wait3A_668 : memref<10000x128xf32, #tpu.memory_space<hbm>>) dst(%arg33 : memref<80x128xf32, #tpu.memory_space<vmem>>)
      %dma_start3A_669 = arith.constant 0 : i32
      %dma_start3A_670 = arith.constant 0 : i32
      %dma_start3A_671 = tpu.memref_slice %arg39[%dma_start3A_669, %dma_start3A_670] : memref<10240x128xf32, #tpu.memory_space<vmem_shared>> -> memref<10240x128xf32, #tpu.memory_space<vmem_shared>>
      tpu.enqueue_indirect_dma source(%arg33 : memref<80x128xf32, #tpu.memory_space<vmem>>) target(%dma_start3A_671 : memref<10240x128xf32, #tpu.memory_space<vmem_shared>>) offsets(%arg32 : memref<80xi32, #tpu.memory_space<vmem>>) semaphore(%arg37 : memref<!tpu.dma_semaphore, #tpu.memory_space<semaphore_mem>>) {add = true}
      %dma_start3A_672 = arith.constant 0 : i32
      %dma_start3A_673 = tpu.memref_slice %arg43[%dma_start3A_672] : memref<10240xf32, #tpu.memory_space<vmem_shared>> -> memref<10240xf32, #tpu.memory_space<vmem_shared>>
      tpu.enqueue_indirect_dma source(%arg41 : memref<80xf32, #tpu.memory_space<vmem>>) target(%dma_start3A_673 : memref<10240xf32, #tpu.memory_space<vmem_shared>>) offsets(%arg32 : memref<80xi32, #tpu.memory_space<vmem>>) semaphore(%arg38 : memref<!tpu.dma_semaphore, #tpu.memory_space<semaphore_mem>>) {add = true}
      %add3A_674 = arith.constant 2 : i32
      %add3A_675 = arith.addi %add3A_566, %add3A_674 : i32
      %dma_wait3A_676 = arith.constant 0 : i32
      %dma_wait3A_677 = arith.constant 0 : i32
      %dma_wait3A_678 = tpu.memref_slice %arg39[%dma_wait3A_676, %dma_wait3A_677] : memref<10240x128xf32, #tpu.memory_space<vmem_shared>> -> memref<10240x128xf32, #tpu.memory_space<vmem_shared>>
      tpu.wait_indirect_dma semaphore(%arg29 : memref<!tpu.dma_semaphore, #tpu.memory_space<semaphore_mem>>) src(%arg25 : memref<80x128xf32, #tpu.memory_space<vmem>>) dst(%dma_wait3A_678 : memref<10240x128xf32, #tpu.memory_space<vmem_shared>>)
      %dma_wait3A_679 = arith.constant 0 : i32
      %dma_wait3A_680 = tpu.memref_slice %arg43[%dma_wait3A_679] : memref<10240xf32, #tpu.memory_space<vmem_shared>> -> memref<10240xf32, #tpu.memory_space<vmem_shared>>
      tpu.wait_indirect_dma semaphore(%arg30 : memref<!tpu.dma_semaphore, #tpu.memory_space<semaphore_mem>>) src(%arg41 : memref<80xf32, #tpu.memory_space<vmem>>) dst(%dma_wait3A_680 : memref<10240xf32, #tpu.memory_space<vmem_shared>>)
      %mul3A_681 = arith.constant 10000 : i32
      %mul3A_682 = arith.muli %add3A, %mul3A_681 : i32
      %mul3A_683 = arith.constant 80 : i32
      %mul3A_684 = arith.muli %add3A_675, %mul3A_683 : i32
      %add3A_685 = arith.addi %mul3A_682, %mul3A_684 : i32
      %multiple_of3A_686 = tpu.assume_multiple %add3A_685, 8 : i32
      %dma_start3A_687 = tpu.memref_slice %arg3[%multiple_of3A_686] : memref<320000xi32, #tpu.memory_space<hbm>> -> memref<80xi32, #tpu.memory_space<hbm>>
      %dma_start3A_688 = tpu.memref_slice %arg3[%multiple_of3A_686] : memref<320000xi32, #tpu.memory_space<hbm>> -> memref<80xi32, #tpu.memory_space<hbm>>
      tpu.enqueue_dma source(%dma_start3A_688 : memref<80xi32, #tpu.memory_space<hbm>>) target(%arg23 : memref<80xi32, #tpu.memory_space<vmem>>) target_semaphore(%arg26 : memref<!tpu.dma_semaphore, #tpu.memory_space<semaphore_mem>>)
      %mul3A_689 = arith.constant 10000 : i32
      %mul3A_690 = arith.muli %add3A, %mul3A_689 : i32
      %mul3A_691 = arith.constant 80 : i32
      %mul3A_692 = arith.muli %add3A_675, %mul3A_691 : i32
      %add3A_693 = arith.addi %mul3A_690, %mul3A_692 : i32
      %multiple_of3A_694 = tpu.assume_multiple %add3A_693, 8 : i32
      %dma_start3A_695 = tpu.memref_slice %arg4[%multiple_of3A_694] : memref<320000xi32, #tpu.memory_space<hbm>> -> memref<80xi32, #tpu.memory_space<hbm>>
      %dma_start3A_696 = tpu.memref_slice %arg4[%multiple_of3A_694] : memref<320000xi32, #tpu.memory_space<hbm>> -> memref<80xi32, #tpu.memory_space<hbm>>
      tpu.enqueue_dma source(%dma_start3A_696 : memref<80xi32, #tpu.memory_space<hbm>>) target(%arg24 : memref<80xi32, #tpu.memory_space<vmem>>) target_semaphore(%arg27 : memref<!tpu.dma_semaphore, #tpu.memory_space<semaphore_mem>>)
      %sub3A_697 = arith.constant 1 : i32
      %sub3A_698 = arith.subi %add3A_675, %sub3A_697 : i32
      %mul3A_699 = arith.constant 10000 : i32
      %mul3A_700 = arith.muli %add3A, %mul3A_699 : i32
      %mul3A_701 = arith.constant 80 : i32
      %mul3A_702 = arith.muli %sub3A_698, %mul3A_701 : i32
      %add3A_703 = arith.addi %mul3A_700, %mul3A_702 : i32
      %multiple_of3A_704 = tpu.assume_multiple %add3A_703, 8 : i32
      %dma_wait3A_705 = tpu.memref_slice %arg3[%multiple_of3A_704] : memref<320000xi32, #tpu.memory_space<hbm>> -> memref<80xi32, #tpu.memory_space<hbm>>
      %dma_wait3A_706 = tpu.memref_slice %arg3[%multiple_of3A_704] : memref<320000xi32, #tpu.memory_space<hbm>> -> memref<80xi32, #tpu.memory_space<hbm>>
      tpu.wait_dma2 semaphore(%arg18 : memref<!tpu.dma_semaphore, #tpu.memory_space<semaphore_mem>>) src(%dma_wait3A_706 : memref<80xi32, #tpu.memory_space<hbm>>) dst(%arg15 : memref<80xi32, #tpu.memory_space<vmem>>)
      %dma_start3A_707 = arith.constant 0 : i32
      %dma_start3A_708 = arith.constant 0 : i32
      %dma_start3A_709 = tpu.memref_slice %arg2[%dma_start3A_707, %dma_start3A_708] : memref<10000x128xf32, #tpu.memory_space<hbm>> -> memref<10000x128xf32, #tpu.memory_space<hbm>>
      tpu.enqueue_indirect_dma source(%dma_start3A_709 : memref<10000x128xf32, #tpu.memory_space<hbm>>) target(%arg17 : memref<80x128xf32, #tpu.memory_space<vmem>>) offsets(%arg15 : memref<80xi32, #tpu.memory_space<vmem>>) semaphore(%arg20 : memref<!tpu.dma_semaphore, #tpu.memory_space<semaphore_mem>>)
      %sub3A_710 = arith.constant 2 : i32
      %sub3A_711 = arith.subi %add3A_675, %sub3A_710 : i32
      %mul3A_712 = arith.constant 10000 : i32
      %mul3A_713 = arith.muli %add3A, %mul3A_712 : i32
      %mul3A_714 = arith.constant 80 : i32
      %mul3A_715 = arith.muli %sub3A_711, %mul3A_714 : i32
      %add3A_716 = arith.addi %mul3A_713, %mul3A_715 : i32
      %multiple_of3A_717 = tpu.assume_multiple %add3A_716, 8 : i32
      %dma_wait3A_718 = tpu.memref_slice %arg4[%multiple_of3A_717] : memref<320000xi32, #tpu.memory_space<hbm>> -> memref<80xi32, #tpu.memory_space<hbm>>
      %dma_wait3A_719 = tpu.memref_slice %arg4[%multiple_of3A_717] : memref<320000xi32, #tpu.memory_space<hbm>> -> memref<80xi32, #tpu.memory_space<hbm>>
      tpu.wait_dma2 semaphore(%arg11 : memref<!tpu.dma_semaphore, #tpu.memory_space<semaphore_mem>>) src(%dma_wait3A_719 : memref<80xi32, #tpu.memory_space<hbm>>) dst(%arg8 : memref<80xi32, #tpu.memory_space<vmem>>)
      %dma_wait3A_720 = arith.constant 0 : i32
      %dma_wait3A_721 = arith.constant 0 : i32
      %dma_wait3A_722 = tpu.memref_slice %arg2[%dma_wait3A_720, %dma_wait3A_721] : memref<10000x128xf32, #tpu.memory_space<hbm>> -> memref<10000x128xf32, #tpu.memory_space<hbm>>
      tpu.wait_indirect_dma semaphore(%arg12 : memref<!tpu.dma_semaphore, #tpu.memory_space<semaphore_mem>>) src(%dma_wait3A_722 : memref<10000x128xf32, #tpu.memory_space<hbm>>) dst(%arg9 : memref<80x128xf32, #tpu.memory_space<vmem>>)
      %dma_start3A_723 = arith.constant 0 : i32
      %dma_start3A_724 = arith.constant 0 : i32
      %dma_start3A_725 = tpu.memref_slice %arg39[%dma_start3A_723, %dma_start3A_724] : memref<10240x128xf32, #tpu.memory_space<vmem_shared>> -> memref<10240x128xf32, #tpu.memory_space<vmem_shared>>
      tpu.enqueue_indirect_dma source(%arg9 : memref<80x128xf32, #tpu.memory_space<vmem>>) target(%dma_start3A_725 : memref<10240x128xf32, #tpu.memory_space<vmem_shared>>) offsets(%arg8 : memref<80xi32, #tpu.memory_space<vmem>>) semaphore(%arg13 : memref<!tpu.dma_semaphore, #tpu.memory_space<semaphore_mem>>) {add = true}
      %dma_start3A_726 = arith.constant 0 : i32
      %dma_start3A_727 = tpu.memref_slice %arg43[%dma_start3A_726] : memref<10240xf32, #tpu.memory_space<vmem_shared>> -> memref<10240xf32, #tpu.memory_space<vmem_shared>>
      tpu.enqueue_indirect_dma source(%arg41 : memref<80xf32, #tpu.memory_space<vmem>>) target(%dma_start3A_727 : memref<10240xf32, #tpu.memory_space<vmem_shared>>) offsets(%arg8 : memref<80xi32, #tpu.memory_space<vmem>>) semaphore(%arg14 : memref<!tpu.dma_semaphore, #tpu.memory_space<semaphore_mem>>) {add = true}
      %add3A_728 = arith.constant 3 : i32
      %add3A_729 = arith.addi %add3A_566, %add3A_728 : i32
      %dma_wait3A_730 = arith.constant 0 : i32
      %dma_wait3A_731 = arith.constant 0 : i32
      %dma_wait3A_732 = tpu.memref_slice %arg39[%dma_wait3A_730, %dma_wait3A_731] : memref<10240x128xf32, #tpu.memory_space<vmem_shared>> -> memref<10240x128xf32, #tpu.memory_space<vmem_shared>>
      tpu.wait_indirect_dma semaphore(%arg37 : memref<!tpu.dma_semaphore, #tpu.memory_space<semaphore_mem>>) src(%arg33 : memref<80x128xf32, #tpu.memory_space<vmem>>) dst(%dma_wait3A_732 : memref<10240x128xf32, #tpu.memory_space<vmem_shared>>)
      %dma_wait3A_733 = arith.constant 0 : i32
      %dma_wait3A_734 = tpu.memref_slice %arg43[%dma_wait3A_733] : memref<10240xf32, #tpu.memory_space<vmem_shared>> -> memref<10240xf32, #tpu.memory_space<vmem_shared>>
      tpu.wait_indirect_dma semaphore(%arg38 : memref<!tpu.dma_semaphore, #tpu.memory_space<semaphore_mem>>) src(%arg41 : memref<80xf32, #tpu.memory_space<vmem>>) dst(%dma_wait3A_734 : memref<10240xf32, #tpu.memory_space<vmem_shared>>)
      %mul3A_735 = arith.constant 10000 : i32
      %mul3A_736 = arith.muli %add3A, %mul3A_735 : i32
      %mul3A_737 = arith.constant 80 : i32
      %mul3A_738 = arith.muli %add3A_729, %mul3A_737 : i32
      %add3A_739 = arith.addi %mul3A_736, %mul3A_738 : i32
      %multiple_of3A_740 = tpu.assume_multiple %add3A_739, 8 : i32
      %dma_start3A_741 = tpu.memref_slice %arg3[%multiple_of3A_740] : memref<320000xi32, #tpu.memory_space<hbm>> -> memref<80xi32, #tpu.memory_space<hbm>>
      %dma_start3A_742 = tpu.memref_slice %arg3[%multiple_of3A_740] : memref<320000xi32, #tpu.memory_space<hbm>> -> memref<80xi32, #tpu.memory_space<hbm>>
      tpu.enqueue_dma source(%dma_start3A_742 : memref<80xi32, #tpu.memory_space<hbm>>) target(%arg31 : memref<80xi32, #tpu.memory_space<vmem>>) target_semaphore(%arg34 : memref<!tpu.dma_semaphore, #tpu.memory_space<semaphore_mem>>)
      %mul3A_743 = arith.constant 10000 : i32
      %mul3A_744 = arith.muli %add3A, %mul3A_743 : i32
      %mul3A_745 = arith.constant 80 : i32
      %mul3A_746 = arith.muli %add3A_729, %mul3A_745 : i32
      %add3A_747 = arith.addi %mul3A_744, %mul3A_746 : i32
      %multiple_of3A_748 = tpu.assume_multiple %add3A_747, 8 : i32
      %dma_start3A_749 = tpu.memref_slice %arg4[%multiple_of3A_748] : memref<320000xi32, #tpu.memory_space<hbm>> -> memref<80xi32, #tpu.memory_space<hbm>>
      %dma_start3A_750 = tpu.memref_slice %arg4[%multiple_of3A_748] : memref<320000xi32, #tpu.memory_space<hbm>> -> memref<80xi32, #tpu.memory_space<hbm>>
      tpu.enqueue_dma source(%dma_start3A_750 : memref<80xi32, #tpu.memory_space<hbm>>) target(%arg32 : memref<80xi32, #tpu.memory_space<vmem>>) target_semaphore(%arg35 : memref<!tpu.dma_semaphore, #tpu.memory_space<semaphore_mem>>)
      %sub3A_751 = arith.constant 1 : i32
      %sub3A_752 = arith.subi %add3A_729, %sub3A_751 : i32
      %mul3A_753 = arith.constant 10000 : i32
      %mul3A_754 = arith.muli %add3A, %mul3A_753 : i32
      %mul3A_755 = arith.constant 80 : i32
      %mul3A_756 = arith.muli %sub3A_752, %mul3A_755 : i32
      %add3A_757 = arith.addi %mul3A_754, %mul3A_756 : i32
      %multiple_of3A_758 = tpu.assume_multiple %add3A_757, 8 : i32
      %dma_wait3A_759 = tpu.memref_slice %arg3[%multiple_of3A_758] : memref<320000xi32, #tpu.memory_space<hbm>> -> memref<80xi32, #tpu.memory_space<hbm>>
      %dma_wait3A_760 = tpu.memref_slice %arg3[%multiple_of3A_758] : memref<320000xi32, #tpu.memory_space<hbm>> -> memref<80xi32, #tpu.memory_space<hbm>>
      tpu.wait_dma2 semaphore(%arg26 : memref<!tpu.dma_semaphore, #tpu.memory_space<semaphore_mem>>) src(%dma_wait3A_760 : memref<80xi32, #tpu.memory_space<hbm>>) dst(%arg23 : memref<80xi32, #tpu.memory_space<vmem>>)
      %dma_start3A_761 = arith.constant 0 : i32
      %dma_start3A_762 = arith.constant 0 : i32
      %dma_start3A_763 = tpu.memref_slice %arg2[%dma_start3A_761, %dma_start3A_762] : memref<10000x128xf32, #tpu.memory_space<hbm>> -> memref<10000x128xf32, #tpu.memory_space<hbm>>
      tpu.enqueue_indirect_dma source(%dma_start3A_763 : memref<10000x128xf32, #tpu.memory_space<hbm>>) target(%arg25 : memref<80x128xf32, #tpu.memory_space<vmem>>) offsets(%arg23 : memref<80xi32, #tpu.memory_space<vmem>>) semaphore(%arg28 : memref<!tpu.dma_semaphore, #tpu.memory_space<semaphore_mem>>)
      %sub3A_764 = arith.constant 2 : i32
      %sub3A_765 = arith.subi %add3A_729, %sub3A_764 : i32
      %mul3A_766 = arith.constant 10000 : i32
      %mul3A_767 = arith.muli %add3A, %mul3A_766 : i32
      %mul3A_768 = arith.constant 80 : i32
      %mul3A_769 = arith.muli %sub3A_765, %mul3A_768 : i32
      %add3A_770 = arith.addi %mul3A_767, %mul3A_769 : i32
      %multiple_of3A_771 = tpu.assume_multiple %add3A_770, 8 : i32
      %dma_wait3A_772 = tpu.memref_slice %arg4[%multiple_of3A_771] : memref<320000xi32, #tpu.memory_space<hbm>> -> memref<80xi32, #tpu.memory_space<hbm>>
      %dma_wait3A_773 = tpu.memref_slice %arg4[%multiple_of3A_771] : memref<320000xi32, #tpu.memory_space<hbm>> -> memref<80xi32, #tpu.memory_space<hbm>>
      tpu.wait_dma2 semaphore(%arg19 : memref<!tpu.dma_semaphore, #tpu.memory_space<semaphore_mem>>) src(%dma_wait3A_773 : memref<80xi32, #tpu.memory_space<hbm>>) dst(%arg16 : memref<80xi32, #tpu.memory_space<vmem>>)
      %dma_wait3A_774 = arith.constant 0 : i32
      %dma_wait3A_775 = arith.constant 0 : i32
      %dma_wait3A_776 = tpu.memref_slice %arg2[%dma_wait3A_774, %dma_wait3A_775] : memref<10000x128xf32, #tpu.memory_space<hbm>> -> memref<10000x128xf32, #tpu.memory_space<hbm>>
      tpu.wait_indirect_dma semaphore(%arg20 : memref<!tpu.dma_semaphore, #tpu.memory_space<semaphore_mem>>) src(%dma_wait3A_776 : memref<10000x128xf32, #tpu.memory_space<hbm>>) dst(%arg17 : memref<80x128xf32, #tpu.memory_space<vmem>>)
      %dma_start3A_777 = arith.constant 0 : i32
      %dma_start3A_778 = arith.constant 0 : i32
      %dma_start3A_779 = tpu.memref_slice %arg39[%dma_start3A_777, %dma_start3A_778] : memref<10240x128xf32, #tpu.memory_space<vmem_shared>> -> memref<10240x128xf32, #tpu.memory_space<vmem_shared>>
      tpu.enqueue_indirect_dma source(%arg17 : memref<80x128xf32, #tpu.memory_space<vmem>>) target(%dma_start3A_779 : memref<10240x128xf32, #tpu.memory_space<vmem_shared>>) offsets(%arg16 : memref<80xi32, #tpu.memory_space<vmem>>) semaphore(%arg21 : memref<!tpu.dma_semaphore, #tpu.memory_space<semaphore_mem>>) {add = true}
      %dma_start3A_780 = arith.constant 0 : i32
      %dma_start3A_781 = tpu.memref_slice %arg43[%dma_start3A_780] : memref<10240xf32, #tpu.memory_space<vmem_shared>> -> memref<10240xf32, #tpu.memory_space<vmem_shared>>
      tpu.enqueue_indirect_dma source(%arg41 : memref<80xf32, #tpu.memory_space<vmem>>) target(%dma_start3A_781 : memref<10240xf32, #tpu.memory_space<vmem_shared>>) offsets(%arg16 : memref<80xi32, #tpu.memory_space<vmem>>) semaphore(%arg22 : memref<!tpu.dma_semaphore, #tpu.memory_space<semaphore_mem>>) {add = true}
    }
    %scan3A_441 = arith.constant 30 : i32
    %dma_wait3A_442 = arith.constant 0 : i32
    %dma_wait3A_443 = arith.constant 0 : i32
    %dma_wait3A_444 = tpu.memref_slice %arg39[%dma_wait3A_442, %dma_wait3A_443] : memref<10240x128xf32, #tpu.memory_space<vmem_shared>> -> memref<10240x128xf32, #tpu.memory_space<vmem_shared>>
    tpu.wait_indirect_dma semaphore(%arg13 : memref<!tpu.dma_semaphore, #tpu.memory_space<semaphore_mem>>) src(%arg9 : memref<80x128xf32, #tpu.memory_space<vmem>>) dst(%dma_wait3A_444 : memref<10240x128xf32, #tpu.memory_space<vmem_shared>>)
    %dma_wait3A_445 = arith.constant 0 : i32
    %dma_wait3A_446 = tpu.memref_slice %arg43[%dma_wait3A_445] : memref<10240xf32, #tpu.memory_space<vmem_shared>> -> memref<10240xf32, #tpu.memory_space<vmem_shared>>
    tpu.wait_indirect_dma semaphore(%arg14 : memref<!tpu.dma_semaphore, #tpu.memory_space<semaphore_mem>>) src(%arg41 : memref<80xf32, #tpu.memory_space<vmem>>) dst(%dma_wait3A_446 : memref<10240xf32, #tpu.memory_space<vmem_shared>>)
    %mul3A_447 = arith.constant 10000 : i32
    %mul3A_448 = arith.muli %add3A, %mul3A_447 : i32
    %add3A_449 = arith.constant 9920 : i32
    %add3A_450 = arith.addi %mul3A_448, %add3A_449 : i32
    %multiple_of3A_451 = tpu.assume_multiple %add3A_450, 8 : i32
    %dma_start3A_452 = tpu.memref_slice %arg3[%multiple_of3A_451] : memref<320000xi32, #tpu.memory_space<hbm>> -> memref<80xi32, #tpu.memory_space<hbm>>
    %dma_start3A_453 = tpu.memref_slice %arg3[%multiple_of3A_451] : memref<320000xi32, #tpu.memory_space<hbm>> -> memref<80xi32, #tpu.memory_space<hbm>>
    tpu.enqueue_dma source(%dma_start3A_453 : memref<80xi32, #tpu.memory_space<hbm>>) target(%arg7 : memref<80xi32, #tpu.memory_space<vmem>>) target_semaphore(%arg10 : memref<!tpu.dma_semaphore, #tpu.memory_space<semaphore_mem>>)
    %mul3A_454 = arith.constant 10000 : i32
    %mul3A_455 = arith.muli %add3A, %mul3A_454 : i32
    %add3A_456 = arith.constant 9920 : i32
    %add3A_457 = arith.addi %mul3A_455, %add3A_456 : i32
    %multiple_of3A_458 = tpu.assume_multiple %add3A_457, 8 : i32
    %dma_start3A_459 = tpu.memref_slice %arg4[%multiple_of3A_458] : memref<320000xi32, #tpu.memory_space<hbm>> -> memref<80xi32, #tpu.memory_space<hbm>>
    %dma_start3A_460 = tpu.memref_slice %arg4[%multiple_of3A_458] : memref<320000xi32, #tpu.memory_space<hbm>> -> memref<80xi32, #tpu.memory_space<hbm>>
    tpu.enqueue_dma source(%dma_start3A_460 : memref<80xi32, #tpu.memory_space<hbm>>) target(%arg8 : memref<80xi32, #tpu.memory_space<vmem>>) target_semaphore(%arg11 : memref<!tpu.dma_semaphore, #tpu.memory_space<semaphore_mem>>)
    %mul3A_461 = arith.constant 10000 : i32
    %mul3A_462 = arith.muli %add3A, %mul3A_461 : i32
    %add3A_463 = arith.constant 9840 : i32
    %add3A_464 = arith.addi %mul3A_462, %add3A_463 : i32
    %multiple_of3A_465 = tpu.assume_multiple %add3A_464, 8 : i32
    %dma_wait3A_466 = tpu.memref_slice %arg3[%multiple_of3A_465] : memref<320000xi32, #tpu.memory_space<hbm>> -> memref<80xi32, #tpu.memory_space<hbm>>
    %dma_wait3A_467 = tpu.memref_slice %arg3[%multiple_of3A_465] : memref<320000xi32, #tpu.memory_space<hbm>> -> memref<80xi32, #tpu.memory_space<hbm>>
    tpu.wait_dma2 semaphore(%arg34 : memref<!tpu.dma_semaphore, #tpu.memory_space<semaphore_mem>>) src(%dma_wait3A_467 : memref<80xi32, #tpu.memory_space<hbm>>) dst(%arg31 : memref<80xi32, #tpu.memory_space<vmem>>)
    %dma_start3A_468 = arith.constant 0 : i32
    %dma_start3A_469 = arith.constant 0 : i32
    %dma_start3A_470 = tpu.memref_slice %arg2[%dma_start3A_468, %dma_start3A_469] : memref<10000x128xf32, #tpu.memory_space<hbm>> -> memref<10000x128xf32, #tpu.memory_space<hbm>>
    tpu.enqueue_indirect_dma source(%dma_start3A_470 : memref<10000x128xf32, #tpu.memory_space<hbm>>) target(%arg33 : memref<80x128xf32, #tpu.memory_space<vmem>>) offsets(%arg31 : memref<80xi32, #tpu.memory_space<vmem>>) semaphore(%arg36 : memref<!tpu.dma_semaphore, #tpu.memory_space<semaphore_mem>>)
    %mul3A_471 = arith.constant 10000 : i32
    %mul3A_472 = arith.muli %add3A, %mul3A_471 : i32
    %add3A_473 = arith.constant 9760 : i32
    %add3A_474 = arith.addi %mul3A_472, %add3A_473 : i32
    %multiple_of3A_475 = tpu.assume_multiple %add3A_474, 8 : i32
    %dma_wait3A_476 = tpu.memref_slice %arg4[%multiple_of3A_475] : memref<320000xi32, #tpu.memory_space<hbm>> -> memref<80xi32, #tpu.memory_space<hbm>>
    %dma_wait3A_477 = tpu.memref_slice %arg4[%multiple_of3A_475] : memref<320000xi32, #tpu.memory_space<hbm>> -> memref<80xi32, #tpu.memory_space<hbm>>
    tpu.wait_dma2 semaphore(%arg27 : memref<!tpu.dma_semaphore, #tpu.memory_space<semaphore_mem>>) src(%dma_wait3A_477 : memref<80xi32, #tpu.memory_space<hbm>>) dst(%arg24 : memref<80xi32, #tpu.memory_space<vmem>>)
    %dma_wait3A_478 = arith.constant 0 : i32
    %dma_wait3A_479 = arith.constant 0 : i32
    %dma_wait3A_480 = tpu.memref_slice %arg2[%dma_wait3A_478, %dma_wait3A_479] : memref<10000x128xf32, #tpu.memory_space<hbm>> -> memref<10000x128xf32, #tpu.memory_space<hbm>>
    tpu.wait_indirect_dma semaphore(%arg28 : memref<!tpu.dma_semaphore, #tpu.memory_space<semaphore_mem>>) src(%dma_wait3A_480 : memref<10000x128xf32, #tpu.memory_space<hbm>>) dst(%arg25 : memref<80x128xf32, #tpu.memory_space<vmem>>)
    %dma_start3A_481 = arith.constant 0 : i32
    %dma_start3A_482 = arith.constant 0 : i32
    %dma_start3A_483 = tpu.memref_slice %arg39[%dma_start3A_481, %dma_start3A_482] : memref<10240x128xf32, #tpu.memory_space<vmem_shared>> -> memref<10240x128xf32, #tpu.memory_space<vmem_shared>>
    tpu.enqueue_indirect_dma source(%arg25 : memref<80x128xf32, #tpu.memory_space<vmem>>) target(%dma_start3A_483 : memref<10240x128xf32, #tpu.memory_space<vmem_shared>>) offsets(%arg24 : memref<80xi32, #tpu.memory_space<vmem>>) semaphore(%arg29 : memref<!tpu.dma_semaphore, #tpu.memory_space<semaphore_mem>>) {add = true}
    %dma_start3A_484 = arith.constant 0 : i32
    %dma_start3A_485 = tpu.memref_slice %arg43[%dma_start3A_484] : memref<10240xf32, #tpu.memory_space<vmem_shared>> -> memref<10240xf32, #tpu.memory_space<vmem_shared>>
    tpu.enqueue_indirect_dma source(%arg41 : memref<80xf32, #tpu.memory_space<vmem>>) target(%dma_start3A_485 : memref<10240xf32, #tpu.memory_space<vmem_shared>>) offsets(%arg24 : memref<80xi32, #tpu.memory_space<vmem>>) semaphore(%arg30 : memref<!tpu.dma_semaphore, #tpu.memory_space<semaphore_mem>>) {add = true}
    %mul3A_486 = arith.constant 10000 : i32
    %mul3A_487 = arith.muli %add3A, %mul3A_486 : i32
    %add3A_488 = arith.constant 9920 : i32
    %add3A_489 = arith.addi %mul3A_487, %add3A_488 : i32
    %multiple_of3A_490 = tpu.assume_multiple %add3A_489, 8 : i32
    %dma_wait3A_491 = tpu.memref_slice %arg3[%multiple_of3A_490] : memref<320000xi32, #tpu.memory_space<hbm>> -> memref<80xi32, #tpu.memory_space<hbm>>
    %dma_wait3A_492 = tpu.memref_slice %arg3[%multiple_of3A_490] : memref<320000xi32, #tpu.memory_space<hbm>> -> memref<80xi32, #tpu.memory_space<hbm>>
    tpu.wait_dma2 semaphore(%arg10 : memref<!tpu.dma_semaphore, #tpu.memory_space<semaphore_mem>>) src(%dma_wait3A_492 : memref<80xi32, #tpu.memory_space<hbm>>) dst(%arg7 : memref<80xi32, #tpu.memory_space<vmem>>)
    %dma_start3A_493 = arith.constant 0 : i32
    %dma_start3A_494 = arith.constant 0 : i32
    %dma_start3A_495 = tpu.memref_slice %arg2[%dma_start3A_493, %dma_start3A_494] : memref<10000x128xf32, #tpu.memory_space<hbm>> -> memref<10000x128xf32, #tpu.memory_space<hbm>>
    tpu.enqueue_indirect_dma source(%dma_start3A_495 : memref<10000x128xf32, #tpu.memory_space<hbm>>) target(%arg9 : memref<80x128xf32, #tpu.memory_space<vmem>>) offsets(%arg7 : memref<80xi32, #tpu.memory_space<vmem>>) semaphore(%arg12 : memref<!tpu.dma_semaphore, #tpu.memory_space<semaphore_mem>>)
    %mul3A_496 = arith.constant 10000 : i32
    %mul3A_497 = arith.muli %add3A, %mul3A_496 : i32
    %add3A_498 = arith.constant 9840 : i32
    %add3A_499 = arith.addi %mul3A_497, %add3A_498 : i32
    %multiple_of3A_500 = tpu.assume_multiple %add3A_499, 8 : i32
    %dma_wait3A_501 = tpu.memref_slice %arg4[%multiple_of3A_500] : memref<320000xi32, #tpu.memory_space<hbm>> -> memref<80xi32, #tpu.memory_space<hbm>>
    %dma_wait3A_502 = tpu.memref_slice %arg4[%multiple_of3A_500] : memref<320000xi32, #tpu.memory_space<hbm>> -> memref<80xi32, #tpu.memory_space<hbm>>
    tpu.wait_dma2 semaphore(%arg35 : memref<!tpu.dma_semaphore, #tpu.memory_space<semaphore_mem>>) src(%dma_wait3A_502 : memref<80xi32, #tpu.memory_space<hbm>>) dst(%arg32 : memref<80xi32, #tpu.memory_space<vmem>>)
    %dma_wait3A_503 = arith.constant 0 : i32
    %dma_wait3A_504 = arith.constant 0 : i32
    %dma_wait3A_505 = tpu.memref_slice %arg2[%dma_wait3A_503, %dma_wait3A_504] : memref<10000x128xf32, #tpu.memory_space<hbm>> -> memref<10000x128xf32, #tpu.memory_space<hbm>>
    tpu.wait_indirect_dma semaphore(%arg36 : memref<!tpu.dma_semaphore, #tpu.memory_space<semaphore_mem>>) src(%dma_wait3A_505 : memref<10000x128xf32, #tpu.memory_space<hbm>>) dst(%arg33 : memref<80x128xf32, #tpu.memory_space<vmem>>)
    %dma_start3A_506 = arith.constant 0 : i32
    %dma_start3A_507 = arith.constant 0 : i32
    %dma_start3A_508 = tpu.memref_slice %arg39[%dma_start3A_506, %dma_start3A_507] : memref<10240x128xf32, #tpu.memory_space<vmem_shared>> -> memref<10240x128xf32, #tpu.memory_space<vmem_shared>>
    tpu.enqueue_indirect_dma source(%arg33 : memref<80x128xf32, #tpu.memory_space<vmem>>) target(%dma_start3A_508 : memref<10240x128xf32, #tpu.memory_space<vmem_shared>>) offsets(%arg32 : memref<80xi32, #tpu.memory_space<vmem>>) semaphore(%arg37 : memref<!tpu.dma_semaphore, #tpu.memory_space<semaphore_mem>>) {add = true}
    %dma_start3A_509 = arith.constant 0 : i32
    %dma_start3A_510 = tpu.memref_slice %arg43[%dma_start3A_509] : memref<10240xf32, #tpu.memory_space<vmem_shared>> -> memref<10240xf32, #tpu.memory_space<vmem_shared>>
    tpu.enqueue_indirect_dma source(%arg41 : memref<80xf32, #tpu.memory_space<vmem>>) target(%dma_start3A_510 : memref<10240xf32, #tpu.memory_space<vmem_shared>>) offsets(%arg32 : memref<80xi32, #tpu.memory_space<vmem>>) semaphore(%arg38 : memref<!tpu.dma_semaphore, #tpu.memory_space<semaphore_mem>>) {add = true}
    %mul3A_511 = arith.constant 10000 : i32
    %mul3A_512 = arith.muli %add3A, %mul3A_511 : i32
    %add3A_513 = arith.constant 9920 : i32
    %add3A_514 = arith.addi %mul3A_512, %add3A_513 : i32
    %multiple_of3A_515 = tpu.assume_multiple %add3A_514, 8 : i32
    %dma_wait3A_516 = tpu.memref_slice %arg4[%multiple_of3A_515] : memref<320000xi32, #tpu.memory_space<hbm>> -> memref<80xi32, #tpu.memory_space<hbm>>
    %dma_wait3A_517 = tpu.memref_slice %arg4[%multiple_of3A_515] : memref<320000xi32, #tpu.memory_space<hbm>> -> memref<80xi32, #tpu.memory_space<hbm>>
    tpu.wait_dma2 semaphore(%arg11 : memref<!tpu.dma_semaphore, #tpu.memory_space<semaphore_mem>>) src(%dma_wait3A_517 : memref<80xi32, #tpu.memory_space<hbm>>) dst(%arg8 : memref<80xi32, #tpu.memory_space<vmem>>)
    %dma_wait3A_518 = arith.constant 0 : i32
    %dma_wait3A_519 = arith.constant 0 : i32
    %dma_wait3A_520 = tpu.memref_slice %arg2[%dma_wait3A_518, %dma_wait3A_519] : memref<10000x128xf32, #tpu.memory_space<hbm>> -> memref<10000x128xf32, #tpu.memory_space<hbm>>
    tpu.wait_indirect_dma semaphore(%arg12 : memref<!tpu.dma_semaphore, #tpu.memory_space<semaphore_mem>>) src(%dma_wait3A_520 : memref<10000x128xf32, #tpu.memory_space<hbm>>) dst(%arg9 : memref<80x128xf32, #tpu.memory_space<vmem>>)
    %dma_start3A_521 = arith.constant 0 : i32
    %dma_start3A_522 = arith.constant 0 : i32
    %dma_start3A_523 = tpu.memref_slice %arg39[%dma_start3A_521, %dma_start3A_522] : memref<10240x128xf32, #tpu.memory_space<vmem_shared>> -> memref<10240x128xf32, #tpu.memory_space<vmem_shared>>
    tpu.enqueue_indirect_dma source(%arg9 : memref<80x128xf32, #tpu.memory_space<vmem>>) target(%dma_start3A_523 : memref<10240x128xf32, #tpu.memory_space<vmem_shared>>) offsets(%arg8 : memref<80xi32, #tpu.memory_space<vmem>>) semaphore(%arg13 : memref<!tpu.dma_semaphore, #tpu.memory_space<semaphore_mem>>) {add = true}
    %dma_start3A_524 = arith.constant 0 : i32
    %dma_start3A_525 = tpu.memref_slice %arg43[%dma_start3A_524] : memref<10240xf32, #tpu.memory_space<vmem_shared>> -> memref<10240xf32, #tpu.memory_space<vmem_shared>>
    tpu.enqueue_indirect_dma source(%arg41 : memref<80xf32, #tpu.memory_space<vmem>>) target(%dma_start3A_525 : memref<10240xf32, #tpu.memory_space<vmem_shared>>) offsets(%arg8 : memref<80xi32, #tpu.memory_space<vmem>>) semaphore(%arg14 : memref<!tpu.dma_semaphore, #tpu.memory_space<semaphore_mem>>) {add = true}
    %dma_wait3A_526 = arith.constant 0 : i32
    %dma_wait3A_527 = arith.constant 0 : i32
    %dma_wait3A_528 = tpu.memref_slice %arg39[%dma_wait3A_526, %dma_wait3A_527] : memref<10240x128xf32, #tpu.memory_space<vmem_shared>> -> memref<10240x128xf32, #tpu.memory_space<vmem_shared>>
    tpu.wait_indirect_dma semaphore(%arg21 : memref<!tpu.dma_semaphore, #tpu.memory_space<semaphore_mem>>) src(%arg17 : memref<80x128xf32, #tpu.memory_space<vmem>>) dst(%dma_wait3A_528 : memref<10240x128xf32, #tpu.memory_space<vmem_shared>>)
    %dma_wait3A_529 = arith.constant 0 : i32
    %dma_wait3A_530 = tpu.memref_slice %arg43[%dma_wait3A_529] : memref<10240xf32, #tpu.memory_space<vmem_shared>> -> memref<10240xf32, #tpu.memory_space<vmem_shared>>
    tpu.wait_indirect_dma semaphore(%arg22 : memref<!tpu.dma_semaphore, #tpu.memory_space<semaphore_mem>>) src(%arg41 : memref<80xf32, #tpu.memory_space<vmem>>) dst(%dma_wait3A_530 : memref<10240xf32, #tpu.memory_space<vmem_shared>>)
    %dma_wait3A_531 = arith.constant 0 : i32
    %dma_wait3A_532 = arith.constant 0 : i32
    %dma_wait3A_533 = tpu.memref_slice %arg39[%dma_wait3A_531, %dma_wait3A_532] : memref<10240x128xf32, #tpu.memory_space<vmem_shared>> -> memref<10240x128xf32, #tpu.memory_space<vmem_shared>>
    tpu.wait_indirect_dma semaphore(%arg29 : memref<!tpu.dma_semaphore, #tpu.memory_space<semaphore_mem>>) src(%arg25 : memref<80x128xf32, #tpu.memory_space<vmem>>) dst(%dma_wait3A_533 : memref<10240x128xf32, #tpu.memory_space<vmem_shared>>)
    %dma_wait3A_534 = arith.constant 0 : i32
    %dma_wait3A_535 = tpu.memref_slice %arg43[%dma_wait3A_534] : memref<10240xf32, #tpu.memory_space<vmem_shared>> -> memref<10240xf32, #tpu.memory_space<vmem_shared>>
    tpu.wait_indirect_dma semaphore(%arg30 : memref<!tpu.dma_semaphore, #tpu.memory_space<semaphore_mem>>) src(%arg41 : memref<80xf32, #tpu.memory_space<vmem>>) dst(%dma_wait3A_535 : memref<10240xf32, #tpu.memory_space<vmem_shared>>)
    %dma_wait3A_536 = arith.constant 0 : i32
    %dma_wait3A_537 = arith.constant 0 : i32
    %dma_wait3A_538 = tpu.memref_slice %arg39[%dma_wait3A_536, %dma_wait3A_537] : memref<10240x128xf32, #tpu.memory_space<vmem_shared>> -> memref<10240x128xf32, #tpu.memory_space<vmem_shared>>
    tpu.wait_indirect_dma semaphore(%arg37 : memref<!tpu.dma_semaphore, #tpu.memory_space<semaphore_mem>>) src(%arg33 : memref<80x128xf32, #tpu.memory_space<vmem>>) dst(%dma_wait3A_538 : memref<10240x128xf32, #tpu.memory_space<vmem_shared>>)
    %dma_wait3A_539 = arith.constant 0 : i32
    %dma_wait3A_540 = tpu.memref_slice %arg43[%dma_wait3A_539] : memref<10240xf32, #tpu.memory_space<vmem_shared>> -> memref<10240xf32, #tpu.memory_space<vmem_shared>>
    tpu.wait_indirect_dma semaphore(%arg38 : memref<!tpu.dma_semaphore, #tpu.memory_space<semaphore_mem>>) src(%arg41 : memref<80xf32, #tpu.memory_space<vmem>>) dst(%dma_wait3A_540 : memref<10240xf32, #tpu.memory_space<vmem_shared>>)
    %dma_wait3A_541 = arith.constant 0 : i32
    %dma_wait3A_542 = arith.constant 0 : i32
    %dma_wait3A_543 = tpu.memref_slice %arg39[%dma_wait3A_541, %dma_wait3A_542] : memref<10240x128xf32, #tpu.memory_space<vmem_shared>> -> memref<10240x128xf32, #tpu.memory_space<vmem_shared>>
    tpu.wait_indirect_dma semaphore(%arg13 : memref<!tpu.dma_semaphore, #tpu.memory_space<semaphore_mem>>) src(%arg9 : memref<80x128xf32, #tpu.memory_space<vmem>>) dst(%dma_wait3A_543 : memref<10240x128xf32, #tpu.memory_space<vmem_shared>>)
    %dma_wait3A_544 = arith.constant 0 : i32
    %dma_wait3A_545 = tpu.memref_slice %arg43[%dma_wait3A_544] : memref<10240xf32, #tpu.memory_space<vmem_shared>> -> memref<10240xf32, #tpu.memory_space<vmem_shared>>
    tpu.wait_indirect_dma semaphore(%arg14 : memref<!tpu.dma_semaphore, #tpu.memory_space<semaphore_mem>>) src(%arg41 : memref<80xf32, #tpu.memory_space<vmem>>) dst(%dma_wait3A_545 : memref<10240xf32, #tpu.memory_space<vmem_shared>>)
    %barrier3A_546 = arith.constant 0 : index
    tpu.barrier barrier_id(%barrier3A_546)
    %mul3A_547 = arith.constant 640 : i32
    %mul3A_548 = arith.muli %arg1, %mul3A_547 : i32
    %mul3A_549 = arith.constant 640 : i32
    %mul3A_550 = arith.muli %arg1, %mul3A_549 : i32
    "tpu.region"() ({
      %run_scoped3A = tpu.sem_alloc : memref<!tpu.dma_semaphore, #tpu.memory_space<semaphore_mem>>
      %dma_start3A_558 = arith.constant 0 : i32
      %dma_start3A_559 = tpu.memref_slice %arg5[%arg0, %mul3A_550, %dma_start3A_558] : memref<2x10240x128xf32, #tpu.memory_space<hbm>> -> memref<1x640x128xf32, #tpu.memory_space<hbm>>
      %dma_start3A_560 = tpu.memref_squeeze %dma_start3A_559 : memref<1x640x128xf32, #tpu.memory_space<hbm>> -> memref<640x128xf32, #tpu.memory_space<hbm>>
      %dma_start3A_561 = arith.constant 0 : i32
      %dma_start3A_562 = tpu.memref_slice %arg39[%mul3A_548, %dma_start3A_561] : memref<10240x128xf32, #tpu.memory_space<vmem_shared>> -> memref<640x128xf32, #tpu.memory_space<vmem_shared>>
      tpu.enqueue_dma source(%dma_start3A_562 : memref<640x128xf32, #tpu.memory_space<vmem_shared>>) target(%dma_start3A_560 : memref<640x128xf32, #tpu.memory_space<hbm>>) target_semaphore(%run_scoped3A : memref<!tpu.dma_semaphore, #tpu.memory_space<semaphore_mem>>)
      %dma_wait3A_563 = arith.constant 0 : i32
      %dma_wait3A_564 = tpu.memref_slice %arg5[%arg0, %mul3A_550, %dma_wait3A_563] : memref<2x10240x128xf32, #tpu.memory_space<hbm>> -> memref<1x640x128xf32, #tpu.memory_space<hbm>>
      %dma_wait3A_565 = tpu.memref_squeeze %dma_wait3A_564 : memref<1x640x128xf32, #tpu.memory_space<hbm>> -> memref<640x128xf32, #tpu.memory_space<hbm>>
      %dma_wait3A_566 = arith.constant 0 : i32
      %dma_wait3A_567 = tpu.memref_slice %arg39[%mul3A_548, %dma_wait3A_566] : memref<10240x128xf32, #tpu.memory_space<vmem_shared>> -> memref<640x128xf32, #tpu.memory_space<vmem_shared>>
      tpu.wait_dma2 semaphore(%run_scoped3A : memref<!tpu.dma_semaphore, #tpu.memory_space<semaphore_mem>>) src(%dma_wait3A_567 : memref<640x128xf32, #tpu.memory_space<vmem_shared>>) dst(%dma_wait3A_565 : memref<640x128xf32, #tpu.memory_space<hbm>>)
      tpu.yield
    }) : () -> ()
    %mul3A_551 = arith.constant 640 : i32
    %mul3A_552 = arith.muli %arg1, %mul3A_551 : i32
    "tpu.region"() ({
      %run_scoped3A = tpu.sem_alloc : memref<!tpu.dma_semaphore, #tpu.memory_space<semaphore_mem>>
      %dma_start3A_558 = tpu.memref_slice %arg43[%mul3A_552] : memref<10240xf32, #tpu.memory_space<vmem_shared>> -> memref<640xf32, #tpu.memory_space<vmem_shared>>
      %dma_start3A_559 = tpu.memref_slice %arg43[%mul3A_552] : memref<10240xf32, #tpu.memory_space<vmem_shared>> -> memref<640xf32, #tpu.memory_space<vmem_shared>>
      tpu.enqueue_dma source(%dma_start3A_559 : memref<640xf32, #tpu.memory_space<vmem_shared>>) target(%arg42 : memref<640xf32, #tpu.memory_space<vmem>>) target_semaphore(%run_scoped3A : memref<!tpu.dma_semaphore, #tpu.memory_space<semaphore_mem>>)
      %dma_wait3A_560 = tpu.memref_slice %arg43[%mul3A_552] : memref<10240xf32, #tpu.memory_space<vmem_shared>> -> memref<640xf32, #tpu.memory_space<vmem_shared>>
      %dma_wait3A_561 = tpu.memref_slice %arg43[%mul3A_552] : memref<10240xf32, #tpu.memory_space<vmem_shared>> -> memref<640xf32, #tpu.memory_space<vmem_shared>>
      tpu.wait_dma2 semaphore(%run_scoped3A : memref<!tpu.dma_semaphore, #tpu.memory_space<semaphore_mem>>) src(%dma_wait3A_561 : memref<640xf32, #tpu.memory_space<vmem_shared>>) dst(%arg42 : memref<640xf32, #tpu.memory_space<vmem>>)
      tpu.yield
    }) : () -> ()
    %mul3A_553 = arith.constant 10240 : i32
    %mul3A_554 = arith.muli %arg0, %mul3A_553 : i32
    %mul3A_555 = arith.constant 640 : i32
    %mul3A_556 = arith.muli %arg1, %mul3A_555 : i32
    %add3A_557 = arith.addi %mul3A_554, %mul3A_556 : i32
    "tpu.region"() ({
      %run_scoped3A = tpu.sem_alloc : memref<!tpu.dma_semaphore, #tpu.memory_space<semaphore_mem>>
      %dma_start3A_558 = tpu.memref_slice %arg6[%add3A_557] : memref<20480xf32, #tpu.memory_space<hbm>> -> memref<640xf32, #tpu.memory_space<hbm>>
      %dma_start3A_559 = tpu.memref_slice %arg6[%add3A_557] : memref<20480xf32, #tpu.memory_space<hbm>> -> memref<640xf32, #tpu.memory_space<hbm>>
      tpu.enqueue_dma source(%arg42 : memref<640xf32, #tpu.memory_space<vmem>>) target(%dma_start3A_559 : memref<640xf32, #tpu.memory_space<hbm>>) target_semaphore(%run_scoped3A : memref<!tpu.dma_semaphore, #tpu.memory_space<semaphore_mem>>)
      %dma_wait3A_560 = tpu.memref_slice %arg6[%add3A_557] : memref<20480xf32, #tpu.memory_space<hbm>> -> memref<640xf32, #tpu.memory_space<hbm>>
      %dma_wait3A_561 = tpu.memref_slice %arg6[%add3A_557] : memref<20480xf32, #tpu.memory_space<hbm>> -> memref<640xf32, #tpu.memory_space<hbm>>
      tpu.wait_dma2 semaphore(%run_scoped3A : memref<!tpu.dma_semaphore, #tpu.memory_space<semaphore_mem>>) src(%arg42 : memref<640xf32, #tpu.memory_space<vmem>>) dst(%dma_wait3A_561 : memref<640xf32, #tpu.memory_space<hbm>>)
      tpu.yield
    }) : () -> ()
    return
  }
}

#map = affine_map<(d0, d1) -> (0, 0)>
#map1 = affine_map<(d0, d1) -> (0)>
#map2 = affine_map<(d0, d1) -> (0, 0, 0)>
module attributes {stable_mosaic.version = 14 : i64} {
  func.func @_sc_aggregate_body(%arg0: i32, %arg1: i32, %arg2: memref<10000x128xf32, #tpu.memory_space<hbm>>, %arg3: memref<320000xi32, #tpu.memory_space<hbm>>, %arg4: memref<320000xi32, #tpu.memory_space<hbm>>, %arg5: memref<2x10240x128xf32, #tpu.memory_space<hbm>>, %arg6: memref<80xi32, #tpu.memory_space<vmem>>, %arg7: memref<80xi32, #tpu.memory_space<vmem>>, %arg8: memref<80x128xf32, #tpu.memory_space<vmem>>, %arg9: memref<!tpu.dma_semaphore, #tpu.memory_space<semaphore_mem>>, %arg10: memref<!tpu.dma_semaphore, #tpu.memory_space<semaphore_mem>>, %arg11: memref<!tpu.dma_semaphore, #tpu.memory_space<semaphore_mem>>, %arg12: memref<!tpu.dma_semaphore, #tpu.memory_space<semaphore_mem>>, %arg13: memref<!tpu.dma_semaphore, #tpu.memory_space<semaphore_mem>>, %arg14: memref<80xi32, #tpu.memory_space<vmem>>, %arg15: memref<80xi32, #tpu.memory_space<vmem>>, %arg16: memref<80x128xf32, #tpu.memory_space<vmem>>, %arg17: memref<!tpu.dma_semaphore, #tpu.memory_space<semaphore_mem>>, %arg18: memref<!tpu.dma_semaphore, #tpu.memory_space<semaphore_mem>>, %arg19: memref<!tpu.dma_semaphore, #tpu.memory_space<semaphore_mem>>, %arg20: memref<!tpu.dma_semaphore, #tpu.memory_space<semaphore_mem>>, %arg21: memref<!tpu.dma_semaphore, #tpu.memory_space<semaphore_mem>>, %arg22: memref<80xi32, #tpu.memory_space<vmem>>, %arg23: memref<80xi32, #tpu.memory_space<vmem>>, %arg24: memref<80x128xf32, #tpu.memory_space<vmem>>, %arg25: memref<!tpu.dma_semaphore, #tpu.memory_space<semaphore_mem>>, %arg26: memref<!tpu.dma_semaphore, #tpu.memory_space<semaphore_mem>>, %arg27: memref<!tpu.dma_semaphore, #tpu.memory_space<semaphore_mem>>, %arg28: memref<!tpu.dma_semaphore, #tpu.memory_space<semaphore_mem>>, %arg29: memref<!tpu.dma_semaphore, #tpu.memory_space<semaphore_mem>>, %arg30: memref<80xi32, #tpu.memory_space<vmem>>, %arg31: memref<80xi32, #tpu.memory_space<vmem>>, %arg32: memref<80x128xf32, #tpu.memory_space<vmem>>, %arg33: memref<!tpu.dma_semaphore, #tpu.memory_space<semaphore_mem>>, %arg34: memref<!tpu.dma_semaphore, #tpu.memory_space<semaphore_mem>>, %arg35: memref<!tpu.dma_semaphore, #tpu.memory_space<semaphore_mem>>, %arg36: memref<!tpu.dma_semaphore, #tpu.memory_space<semaphore_mem>>, %arg37: memref<!tpu.dma_semaphore, #tpu.memory_space<semaphore_mem>>, %arg38: memref<10240x128xf32, #tpu.memory_space<vmem_shared>>, %arg39: memref<!tpu.dma_semaphore, #tpu.memory_space<semaphore_mem>>) attributes {dimension_semantics = [#tpu.dimension_semantics<core_parallel>, #tpu.dimension_semantics<subcore_parallel>], iteration_bounds = array<i64: 2, 16>, scalar_prefetch = 0 : i64, scratch_operands = 34 : i64, tpu.core_type = #tpu.core_type<sc_vector_subcore>, window_params = [{transform_indices = #map}, {transform_indices = #map1}, {transform_indices = #map1}, {transform_indices = #map2}]} {
    %mul3A = arith.constant 2 : i32
    %mul3A_0 = arith.muli %arg1, %mul3A : i32
    %add3A = arith.addi %mul3A_0, %arg0 : i32
    %broadcast_in_dim3A = arith.constant 0.000000e+00 : f32
    %broadcast_in_dim3A_1 = vector.broadcast %broadcast_in_dim3A : f32 to vector<16xf32>
    %scan3A = arith.constant 0 : i32
    %scan3A_2 = arith.constant 0 : i32
    %scan3A_3 = arith.constant 80 : i32
    %scan3A_4 = arith.addi %scan3A_2, %scan3A_3 : i32
    %scan3A_5 = arith.constant 1 : i32
    scf.for %scan3A_342 = %scan3A_2 to %scan3A_4 step %scan3A_5  : i32 {
      %swap3A = arith.index_cast %scan3A_342 : i32 to index
      %swap3A_343 = arith.constant 0 : index
      %swap3A_344 = tpu.vector_load %arg32[%swap3A, %swap3A_343] {strides = array<i32>} : memref<80x128xf32, #tpu.memory_space<vmem>>, vector<1x16xf32>,
      %swap3A_345 = vector.shape_cast %swap3A_344 : vector<1x16xf32> to vector<16xf32>
      %swap3A_346 = vector.shape_cast %broadcast_in_dim3A_1 : vector<16xf32> to vector<1x16xf32>
      tpu.vector_store %arg32[%swap3A, %swap3A_343], %swap3A_346 {strides = array<i32>} : memref<80x128xf32, #tpu.memory_space<vmem>>, vector<1x16xf32>,
      %swap3A_347 = arith.index_cast %scan3A_342 : i32 to index
      %swap3A_348 = arith.constant 16 : index
      %swap3A_349 = tpu.vector_load %arg32[%swap3A_347, %swap3A_348] {strides = array<i32>} : memref<80x128xf32, #tpu.memory_space<vmem>>, vector<1x16xf32>,
      %swap3A_350 = vector.shape_cast %swap3A_349 : vector<1x16xf32> to vector<16xf32>
      %swap3A_351 = vector.shape_cast %broadcast_in_dim3A_1 : vector<16xf32> to vector<1x16xf32>
      tpu.vector_store %arg32[%swap3A_347, %swap3A_348], %swap3A_351 {strides = array<i32>} : memref<80x128xf32, #tpu.memory_space<vmem>>, vector<1x16xf32>,
      %swap3A_352 = arith.index_cast %scan3A_342 : i32 to index
      %swap3A_353 = arith.constant 32 : index
      %swap3A_354 = tpu.vector_load %arg32[%swap3A_352, %swap3A_353] {strides = array<i32>} : memref<80x128xf32, #tpu.memory_space<vmem>>, vector<1x16xf32>,
      %swap3A_355 = vector.shape_cast %swap3A_354 : vector<1x16xf32> to vector<16xf32>
      %swap3A_356 = vector.shape_cast %broadcast_in_dim3A_1 : vector<16xf32> to vector<1x16xf32>
      tpu.vector_store %arg32[%swap3A_352, %swap3A_353], %swap3A_356 {strides = array<i32>} : memref<80x128xf32, #tpu.memory_space<vmem>>, vector<1x16xf32>,
      %swap3A_357 = arith.index_cast %scan3A_342 : i32 to index
      %swap3A_358 = arith.constant 48 : index
      %swap3A_359 = tpu.vector_load %arg32[%swap3A_357, %swap3A_358] {strides = array<i32>} : memref<80x128xf32, #tpu.memory_space<vmem>>, vector<1x16xf32>,
      %swap3A_360 = vector.shape_cast %swap3A_359 : vector<1x16xf32> to vector<16xf32>
      %swap3A_361 = vector.shape_cast %broadcast_in_dim3A_1 : vector<16xf32> to vector<1x16xf32>
      tpu.vector_store %arg32[%swap3A_357, %swap3A_358], %swap3A_361 {strides = array<i32>} : memref<80x128xf32, #tpu.memory_space<vmem>>, vector<1x16xf32>,
      %swap3A_362 = arith.index_cast %scan3A_342 : i32 to index
      %swap3A_363 = arith.constant 64 : index
      %swap3A_364 = tpu.vector_load %arg32[%swap3A_362, %swap3A_363] {strides = array<i32>} : memref<80x128xf32, #tpu.memory_space<vmem>>, vector<1x16xf32>,
      %swap3A_365 = vector.shape_cast %swap3A_364 : vector<1x16xf32> to vector<16xf32>
      %swap3A_366 = vector.shape_cast %broadcast_in_dim3A_1 : vector<16xf32> to vector<1x16xf32>
      tpu.vector_store %arg32[%swap3A_362, %swap3A_363], %swap3A_366 {strides = array<i32>} : memref<80x128xf32, #tpu.memory_space<vmem>>, vector<1x16xf32>,
      %swap3A_367 = arith.index_cast %scan3A_342 : i32 to index
      %swap3A_368 = arith.constant 80 : index
      %swap3A_369 = tpu.vector_load %arg32[%swap3A_367, %swap3A_368] {strides = array<i32>} : memref<80x128xf32, #tpu.memory_space<vmem>>, vector<1x16xf32>,
      %swap3A_370 = vector.shape_cast %swap3A_369 : vector<1x16xf32> to vector<16xf32>
      %swap3A_371 = vector.shape_cast %broadcast_in_dim3A_1 : vector<16xf32> to vector<1x16xf32>
      tpu.vector_store %arg32[%swap3A_367, %swap3A_368], %swap3A_371 {strides = array<i32>} : memref<80x128xf32, #tpu.memory_space<vmem>>, vector<1x16xf32>,
      %swap3A_372 = arith.index_cast %scan3A_342 : i32 to index
      %swap3A_373 = arith.constant 96 : index
      %swap3A_374 = tpu.vector_load %arg32[%swap3A_372, %swap3A_373] {strides = array<i32>} : memref<80x128xf32, #tpu.memory_space<vmem>>, vector<1x16xf32>,
      %swap3A_375 = vector.shape_cast %swap3A_374 : vector<1x16xf32> to vector<16xf32>
      %swap3A_376 = vector.shape_cast %broadcast_in_dim3A_1 : vector<16xf32> to vector<1x16xf32>
      tpu.vector_store %arg32[%swap3A_372, %swap3A_373], %swap3A_376 {strides = array<i32>} : memref<80x128xf32, #tpu.memory_space<vmem>>, vector<1x16xf32>,
      %swap3A_377 = arith.index_cast %scan3A_342 : i32 to index
      %swap3A_378 = arith.constant 112 : index
      %swap3A_379 = tpu.vector_load %arg32[%swap3A_377, %swap3A_378] {strides = array<i32>} : memref<80x128xf32, #tpu.memory_space<vmem>>, vector<1x16xf32>,
      %swap3A_380 = vector.shape_cast %swap3A_379 : vector<1x16xf32> to vector<16xf32>
      %swap3A_381 = vector.shape_cast %broadcast_in_dim3A_1 : vector<16xf32> to vector<1x16xf32>
      tpu.vector_store %arg32[%swap3A_377, %swap3A_378], %swap3A_381 {strides = array<i32>} : memref<80x128xf32, #tpu.memory_space<vmem>>, vector<1x16xf32>,
    }
    %scan3A_6 = arith.constant 80 : i32
    %mul3A_7 = arith.constant 640 : i32
    %mul3A_8 = arith.muli %arg1, %mul3A_7 : i32
    %add3A_9 = arith.constant 0 : i32
    %add3A_10 = arith.addi %mul3A_8, %add3A_9 : i32
    %dma_start3A = arith.constant 0 : i32
    %dma_start3A_11 = tpu.memref_slice %arg38[%add3A_10, %dma_start3A] : memref<10240x128xf32, #tpu.memory_space<vmem_shared>> -> memref<80x128xf32, #tpu.memory_space<vmem_shared>>
    %dma_start3A_12 = arith.constant 0 : i32
    %dma_start3A_13 = tpu.memref_slice %arg38[%add3A_10, %dma_start3A_12] : memref<10240x128xf32, #tpu.memory_space<vmem_shared>> -> memref<80x128xf32, #tpu.memory_space<vmem_shared>>
    tpu.enqueue_dma source(%arg32 : memref<80x128xf32, #tpu.memory_space<vmem>>) target(%dma_start3A_13 : memref<80x128xf32, #tpu.memory_space<vmem_shared>>) target_semaphore(%arg39 : memref<!tpu.dma_semaphore, #tpu.memory_space<semaphore_mem>>)
    %mul3A_14 = arith.constant 640 : i32
    %mul3A_15 = arith.muli %arg1, %mul3A_14 : i32
    %add3A_16 = arith.constant 80 : i32
    %add3A_17 = arith.addi %mul3A_15, %add3A_16 : i32
    %dma_start3A_18 = arith.constant 0 : i32
    %dma_start3A_19 = tpu.memref_slice %arg38[%add3A_17, %dma_start3A_18] : memref<10240x128xf32, #tpu.memory_space<vmem_shared>> -> memref<80x128xf32, #tpu.memory_space<vmem_shared>>
    %dma_start3A_20 = arith.constant 0 : i32
    %dma_start3A_21 = tpu.memref_slice %arg38[%add3A_17, %dma_start3A_20] : memref<10240x128xf32, #tpu.memory_space<vmem_shared>> -> memref<80x128xf32, #tpu.memory_space<vmem_shared>>
    tpu.enqueue_dma source(%arg32 : memref<80x128xf32, #tpu.memory_space<vmem>>) target(%dma_start3A_21 : memref<80x128xf32, #tpu.memory_space<vmem_shared>>) target_semaphore(%arg39 : memref<!tpu.dma_semaphore, #tpu.memory_space<semaphore_mem>>)
    %mul3A_22 = arith.constant 640 : i32
    %mul3A_23 = arith.muli %arg1, %mul3A_22 : i32
    %add3A_24 = arith.constant 160 : i32
    %add3A_25 = arith.addi %mul3A_23, %add3A_24 : i32
    %dma_start3A_26 = arith.constant 0 : i32
    %dma_start3A_27 = tpu.memref_slice %arg38[%add3A_25, %dma_start3A_26] : memref<10240x128xf32, #tpu.memory_space<vmem_shared>> -> memref<80x128xf32, #tpu.memory_space<vmem_shared>>
    %dma_start3A_28 = arith.constant 0 : i32
    %dma_start3A_29 = tpu.memref_slice %arg38[%add3A_25, %dma_start3A_28] : memref<10240x128xf32, #tpu.memory_space<vmem_shared>> -> memref<80x128xf32, #tpu.memory_space<vmem_shared>>
    tpu.enqueue_dma source(%arg32 : memref<80x128xf32, #tpu.memory_space<vmem>>) target(%dma_start3A_29 : memref<80x128xf32, #tpu.memory_space<vmem_shared>>) target_semaphore(%arg39 : memref<!tpu.dma_semaphore, #tpu.memory_space<semaphore_mem>>)
    %mul3A_30 = arith.constant 640 : i32
    %mul3A_31 = arith.muli %arg1, %mul3A_30 : i32
    %add3A_32 = arith.constant 240 : i32
    %add3A_33 = arith.addi %mul3A_31, %add3A_32 : i32
    %dma_start3A_34 = arith.constant 0 : i32
    %dma_start3A_35 = tpu.memref_slice %arg38[%add3A_33, %dma_start3A_34] : memref<10240x128xf32, #tpu.memory_space<vmem_shared>> -> memref<80x128xf32, #tpu.memory_space<vmem_shared>>
    %dma_start3A_36 = arith.constant 0 : i32
    %dma_start3A_37 = tpu.memref_slice %arg38[%add3A_33, %dma_start3A_36] : memref<10240x128xf32, #tpu.memory_space<vmem_shared>> -> memref<80x128xf32, #tpu.memory_space<vmem_shared>>
    tpu.enqueue_dma source(%arg32 : memref<80x128xf32, #tpu.memory_space<vmem>>) target(%dma_start3A_37 : memref<80x128xf32, #tpu.memory_space<vmem_shared>>) target_semaphore(%arg39 : memref<!tpu.dma_semaphore, #tpu.memory_space<semaphore_mem>>)
    %mul3A_38 = arith.constant 640 : i32
    %mul3A_39 = arith.muli %arg1, %mul3A_38 : i32
    %add3A_40 = arith.constant 320 : i32
    %add3A_41 = arith.addi %mul3A_39, %add3A_40 : i32
    %dma_start3A_42 = arith.constant 0 : i32
    %dma_start3A_43 = tpu.memref_slice %arg38[%add3A_41, %dma_start3A_42] : memref<10240x128xf32, #tpu.memory_space<vmem_shared>> -> memref<80x128xf32, #tpu.memory_space<vmem_shared>>
    %dma_start3A_44 = arith.constant 0 : i32
    %dma_start3A_45 = tpu.memref_slice %arg38[%add3A_41, %dma_start3A_44] : memref<10240x128xf32, #tpu.memory_space<vmem_shared>> -> memref<80x128xf32, #tpu.memory_space<vmem_shared>>
    tpu.enqueue_dma source(%arg32 : memref<80x128xf32, #tpu.memory_space<vmem>>) target(%dma_start3A_45 : memref<80x128xf32, #tpu.memory_space<vmem_shared>>) target_semaphore(%arg39 : memref<!tpu.dma_semaphore, #tpu.memory_space<semaphore_mem>>)
    %mul3A_46 = arith.constant 640 : i32
    %mul3A_47 = arith.muli %arg1, %mul3A_46 : i32
    %add3A_48 = arith.constant 400 : i32
    %add3A_49 = arith.addi %mul3A_47, %add3A_48 : i32
    %dma_start3A_50 = arith.constant 0 : i32
    %dma_start3A_51 = tpu.memref_slice %arg38[%add3A_49, %dma_start3A_50] : memref<10240x128xf32, #tpu.memory_space<vmem_shared>> -> memref<80x128xf32, #tpu.memory_space<vmem_shared>>
    %dma_start3A_52 = arith.constant 0 : i32
    %dma_start3A_53 = tpu.memref_slice %arg38[%add3A_49, %dma_start3A_52] : memref<10240x128xf32, #tpu.memory_space<vmem_shared>> -> memref<80x128xf32, #tpu.memory_space<vmem_shared>>
    tpu.enqueue_dma source(%arg32 : memref<80x128xf32, #tpu.memory_space<vmem>>) target(%dma_start3A_53 : memref<80x128xf32, #tpu.memory_space<vmem_shared>>) target_semaphore(%arg39 : memref<!tpu.dma_semaphore, #tpu.memory_space<semaphore_mem>>)
    %mul3A_54 = arith.constant 640 : i32
    %mul3A_55 = arith.muli %arg1, %mul3A_54 : i32
    %add3A_56 = arith.constant 480 : i32
    %add3A_57 = arith.addi %mul3A_55, %add3A_56 : i32
    %dma_start3A_58 = arith.constant 0 : i32
    %dma_start3A_59 = tpu.memref_slice %arg38[%add3A_57, %dma_start3A_58] : memref<10240x128xf32, #tpu.memory_space<vmem_shared>> -> memref<80x128xf32, #tpu.memory_space<vmem_shared>>
    %dma_start3A_60 = arith.constant 0 : i32
    %dma_start3A_61 = tpu.memref_slice %arg38[%add3A_57, %dma_start3A_60] : memref<10240x128xf32, #tpu.memory_space<vmem_shared>> -> memref<80x128xf32, #tpu.memory_space<vmem_shared>>
    tpu.enqueue_dma source(%arg32 : memref<80x128xf32, #tpu.memory_space<vmem>>) target(%dma_start3A_61 : memref<80x128xf32, #tpu.memory_space<vmem_shared>>) target_semaphore(%arg39 : memref<!tpu.dma_semaphore, #tpu.memory_space<semaphore_mem>>)
    %mul3A_62 = arith.constant 640 : i32
    %mul3A_63 = arith.muli %arg1, %mul3A_62 : i32
    %add3A_64 = arith.constant 560 : i32
    %add3A_65 = arith.addi %mul3A_63, %add3A_64 : i32
    %dma_start3A_66 = arith.constant 0 : i32
    %dma_start3A_67 = tpu.memref_slice %arg38[%add3A_65, %dma_start3A_66] : memref<10240x128xf32, #tpu.memory_space<vmem_shared>> -> memref<80x128xf32, #tpu.memory_space<vmem_shared>>
    %dma_start3A_68 = arith.constant 0 : i32
    %dma_start3A_69 = tpu.memref_slice %arg38[%add3A_65, %dma_start3A_68] : memref<10240x128xf32, #tpu.memory_space<vmem_shared>> -> memref<80x128xf32, #tpu.memory_space<vmem_shared>>
    tpu.enqueue_dma source(%arg32 : memref<80x128xf32, #tpu.memory_space<vmem>>) target(%dma_start3A_69 : memref<80x128xf32, #tpu.memory_space<vmem_shared>>) target_semaphore(%arg39 : memref<!tpu.dma_semaphore, #tpu.memory_space<semaphore_mem>>)
    %mul3A_70 = arith.constant 10000 : i32
    %mul3A_71 = arith.muli %add3A, %mul3A_70 : i32
    %add3A_72 = arith.constant 0 : i32
    %add3A_73 = arith.addi %mul3A_71, %add3A_72 : i32
    %multiple_of3A = tpu.assume_multiple %add3A_73, 8 : i32
    %dma_start3A_74 = tpu.memref_slice %arg3[%multiple_of3A] : memref<320000xi32, #tpu.memory_space<hbm>> -> memref<80xi32, #tpu.memory_space<hbm>>
    %dma_start3A_75 = tpu.memref_slice %arg3[%multiple_of3A] : memref<320000xi32, #tpu.memory_space<hbm>> -> memref<80xi32, #tpu.memory_space<hbm>>
    tpu.enqueue_dma source(%dma_start3A_75 : memref<80xi32, #tpu.memory_space<hbm>>) target(%arg6 : memref<80xi32, #tpu.memory_space<vmem>>) target_semaphore(%arg9 : memref<!tpu.dma_semaphore, #tpu.memory_space<semaphore_mem>>)
    %mul3A_76 = arith.constant 10000 : i32
    %mul3A_77 = arith.muli %add3A, %mul3A_76 : i32
    %add3A_78 = arith.constant 0 : i32
    %add3A_79 = arith.addi %mul3A_77, %add3A_78 : i32
    %multiple_of3A_80 = tpu.assume_multiple %add3A_79, 8 : i32
    %dma_start3A_81 = tpu.memref_slice %arg4[%multiple_of3A_80] : memref<320000xi32, #tpu.memory_space<hbm>> -> memref<80xi32, #tpu.memory_space<hbm>>
    %dma_start3A_82 = tpu.memref_slice %arg4[%multiple_of3A_80] : memref<320000xi32, #tpu.memory_space<hbm>> -> memref<80xi32, #tpu.memory_space<hbm>>
    tpu.enqueue_dma source(%dma_start3A_82 : memref<80xi32, #tpu.memory_space<hbm>>) target(%arg7 : memref<80xi32, #tpu.memory_space<vmem>>) target_semaphore(%arg10 : memref<!tpu.dma_semaphore, #tpu.memory_space<semaphore_mem>>)
    %mul3A_83 = arith.constant 10000 : i32
    %mul3A_84 = arith.muli %add3A, %mul3A_83 : i32
    %add3A_85 = arith.constant 80 : i32
    %add3A_86 = arith.addi %mul3A_84, %add3A_85 : i32
    %multiple_of3A_87 = tpu.assume_multiple %add3A_86, 8 : i32
    %dma_start3A_88 = tpu.memref_slice %arg3[%multiple_of3A_87] : memref<320000xi32, #tpu.memory_space<hbm>> -> memref<80xi32, #tpu.memory_space<hbm>>
    %dma_start3A_89 = tpu.memref_slice %arg3[%multiple_of3A_87] : memref<320000xi32, #tpu.memory_space<hbm>> -> memref<80xi32, #tpu.memory_space<hbm>>
    tpu.enqueue_dma source(%dma_start3A_89 : memref<80xi32, #tpu.memory_space<hbm>>) target(%arg14 : memref<80xi32, #tpu.memory_space<vmem>>) target_semaphore(%arg17 : memref<!tpu.dma_semaphore, #tpu.memory_space<semaphore_mem>>)
    %mul3A_90 = arith.constant 10000 : i32
    %mul3A_91 = arith.muli %add3A, %mul3A_90 : i32
    %add3A_92 = arith.constant 80 : i32
    %add3A_93 = arith.addi %mul3A_91, %add3A_92 : i32
    %multiple_of3A_94 = tpu.assume_multiple %add3A_93, 8 : i32
    %dma_start3A_95 = tpu.memref_slice %arg4[%multiple_of3A_94] : memref<320000xi32, #tpu.memory_space<hbm>> -> memref<80xi32, #tpu.memory_space<hbm>>
    %dma_start3A_96 = tpu.memref_slice %arg4[%multiple_of3A_94] : memref<320000xi32, #tpu.memory_space<hbm>> -> memref<80xi32, #tpu.memory_space<hbm>>
    tpu.enqueue_dma source(%dma_start3A_96 : memref<80xi32, #tpu.memory_space<hbm>>) target(%arg15 : memref<80xi32, #tpu.memory_space<vmem>>) target_semaphore(%arg18 : memref<!tpu.dma_semaphore, #tpu.memory_space<semaphore_mem>>)
    %mul3A_97 = arith.constant 10000 : i32
    %mul3A_98 = arith.muli %add3A, %mul3A_97 : i32
    %add3A_99 = arith.constant 160 : i32
    %add3A_100 = arith.addi %mul3A_98, %add3A_99 : i32
    %multiple_of3A_101 = tpu.assume_multiple %add3A_100, 8 : i32
    %dma_start3A_102 = tpu.memref_slice %arg3[%multiple_of3A_101] : memref<320000xi32, #tpu.memory_space<hbm>> -> memref<80xi32, #tpu.memory_space<hbm>>
    %dma_start3A_103 = tpu.memref_slice %arg3[%multiple_of3A_101] : memref<320000xi32, #tpu.memory_space<hbm>> -> memref<80xi32, #tpu.memory_space<hbm>>
    tpu.enqueue_dma source(%dma_start3A_103 : memref<80xi32, #tpu.memory_space<hbm>>) target(%arg22 : memref<80xi32, #tpu.memory_space<vmem>>) target_semaphore(%arg25 : memref<!tpu.dma_semaphore, #tpu.memory_space<semaphore_mem>>)
    %mul3A_104 = arith.constant 10000 : i32
    %mul3A_105 = arith.muli %add3A, %mul3A_104 : i32
    %add3A_106 = arith.constant 160 : i32
    %add3A_107 = arith.addi %mul3A_105, %add3A_106 : i32
    %multiple_of3A_108 = tpu.assume_multiple %add3A_107, 8 : i32
    %dma_start3A_109 = tpu.memref_slice %arg4[%multiple_of3A_108] : memref<320000xi32, #tpu.memory_space<hbm>> -> memref<80xi32, #tpu.memory_space<hbm>>
    %dma_start3A_110 = tpu.memref_slice %arg4[%multiple_of3A_108] : memref<320000xi32, #tpu.memory_space<hbm>> -> memref<80xi32, #tpu.memory_space<hbm>>
    tpu.enqueue_dma source(%dma_start3A_110 : memref<80xi32, #tpu.memory_space<hbm>>) target(%arg23 : memref<80xi32, #tpu.memory_space<vmem>>) target_semaphore(%arg26 : memref<!tpu.dma_semaphore, #tpu.memory_space<semaphore_mem>>)
    %mul3A_111 = arith.constant 10000 : i32
    %mul3A_112 = arith.muli %add3A, %mul3A_111 : i32
    %add3A_113 = arith.constant 240 : i32
    %add3A_114 = arith.addi %mul3A_112, %add3A_113 : i32
    %multiple_of3A_115 = tpu.assume_multiple %add3A_114, 8 : i32
    %dma_start3A_116 = tpu.memref_slice %arg3[%multiple_of3A_115] : memref<320000xi32, #tpu.memory_space<hbm>> -> memref<80xi32, #tpu.memory_space<hbm>>
    %dma_start3A_117 = tpu.memref_slice %arg3[%multiple_of3A_115] : memref<320000xi32, #tpu.memory_space<hbm>> -> memref<80xi32, #tpu.memory_space<hbm>>
    tpu.enqueue_dma source(%dma_start3A_117 : memref<80xi32, #tpu.memory_space<hbm>>) target(%arg30 : memref<80xi32, #tpu.memory_space<vmem>>) target_semaphore(%arg33 : memref<!tpu.dma_semaphore, #tpu.memory_space<semaphore_mem>>)
    %mul3A_118 = arith.constant 10000 : i32
    %mul3A_119 = arith.muli %add3A, %mul3A_118 : i32
    %add3A_120 = arith.constant 240 : i32
    %add3A_121 = arith.addi %mul3A_119, %add3A_120 : i32
    %multiple_of3A_122 = tpu.assume_multiple %add3A_121, 8 : i32
    %dma_start3A_123 = tpu.memref_slice %arg4[%multiple_of3A_122] : memref<320000xi32, #tpu.memory_space<hbm>> -> memref<80xi32, #tpu.memory_space<hbm>>
    %dma_start3A_124 = tpu.memref_slice %arg4[%multiple_of3A_122] : memref<320000xi32, #tpu.memory_space<hbm>> -> memref<80xi32, #tpu.memory_space<hbm>>
    tpu.enqueue_dma source(%dma_start3A_124 : memref<80xi32, #tpu.memory_space<hbm>>) target(%arg31 : memref<80xi32, #tpu.memory_space<vmem>>) target_semaphore(%arg34 : memref<!tpu.dma_semaphore, #tpu.memory_space<semaphore_mem>>)
    %mul3A_125 = arith.constant 10000 : i32
    %mul3A_126 = arith.muli %add3A, %mul3A_125 : i32
    %add3A_127 = arith.constant 0 : i32
    %add3A_128 = arith.addi %mul3A_126, %add3A_127 : i32
    %multiple_of3A_129 = tpu.assume_multiple %add3A_128, 8 : i32
    %dma_wait3A = tpu.memref_slice %arg3[%multiple_of3A_129] : memref<320000xi32, #tpu.memory_space<hbm>> -> memref<80xi32, #tpu.memory_space<hbm>>
    %dma_wait3A_130 = tpu.memref_slice %arg3[%multiple_of3A_129] : memref<320000xi32, #tpu.memory_space<hbm>> -> memref<80xi32, #tpu.memory_space<hbm>>
    tpu.wait_dma2 semaphore(%arg9 : memref<!tpu.dma_semaphore, #tpu.memory_space<semaphore_mem>>) src(%dma_wait3A_130 : memref<80xi32, #tpu.memory_space<hbm>>) dst(%arg6 : memref<80xi32, #tpu.memory_space<vmem>>)
    %dma_start3A_131 = arith.constant 0 : i32
    %dma_start3A_132 = arith.constant 0 : i32
    %dma_start3A_133 = tpu.memref_slice %arg2[%dma_start3A_131, %dma_start3A_132] : memref<10000x128xf32, #tpu.memory_space<hbm>> -> memref<10000x128xf32, #tpu.memory_space<hbm>>
    tpu.enqueue_indirect_dma source(%dma_start3A_133 : memref<10000x128xf32, #tpu.memory_space<hbm>>) target(%arg8 : memref<80x128xf32, #tpu.memory_space<vmem>>) offsets(%arg6 : memref<80xi32, #tpu.memory_space<vmem>>) semaphore(%arg11 : memref<!tpu.dma_semaphore, #tpu.memory_space<semaphore_mem>>)
    %mul3A_134 = arith.constant 10000 : i32
    %mul3A_135 = arith.muli %add3A, %mul3A_134 : i32
    %add3A_136 = arith.constant 80 : i32
    %add3A_137 = arith.addi %mul3A_135, %add3A_136 : i32
    %multiple_of3A_138 = tpu.assume_multiple %add3A_137, 8 : i32
    %dma_wait3A_139 = tpu.memref_slice %arg3[%multiple_of3A_138] : memref<320000xi32, #tpu.memory_space<hbm>> -> memref<80xi32, #tpu.memory_space<hbm>>
    %dma_wait3A_140 = tpu.memref_slice %arg3[%multiple_of3A_138] : memref<320000xi32, #tpu.memory_space<hbm>> -> memref<80xi32, #tpu.memory_space<hbm>>
    tpu.wait_dma2 semaphore(%arg17 : memref<!tpu.dma_semaphore, #tpu.memory_space<semaphore_mem>>) src(%dma_wait3A_140 : memref<80xi32, #tpu.memory_space<hbm>>) dst(%arg14 : memref<80xi32, #tpu.memory_space<vmem>>)
    %dma_start3A_141 = arith.constant 0 : i32
    %dma_start3A_142 = arith.constant 0 : i32
    %dma_start3A_143 = tpu.memref_slice %arg2[%dma_start3A_141, %dma_start3A_142] : memref<10000x128xf32, #tpu.memory_space<hbm>> -> memref<10000x128xf32, #tpu.memory_space<hbm>>
    tpu.enqueue_indirect_dma source(%dma_start3A_143 : memref<10000x128xf32, #tpu.memory_space<hbm>>) target(%arg16 : memref<80x128xf32, #tpu.memory_space<vmem>>) offsets(%arg14 : memref<80xi32, #tpu.memory_space<vmem>>) semaphore(%arg19 : memref<!tpu.dma_semaphore, #tpu.memory_space<semaphore_mem>>)
    %mul3A_144 = arith.constant 10000 : i32
    %mul3A_145 = arith.muli %add3A, %mul3A_144 : i32
    %add3A_146 = arith.constant 160 : i32
    %add3A_147 = arith.addi %mul3A_145, %add3A_146 : i32
    %multiple_of3A_148 = tpu.assume_multiple %add3A_147, 8 : i32
    %dma_wait3A_149 = tpu.memref_slice %arg3[%multiple_of3A_148] : memref<320000xi32, #tpu.memory_space<hbm>> -> memref<80xi32, #tpu.memory_space<hbm>>
    %dma_wait3A_150 = tpu.memref_slice %arg3[%multiple_of3A_148] : memref<320000xi32, #tpu.memory_space<hbm>> -> memref<80xi32, #tpu.memory_space<hbm>>
    tpu.wait_dma2 semaphore(%arg25 : memref<!tpu.dma_semaphore, #tpu.memory_space<semaphore_mem>>) src(%dma_wait3A_150 : memref<80xi32, #tpu.memory_space<hbm>>) dst(%arg22 : memref<80xi32, #tpu.memory_space<vmem>>)
    %dma_start3A_151 = arith.constant 0 : i32
    %dma_start3A_152 = arith.constant 0 : i32
    %dma_start3A_153 = tpu.memref_slice %arg2[%dma_start3A_151, %dma_start3A_152] : memref<10000x128xf32, #tpu.memory_space<hbm>> -> memref<10000x128xf32, #tpu.memory_space<hbm>>
    tpu.enqueue_indirect_dma source(%dma_start3A_153 : memref<10000x128xf32, #tpu.memory_space<hbm>>) target(%arg24 : memref<80x128xf32, #tpu.memory_space<vmem>>) offsets(%arg22 : memref<80xi32, #tpu.memory_space<vmem>>) semaphore(%arg27 : memref<!tpu.dma_semaphore, #tpu.memory_space<semaphore_mem>>)
    %mul3A_154 = arith.constant 640 : i32
    %mul3A_155 = arith.muli %arg1, %mul3A_154 : i32
    %add3A_156 = arith.constant 0 : i32
    %add3A_157 = arith.addi %mul3A_155, %add3A_156 : i32
    %dma_wait3A_158 = arith.constant 0 : i32
    %dma_wait3A_159 = tpu.memref_slice %arg38[%add3A_157, %dma_wait3A_158] : memref<10240x128xf32, #tpu.memory_space<vmem_shared>> -> memref<80x128xf32, #tpu.memory_space<vmem_shared>>
    %dma_wait3A_160 = arith.constant 0 : i32
    %dma_wait3A_161 = tpu.memref_slice %arg38[%add3A_157, %dma_wait3A_160] : memref<10240x128xf32, #tpu.memory_space<vmem_shared>> -> memref<80x128xf32, #tpu.memory_space<vmem_shared>>
    tpu.wait_dma2 semaphore(%arg39 : memref<!tpu.dma_semaphore, #tpu.memory_space<semaphore_mem>>) src(%arg32 : memref<80x128xf32, #tpu.memory_space<vmem>>) dst(%dma_wait3A_161 : memref<80x128xf32, #tpu.memory_space<vmem_shared>>)
    %mul3A_162 = arith.constant 640 : i32
    %mul3A_163 = arith.muli %arg1, %mul3A_162 : i32
    %add3A_164 = arith.constant 80 : i32
    %add3A_165 = arith.addi %mul3A_163, %add3A_164 : i32
    %dma_wait3A_166 = arith.constant 0 : i32
    %dma_wait3A_167 = tpu.memref_slice %arg38[%add3A_165, %dma_wait3A_166] : memref<10240x128xf32, #tpu.memory_space<vmem_shared>> -> memref<80x128xf32, #tpu.memory_space<vmem_shared>>
    %dma_wait3A_168 = arith.constant 0 : i32
    %dma_wait3A_169 = tpu.memref_slice %arg38[%add3A_165, %dma_wait3A_168] : memref<10240x128xf32, #tpu.memory_space<vmem_shared>> -> memref<80x128xf32, #tpu.memory_space<vmem_shared>>
    tpu.wait_dma2 semaphore(%arg39 : memref<!tpu.dma_semaphore, #tpu.memory_space<semaphore_mem>>) src(%arg32 : memref<80x128xf32, #tpu.memory_space<vmem>>) dst(%dma_wait3A_169 : memref<80x128xf32, #tpu.memory_space<vmem_shared>>)
    %mul3A_170 = arith.constant 640 : i32
    %mul3A_171 = arith.muli %arg1, %mul3A_170 : i32
    %add3A_172 = arith.constant 160 : i32
    %add3A_173 = arith.addi %mul3A_171, %add3A_172 : i32
    %dma_wait3A_174 = arith.constant 0 : i32
    %dma_wait3A_175 = tpu.memref_slice %arg38[%add3A_173, %dma_wait3A_174] : memref<10240x128xf32, #tpu.memory_space<vmem_shared>> -> memref<80x128xf32, #tpu.memory_space<vmem_shared>>
    %dma_wait3A_176 = arith.constant 0 : i32
    %dma_wait3A_177 = tpu.memref_slice %arg38[%add3A_173, %dma_wait3A_176] : memref<10240x128xf32, #tpu.memory_space<vmem_shared>> -> memref<80x128xf32, #tpu.memory_space<vmem_shared>>
    tpu.wait_dma2 semaphore(%arg39 : memref<!tpu.dma_semaphore, #tpu.memory_space<semaphore_mem>>) src(%arg32 : memref<80x128xf32, #tpu.memory_space<vmem>>) dst(%dma_wait3A_177 : memref<80x128xf32, #tpu.memory_space<vmem_shared>>)
    %mul3A_178 = arith.constant 640 : i32
    %mul3A_179 = arith.muli %arg1, %mul3A_178 : i32
    %add3A_180 = arith.constant 240 : i32
    %add3A_181 = arith.addi %mul3A_179, %add3A_180 : i32
    %dma_wait3A_182 = arith.constant 0 : i32
    %dma_wait3A_183 = tpu.memref_slice %arg38[%add3A_181, %dma_wait3A_182] : memref<10240x128xf32, #tpu.memory_space<vmem_shared>> -> memref<80x128xf32, #tpu.memory_space<vmem_shared>>
    %dma_wait3A_184 = arith.constant 0 : i32
    %dma_wait3A_185 = tpu.memref_slice %arg38[%add3A_181, %dma_wait3A_184] : memref<10240x128xf32, #tpu.memory_space<vmem_shared>> -> memref<80x128xf32, #tpu.memory_space<vmem_shared>>
    tpu.wait_dma2 semaphore(%arg39 : memref<!tpu.dma_semaphore, #tpu.memory_space<semaphore_mem>>) src(%arg32 : memref<80x128xf32, #tpu.memory_space<vmem>>) dst(%dma_wait3A_185 : memref<80x128xf32, #tpu.memory_space<vmem_shared>>)
    %mul3A_186 = arith.constant 640 : i32
    %mul3A_187 = arith.muli %arg1, %mul3A_186 : i32
    %add3A_188 = arith.constant 320 : i32
    %add3A_189 = arith.addi %mul3A_187, %add3A_188 : i32
    %dma_wait3A_190 = arith.constant 0 : i32
    %dma_wait3A_191 = tpu.memref_slice %arg38[%add3A_189, %dma_wait3A_190] : memref<10240x128xf32, #tpu.memory_space<vmem_shared>> -> memref<80x128xf32, #tpu.memory_space<vmem_shared>>
    %dma_wait3A_192 = arith.constant 0 : i32
    %dma_wait3A_193 = tpu.memref_slice %arg38[%add3A_189, %dma_wait3A_192] : memref<10240x128xf32, #tpu.memory_space<vmem_shared>> -> memref<80x128xf32, #tpu.memory_space<vmem_shared>>
    tpu.wait_dma2 semaphore(%arg39 : memref<!tpu.dma_semaphore, #tpu.memory_space<semaphore_mem>>) src(%arg32 : memref<80x128xf32, #tpu.memory_space<vmem>>) dst(%dma_wait3A_193 : memref<80x128xf32, #tpu.memory_space<vmem_shared>>)
    %mul3A_194 = arith.constant 640 : i32
    %mul3A_195 = arith.muli %arg1, %mul3A_194 : i32
    %add3A_196 = arith.constant 400 : i32
    %add3A_197 = arith.addi %mul3A_195, %add3A_196 : i32
    %dma_wait3A_198 = arith.constant 0 : i32
    %dma_wait3A_199 = tpu.memref_slice %arg38[%add3A_197, %dma_wait3A_198] : memref<10240x128xf32, #tpu.memory_space<vmem_shared>> -> memref<80x128xf32, #tpu.memory_space<vmem_shared>>
    %dma_wait3A_200 = arith.constant 0 : i32
    %dma_wait3A_201 = tpu.memref_slice %arg38[%add3A_197, %dma_wait3A_200] : memref<10240x128xf32, #tpu.memory_space<vmem_shared>> -> memref<80x128xf32, #tpu.memory_space<vmem_shared>>
    tpu.wait_dma2 semaphore(%arg39 : memref<!tpu.dma_semaphore, #tpu.memory_space<semaphore_mem>>) src(%arg32 : memref<80x128xf32, #tpu.memory_space<vmem>>) dst(%dma_wait3A_201 : memref<80x128xf32, #tpu.memory_space<vmem_shared>>)
    %mul3A_202 = arith.constant 640 : i32
    %mul3A_203 = arith.muli %arg1, %mul3A_202 : i32
    %add3A_204 = arith.constant 480 : i32
    %add3A_205 = arith.addi %mul3A_203, %add3A_204 : i32
    %dma_wait3A_206 = arith.constant 0 : i32
    %dma_wait3A_207 = tpu.memref_slice %arg38[%add3A_205, %dma_wait3A_206] : memref<10240x128xf32, #tpu.memory_space<vmem_shared>> -> memref<80x128xf32, #tpu.memory_space<vmem_shared>>
    %dma_wait3A_208 = arith.constant 0 : i32
    %dma_wait3A_209 = tpu.memref_slice %arg38[%add3A_205, %dma_wait3A_208] : memref<10240x128xf32, #tpu.memory_space<vmem_shared>> -> memref<80x128xf32, #tpu.memory_space<vmem_shared>>
    tpu.wait_dma2 semaphore(%arg39 : memref<!tpu.dma_semaphore, #tpu.memory_space<semaphore_mem>>) src(%arg32 : memref<80x128xf32, #tpu.memory_space<vmem>>) dst(%dma_wait3A_209 : memref<80x128xf32, #tpu.memory_space<vmem_shared>>)
    %mul3A_210 = arith.constant 640 : i32
    %mul3A_211 = arith.muli %arg1, %mul3A_210 : i32
    %add3A_212 = arith.constant 560 : i32
    %add3A_213 = arith.addi %mul3A_211, %add3A_212 : i32
    %dma_wait3A_214 = arith.constant 0 : i32
    %dma_wait3A_215 = tpu.memref_slice %arg38[%add3A_213, %dma_wait3A_214] : memref<10240x128xf32, #tpu.memory_space<vmem_shared>> -> memref<80x128xf32, #tpu.memory_space<vmem_shared>>
    %dma_wait3A_216 = arith.constant 0 : i32
    %dma_wait3A_217 = tpu.memref_slice %arg38[%add3A_213, %dma_wait3A_216] : memref<10240x128xf32, #tpu.memory_space<vmem_shared>> -> memref<80x128xf32, #tpu.memory_space<vmem_shared>>
    tpu.wait_dma2 semaphore(%arg39 : memref<!tpu.dma_semaphore, #tpu.memory_space<semaphore_mem>>) src(%arg32 : memref<80x128xf32, #tpu.memory_space<vmem>>) dst(%dma_wait3A_217 : memref<80x128xf32, #tpu.memory_space<vmem_shared>>)
    %barrier3A = arith.constant 0 : index
    tpu.barrier barrier_id(%barrier3A)
    %mul3A_218 = arith.constant 10000 : i32
    %mul3A_219 = arith.muli %add3A, %mul3A_218 : i32
    %add3A_220 = arith.constant 0 : i32
    %add3A_221 = arith.addi %mul3A_219, %add3A_220 : i32
    %multiple_of3A_222 = tpu.assume_multiple %add3A_221, 8 : i32
    %dma_wait3A_223 = tpu.memref_slice %arg4[%multiple_of3A_222] : memref<320000xi32, #tpu.memory_space<hbm>> -> memref<80xi32, #tpu.memory_space<hbm>>
    %dma_wait3A_224 = tpu.memref_slice %arg4[%multiple_of3A_222] : memref<320000xi32, #tpu.memory_space<hbm>> -> memref<80xi32, #tpu.memory_space<hbm>>
    tpu.wait_dma2 semaphore(%arg10 : memref<!tpu.dma_semaphore, #tpu.memory_space<semaphore_mem>>) src(%dma_wait3A_224 : memref<80xi32, #tpu.memory_space<hbm>>) dst(%arg7 : memref<80xi32, #tpu.memory_space<vmem>>)
    %dma_wait3A_225 = arith.constant 0 : i32
    %dma_wait3A_226 = arith.constant 0 : i32
    %dma_wait3A_227 = tpu.memref_slice %arg2[%dma_wait3A_225, %dma_wait3A_226] : memref<10000x128xf32, #tpu.memory_space<hbm>> -> memref<10000x128xf32, #tpu.memory_space<hbm>>
    tpu.wait_indirect_dma semaphore(%arg11 : memref<!tpu.dma_semaphore, #tpu.memory_space<semaphore_mem>>) src(%dma_wait3A_227 : memref<10000x128xf32, #tpu.memory_space<hbm>>) dst(%arg8 : memref<80x128xf32, #tpu.memory_space<vmem>>)
    %dma_start3A_228 = arith.constant 0 : i32
    %dma_start3A_229 = arith.constant 0 : i32
    %dma_start3A_230 = tpu.memref_slice %arg38[%dma_start3A_228, %dma_start3A_229] : memref<10240x128xf32, #tpu.memory_space<vmem_shared>> -> memref<10240x128xf32, #tpu.memory_space<vmem_shared>>
    tpu.enqueue_indirect_dma source(%arg8 : memref<80x128xf32, #tpu.memory_space<vmem>>) target(%dma_start3A_230 : memref<10240x128xf32, #tpu.memory_space<vmem_shared>>) offsets(%arg7 : memref<80xi32, #tpu.memory_space<vmem>>) semaphore(%arg12 : memref<!tpu.dma_semaphore, #tpu.memory_space<semaphore_mem>>) {add = true}
    %mul3A_231 = arith.constant 10000 : i32
    %mul3A_232 = arith.muli %add3A, %mul3A_231 : i32
    %add3A_233 = arith.constant 80 : i32
    %add3A_234 = arith.addi %mul3A_232, %add3A_233 : i32
    %multiple_of3A_235 = tpu.assume_multiple %add3A_234, 8 : i32
    %dma_wait3A_236 = tpu.memref_slice %arg4[%multiple_of3A_235] : memref<320000xi32, #tpu.memory_space<hbm>> -> memref<80xi32, #tpu.memory_space<hbm>>
    %dma_wait3A_237 = tpu.memref_slice %arg4[%multiple_of3A_235] : memref<320000xi32, #tpu.memory_space<hbm>> -> memref<80xi32, #tpu.memory_space<hbm>>
    tpu.wait_dma2 semaphore(%arg18 : memref<!tpu.dma_semaphore, #tpu.memory_space<semaphore_mem>>) src(%dma_wait3A_237 : memref<80xi32, #tpu.memory_space<hbm>>) dst(%arg15 : memref<80xi32, #tpu.memory_space<vmem>>)
    %dma_wait3A_238 = arith.constant 0 : i32
    %dma_wait3A_239 = arith.constant 0 : i32
    %dma_wait3A_240 = tpu.memref_slice %arg2[%dma_wait3A_238, %dma_wait3A_239] : memref<10000x128xf32, #tpu.memory_space<hbm>> -> memref<10000x128xf32, #tpu.memory_space<hbm>>
    tpu.wait_indirect_dma semaphore(%arg19 : memref<!tpu.dma_semaphore, #tpu.memory_space<semaphore_mem>>) src(%dma_wait3A_240 : memref<10000x128xf32, #tpu.memory_space<hbm>>) dst(%arg16 : memref<80x128xf32, #tpu.memory_space<vmem>>)
    %dma_start3A_241 = arith.constant 0 : i32
    %dma_start3A_242 = arith.constant 0 : i32
    %dma_start3A_243 = tpu.memref_slice %arg38[%dma_start3A_241, %dma_start3A_242] : memref<10240x128xf32, #tpu.memory_space<vmem_shared>> -> memref<10240x128xf32, #tpu.memory_space<vmem_shared>>
    tpu.enqueue_indirect_dma source(%arg16 : memref<80x128xf32, #tpu.memory_space<vmem>>) target(%dma_start3A_243 : memref<10240x128xf32, #tpu.memory_space<vmem_shared>>) offsets(%arg15 : memref<80xi32, #tpu.memory_space<vmem>>) semaphore(%arg20 : memref<!tpu.dma_semaphore, #tpu.memory_space<semaphore_mem>>) {add = true}
    %scan3A_244 = arith.constant 0 : i32
    %scan3A_245 = arith.constant 30 : i32
    %scan3A_246 = arith.addi %scan3A_244, %scan3A_245 : i32
    %scan3A_247 = arith.constant 1 : i32
    scf.for %scan3A_342 = %scan3A_244 to %scan3A_246 step %scan3A_247  : i32 {
      %mul3A_343 = arith.constant 1 : i32
      %mul3A_344 = arith.muli %scan3A_342, %mul3A_343 : i32
      %add3A_345 = arith.constant 0 : i32
      %add3A_346 = arith.addi %add3A_345, %mul3A_344 : i32
      %mul3A_347 = arith.constant 4 : i32
      %mul3A_348 = arith.muli %add3A_346, %mul3A_347 : i32
      %add3A_349 = arith.constant 4 : i32
      %add3A_350 = arith.addi %mul3A_348, %add3A_349 : i32
      %add3A_351 = arith.constant 0 : i32
      %add3A_352 = arith.addi %add3A_350, %add3A_351 : i32
      %dma_wait3A_353 = arith.constant 0 : i32
      %dma_wait3A_354 = arith.constant 0 : i32
      %dma_wait3A_355 = tpu.memref_slice %arg38[%dma_wait3A_353, %dma_wait3A_354] : memref<10240x128xf32, #tpu.memory_space<vmem_shared>> -> memref<10240x128xf32, #tpu.memory_space<vmem_shared>>
      tpu.wait_indirect_dma semaphore(%arg12 : memref<!tpu.dma_semaphore, #tpu.memory_space<semaphore_mem>>) src(%arg8 : memref<80x128xf32, #tpu.memory_space<vmem>>) dst(%dma_wait3A_355 : memref<10240x128xf32, #tpu.memory_space<vmem_shared>>)
      %mul3A_356 = arith.constant 10000 : i32
      %mul3A_357 = arith.muli %add3A, %mul3A_356 : i32
      %mul3A_358 = arith.constant 80 : i32
      %mul3A_359 = arith.muli %add3A_352, %mul3A_358 : i32
      %add3A_360 = arith.addi %mul3A_357, %mul3A_359 : i32
      %multiple_of3A_361 = tpu.assume_multiple %add3A_360, 8 : i32
      %dma_start3A_362 = tpu.memref_slice %arg3[%multiple_of3A_361] : memref<320000xi32, #tpu.memory_space<hbm>> -> memref<80xi32, #tpu.memory_space<hbm>>
      %dma_start3A_363 = tpu.memref_slice %arg3[%multiple_of3A_361] : memref<320000xi32, #tpu.memory_space<hbm>> -> memref<80xi32, #tpu.memory_space<hbm>>
      tpu.enqueue_dma source(%dma_start3A_363 : memref<80xi32, #tpu.memory_space<hbm>>) target(%arg6 : memref<80xi32, #tpu.memory_space<vmem>>) target_semaphore(%arg9 : memref<!tpu.dma_semaphore, #tpu.memory_space<semaphore_mem>>)
      %mul3A_364 = arith.constant 10000 : i32
      %mul3A_365 = arith.muli %add3A, %mul3A_364 : i32
      %mul3A_366 = arith.constant 80 : i32
      %mul3A_367 = arith.muli %add3A_352, %mul3A_366 : i32
      %add3A_368 = arith.addi %mul3A_365, %mul3A_367 : i32
      %multiple_of3A_369 = tpu.assume_multiple %add3A_368, 8 : i32
      %dma_start3A_370 = tpu.memref_slice %arg4[%multiple_of3A_369] : memref<320000xi32, #tpu.memory_space<hbm>> -> memref<80xi32, #tpu.memory_space<hbm>>
      %dma_start3A_371 = tpu.memref_slice %arg4[%multiple_of3A_369] : memref<320000xi32, #tpu.memory_space<hbm>> -> memref<80xi32, #tpu.memory_space<hbm>>
      tpu.enqueue_dma source(%dma_start3A_371 : memref<80xi32, #tpu.memory_space<hbm>>) target(%arg7 : memref<80xi32, #tpu.memory_space<vmem>>) target_semaphore(%arg10 : memref<!tpu.dma_semaphore, #tpu.memory_space<semaphore_mem>>)
      %sub3A = arith.constant 1 : i32
      %sub3A_372 = arith.subi %add3A_352, %sub3A : i32
      %mul3A_373 = arith.constant 10000 : i32
      %mul3A_374 = arith.muli %add3A, %mul3A_373 : i32
      %mul3A_375 = arith.constant 80 : i32
      %mul3A_376 = arith.muli %sub3A_372, %mul3A_375 : i32
      %add3A_377 = arith.addi %mul3A_374, %mul3A_376 : i32
      %multiple_of3A_378 = tpu.assume_multiple %add3A_377, 8 : i32
      %dma_wait3A_379 = tpu.memref_slice %arg3[%multiple_of3A_378] : memref<320000xi32, #tpu.memory_space<hbm>> -> memref<80xi32, #tpu.memory_space<hbm>>
      %dma_wait3A_380 = tpu.memref_slice %arg3[%multiple_of3A_378] : memref<320000xi32, #tpu.memory_space<hbm>> -> memref<80xi32, #tpu.memory_space<hbm>>
      tpu.wait_dma2 semaphore(%arg33 : memref<!tpu.dma_semaphore, #tpu.memory_space<semaphore_mem>>) src(%dma_wait3A_380 : memref<80xi32, #tpu.memory_space<hbm>>) dst(%arg30 : memref<80xi32, #tpu.memory_space<vmem>>)
      %dma_start3A_381 = arith.constant 0 : i32
      %dma_start3A_382 = arith.constant 0 : i32
      %dma_start3A_383 = tpu.memref_slice %arg2[%dma_start3A_381, %dma_start3A_382] : memref<10000x128xf32, #tpu.memory_space<hbm>> -> memref<10000x128xf32, #tpu.memory_space<hbm>>
      tpu.enqueue_indirect_dma source(%dma_start3A_383 : memref<10000x128xf32, #tpu.memory_space<hbm>>) target(%arg32 : memref<80x128xf32, #tpu.memory_space<vmem>>) offsets(%arg30 : memref<80xi32, #tpu.memory_space<vmem>>) semaphore(%arg35 : memref<!tpu.dma_semaphore, #tpu.memory_space<semaphore_mem>>)
      %sub3A_384 = arith.constant 2 : i32
      %sub3A_385 = arith.subi %add3A_352, %sub3A_384 : i32
      %mul3A_386 = arith.constant 10000 : i32
      %mul3A_387 = arith.muli %add3A, %mul3A_386 : i32
      %mul3A_388 = arith.constant 80 : i32
      %mul3A_389 = arith.muli %sub3A_385, %mul3A_388 : i32
      %add3A_390 = arith.addi %mul3A_387, %mul3A_389 : i32
      %multiple_of3A_391 = tpu.assume_multiple %add3A_390, 8 : i32
      %dma_wait3A_392 = tpu.memref_slice %arg4[%multiple_of3A_391] : memref<320000xi32, #tpu.memory_space<hbm>> -> memref<80xi32, #tpu.memory_space<hbm>>
      %dma_wait3A_393 = tpu.memref_slice %arg4[%multiple_of3A_391] : memref<320000xi32, #tpu.memory_space<hbm>> -> memref<80xi32, #tpu.memory_space<hbm>>
      tpu.wait_dma2 semaphore(%arg26 : memref<!tpu.dma_semaphore, #tpu.memory_space<semaphore_mem>>) src(%dma_wait3A_393 : memref<80xi32, #tpu.memory_space<hbm>>) dst(%arg23 : memref<80xi32, #tpu.memory_space<vmem>>)
      %dma_wait3A_394 = arith.constant 0 : i32
      %dma_wait3A_395 = arith.constant 0 : i32
      %dma_wait3A_396 = tpu.memref_slice %arg2[%dma_wait3A_394, %dma_wait3A_395] : memref<10000x128xf32, #tpu.memory_space<hbm>> -> memref<10000x128xf32, #tpu.memory_space<hbm>>
      tpu.wait_indirect_dma semaphore(%arg27 : memref<!tpu.dma_semaphore, #tpu.memory_space<semaphore_mem>>) src(%dma_wait3A_396 : memref<10000x128xf32, #tpu.memory_space<hbm>>) dst(%arg24 : memref<80x128xf32, #tpu.memory_space<vmem>>)
      %dma_start3A_397 = arith.constant 0 : i32
      %dma_start3A_398 = arith.constant 0 : i32
      %dma_start3A_399 = tpu.memref_slice %arg38[%dma_start3A_397, %dma_start3A_398] : memref<10240x128xf32, #tpu.memory_space<vmem_shared>> -> memref<10240x128xf32, #tpu.memory_space<vmem_shared>>
      tpu.enqueue_indirect_dma source(%arg24 : memref<80x128xf32, #tpu.memory_space<vmem>>) target(%dma_start3A_399 : memref<10240x128xf32, #tpu.memory_space<vmem_shared>>) offsets(%arg23 : memref<80xi32, #tpu.memory_space<vmem>>) semaphore(%arg28 : memref<!tpu.dma_semaphore, #tpu.memory_space<semaphore_mem>>) {add = true}
      %add3A_400 = arith.constant 1 : i32
      %add3A_401 = arith.addi %add3A_350, %add3A_400 : i32
      %dma_wait3A_402 = arith.constant 0 : i32
      %dma_wait3A_403 = arith.constant 0 : i32
      %dma_wait3A_404 = tpu.memref_slice %arg38[%dma_wait3A_402, %dma_wait3A_403] : memref<10240x128xf32, #tpu.memory_space<vmem_shared>> -> memref<10240x128xf32, #tpu.memory_space<vmem_shared>>
      tpu.wait_indirect_dma semaphore(%arg20 : memref<!tpu.dma_semaphore, #tpu.memory_space<semaphore_mem>>) src(%arg16 : memref<80x128xf32, #tpu.memory_space<vmem>>) dst(%dma_wait3A_404 : memref<10240x128xf32, #tpu.memory_space<vmem_shared>>)
      %mul3A_405 = arith.constant 10000 : i32
      %mul3A_406 = arith.muli %add3A, %mul3A_405 : i32
      %mul3A_407 = arith.constant 80 : i32
      %mul3A_408 = arith.muli %add3A_401, %mul3A_407 : i32
      %add3A_409 = arith.addi %mul3A_406, %mul3A_408 : i32
      %multiple_of3A_410 = tpu.assume_multiple %add3A_409, 8 : i32
      %dma_start3A_411 = tpu.memref_slice %arg3[%multiple_of3A_410] : memref<320000xi32, #tpu.memory_space<hbm>> -> memref<80xi32, #tpu.memory_space<hbm>>
      %dma_start3A_412 = tpu.memref_slice %arg3[%multiple_of3A_410] : memref<320000xi32, #tpu.memory_space<hbm>> -> memref<80xi32, #tpu.memory_space<hbm>>
      tpu.enqueue_dma source(%dma_start3A_412 : memref<80xi32, #tpu.memory_space<hbm>>) target(%arg14 : memref<80xi32, #tpu.memory_space<vmem>>) target_semaphore(%arg17 : memref<!tpu.dma_semaphore, #tpu.memory_space<semaphore_mem>>)
      %mul3A_413 = arith.constant 10000 : i32
      %mul3A_414 = arith.muli %add3A, %mul3A_413 : i32
      %mul3A_415 = arith.constant 80 : i32
      %mul3A_416 = arith.muli %add3A_401, %mul3A_415 : i32
      %add3A_417 = arith.addi %mul3A_414, %mul3A_416 : i32
      %multiple_of3A_418 = tpu.assume_multiple %add3A_417, 8 : i32
      %dma_start3A_419 = tpu.memref_slice %arg4[%multiple_of3A_418] : memref<320000xi32, #tpu.memory_space<hbm>> -> memref<80xi32, #tpu.memory_space<hbm>>
      %dma_start3A_420 = tpu.memref_slice %arg4[%multiple_of3A_418] : memref<320000xi32, #tpu.memory_space<hbm>> -> memref<80xi32, #tpu.memory_space<hbm>>
      tpu.enqueue_dma source(%dma_start3A_420 : memref<80xi32, #tpu.memory_space<hbm>>) target(%arg15 : memref<80xi32, #tpu.memory_space<vmem>>) target_semaphore(%arg18 : memref<!tpu.dma_semaphore, #tpu.memory_space<semaphore_mem>>)
      %sub3A_421 = arith.constant 1 : i32
      %sub3A_422 = arith.subi %add3A_401, %sub3A_421 : i32
      %mul3A_423 = arith.constant 10000 : i32
      %mul3A_424 = arith.muli %add3A, %mul3A_423 : i32
      %mul3A_425 = arith.constant 80 : i32
      %mul3A_426 = arith.muli %sub3A_422, %mul3A_425 : i32
      %add3A_427 = arith.addi %mul3A_424, %mul3A_426 : i32
      %multiple_of3A_428 = tpu.assume_multiple %add3A_427, 8 : i32
      %dma_wait3A_429 = tpu.memref_slice %arg3[%multiple_of3A_428] : memref<320000xi32, #tpu.memory_space<hbm>> -> memref<80xi32, #tpu.memory_space<hbm>>
      %dma_wait3A_430 = tpu.memref_slice %arg3[%multiple_of3A_428] : memref<320000xi32, #tpu.memory_space<hbm>> -> memref<80xi32, #tpu.memory_space<hbm>>
      tpu.wait_dma2 semaphore(%arg9 : memref<!tpu.dma_semaphore, #tpu.memory_space<semaphore_mem>>) src(%dma_wait3A_430 : memref<80xi32, #tpu.memory_space<hbm>>) dst(%arg6 : memref<80xi32, #tpu.memory_space<vmem>>)
      %dma_start3A_431 = arith.constant 0 : i32
      %dma_start3A_432 = arith.constant 0 : i32
      %dma_start3A_433 = tpu.memref_slice %arg2[%dma_start3A_431, %dma_start3A_432] : memref<10000x128xf32, #tpu.memory_space<hbm>> -> memref<10000x128xf32, #tpu.memory_space<hbm>>
      tpu.enqueue_indirect_dma source(%dma_start3A_433 : memref<10000x128xf32, #tpu.memory_space<hbm>>) target(%arg8 : memref<80x128xf32, #tpu.memory_space<vmem>>) offsets(%arg6 : memref<80xi32, #tpu.memory_space<vmem>>) semaphore(%arg11 : memref<!tpu.dma_semaphore, #tpu.memory_space<semaphore_mem>>)
      %sub3A_434 = arith.constant 2 : i32
      %sub3A_435 = arith.subi %add3A_401, %sub3A_434 : i32
      %mul3A_436 = arith.constant 10000 : i32
      %mul3A_437 = arith.muli %add3A, %mul3A_436 : i32
      %mul3A_438 = arith.constant 80 : i32
      %mul3A_439 = arith.muli %sub3A_435, %mul3A_438 : i32
      %add3A_440 = arith.addi %mul3A_437, %mul3A_439 : i32
      %multiple_of3A_441 = tpu.assume_multiple %add3A_440, 8 : i32
      %dma_wait3A_442 = tpu.memref_slice %arg4[%multiple_of3A_441] : memref<320000xi32, #tpu.memory_space<hbm>> -> memref<80xi32, #tpu.memory_space<hbm>>
      %dma_wait3A_443 = tpu.memref_slice %arg4[%multiple_of3A_441] : memref<320000xi32, #tpu.memory_space<hbm>> -> memref<80xi32, #tpu.memory_space<hbm>>
      tpu.wait_dma2 semaphore(%arg34 : memref<!tpu.dma_semaphore, #tpu.memory_space<semaphore_mem>>) src(%dma_wait3A_443 : memref<80xi32, #tpu.memory_space<hbm>>) dst(%arg31 : memref<80xi32, #tpu.memory_space<vmem>>)
      %dma_wait3A_444 = arith.constant 0 : i32
      %dma_wait3A_445 = arith.constant 0 : i32
      %dma_wait3A_446 = tpu.memref_slice %arg2[%dma_wait3A_444, %dma_wait3A_445] : memref<10000x128xf32, #tpu.memory_space<hbm>> -> memref<10000x128xf32, #tpu.memory_space<hbm>>
      tpu.wait_indirect_dma semaphore(%arg35 : memref<!tpu.dma_semaphore, #tpu.memory_space<semaphore_mem>>) src(%dma_wait3A_446 : memref<10000x128xf32, #tpu.memory_space<hbm>>) dst(%arg32 : memref<80x128xf32, #tpu.memory_space<vmem>>)
      %dma_start3A_447 = arith.constant 0 : i32
      %dma_start3A_448 = arith.constant 0 : i32
      %dma_start3A_449 = tpu.memref_slice %arg38[%dma_start3A_447, %dma_start3A_448] : memref<10240x128xf32, #tpu.memory_space<vmem_shared>> -> memref<10240x128xf32, #tpu.memory_space<vmem_shared>>
      tpu.enqueue_indirect_dma source(%arg32 : memref<80x128xf32, #tpu.memory_space<vmem>>) target(%dma_start3A_449 : memref<10240x128xf32, #tpu.memory_space<vmem_shared>>) offsets(%arg31 : memref<80xi32, #tpu.memory_space<vmem>>) semaphore(%arg36 : memref<!tpu.dma_semaphore, #tpu.memory_space<semaphore_mem>>) {add = true}
      %add3A_450 = arith.constant 2 : i32
      %add3A_451 = arith.addi %add3A_350, %add3A_450 : i32
      %dma_wait3A_452 = arith.constant 0 : i32
      %dma_wait3A_453 = arith.constant 0 : i32
      %dma_wait3A_454 = tpu.memref_slice %arg38[%dma_wait3A_452, %dma_wait3A_453] : memref<10240x128xf32, #tpu.memory_space<vmem_shared>> -> memref<10240x128xf32, #tpu.memory_space<vmem_shared>>
      tpu.wait_indirect_dma semaphore(%arg28 : memref<!tpu.dma_semaphore, #tpu.memory_space<semaphore_mem>>) src(%arg24 : memref<80x128xf32, #tpu.memory_space<vmem>>) dst(%dma_wait3A_454 : memref<10240x128xf32, #tpu.memory_space<vmem_shared>>)
      %mul3A_455 = arith.constant 10000 : i32
      %mul3A_456 = arith.muli %add3A, %mul3A_455 : i32
      %mul3A_457 = arith.constant 80 : i32
      %mul3A_458 = arith.muli %add3A_451, %mul3A_457 : i32
      %add3A_459 = arith.addi %mul3A_456, %mul3A_458 : i32
      %multiple_of3A_460 = tpu.assume_multiple %add3A_459, 8 : i32
      %dma_start3A_461 = tpu.memref_slice %arg3[%multiple_of3A_460] : memref<320000xi32, #tpu.memory_space<hbm>> -> memref<80xi32, #tpu.memory_space<hbm>>
      %dma_start3A_462 = tpu.memref_slice %arg3[%multiple_of3A_460] : memref<320000xi32, #tpu.memory_space<hbm>> -> memref<80xi32, #tpu.memory_space<hbm>>
      tpu.enqueue_dma source(%dma_start3A_462 : memref<80xi32, #tpu.memory_space<hbm>>) target(%arg22 : memref<80xi32, #tpu.memory_space<vmem>>) target_semaphore(%arg25 : memref<!tpu.dma_semaphore, #tpu.memory_space<semaphore_mem>>)
      %mul3A_463 = arith.constant 10000 : i32
      %mul3A_464 = arith.muli %add3A, %mul3A_463 : i32
      %mul3A_465 = arith.constant 80 : i32
      %mul3A_466 = arith.muli %add3A_451, %mul3A_465 : i32
      %add3A_467 = arith.addi %mul3A_464, %mul3A_466 : i32
      %multiple_of3A_468 = tpu.assume_multiple %add3A_467, 8 : i32
      %dma_start3A_469 = tpu.memref_slice %arg4[%multiple_of3A_468] : memref<320000xi32, #tpu.memory_space<hbm>> -> memref<80xi32, #tpu.memory_space<hbm>>
      %dma_start3A_470 = tpu.memref_slice %arg4[%multiple_of3A_468] : memref<320000xi32, #tpu.memory_space<hbm>> -> memref<80xi32, #tpu.memory_space<hbm>>
      tpu.enqueue_dma source(%dma_start3A_470 : memref<80xi32, #tpu.memory_space<hbm>>) target(%arg23 : memref<80xi32, #tpu.memory_space<vmem>>) target_semaphore(%arg26 : memref<!tpu.dma_semaphore, #tpu.memory_space<semaphore_mem>>)
      %sub3A_471 = arith.constant 1 : i32
      %sub3A_472 = arith.subi %add3A_451, %sub3A_471 : i32
      %mul3A_473 = arith.constant 10000 : i32
      %mul3A_474 = arith.muli %add3A, %mul3A_473 : i32
      %mul3A_475 = arith.constant 80 : i32
      %mul3A_476 = arith.muli %sub3A_472, %mul3A_475 : i32
      %add3A_477 = arith.addi %mul3A_474, %mul3A_476 : i32
      %multiple_of3A_478 = tpu.assume_multiple %add3A_477, 8 : i32
      %dma_wait3A_479 = tpu.memref_slice %arg3[%multiple_of3A_478] : memref<320000xi32, #tpu.memory_space<hbm>> -> memref<80xi32, #tpu.memory_space<hbm>>
      %dma_wait3A_480 = tpu.memref_slice %arg3[%multiple_of3A_478] : memref<320000xi32, #tpu.memory_space<hbm>> -> memref<80xi32, #tpu.memory_space<hbm>>
      tpu.wait_dma2 semaphore(%arg17 : memref<!tpu.dma_semaphore, #tpu.memory_space<semaphore_mem>>) src(%dma_wait3A_480 : memref<80xi32, #tpu.memory_space<hbm>>) dst(%arg14 : memref<80xi32, #tpu.memory_space<vmem>>)
      %dma_start3A_481 = arith.constant 0 : i32
      %dma_start3A_482 = arith.constant 0 : i32
      %dma_start3A_483 = tpu.memref_slice %arg2[%dma_start3A_481, %dma_start3A_482] : memref<10000x128xf32, #tpu.memory_space<hbm>> -> memref<10000x128xf32, #tpu.memory_space<hbm>>
      tpu.enqueue_indirect_dma source(%dma_start3A_483 : memref<10000x128xf32, #tpu.memory_space<hbm>>) target(%arg16 : memref<80x128xf32, #tpu.memory_space<vmem>>) offsets(%arg14 : memref<80xi32, #tpu.memory_space<vmem>>) semaphore(%arg19 : memref<!tpu.dma_semaphore, #tpu.memory_space<semaphore_mem>>)
      %sub3A_484 = arith.constant 2 : i32
      %sub3A_485 = arith.subi %add3A_451, %sub3A_484 : i32
      %mul3A_486 = arith.constant 10000 : i32
      %mul3A_487 = arith.muli %add3A, %mul3A_486 : i32
      %mul3A_488 = arith.constant 80 : i32
      %mul3A_489 = arith.muli %sub3A_485, %mul3A_488 : i32
      %add3A_490 = arith.addi %mul3A_487, %mul3A_489 : i32
      %multiple_of3A_491 = tpu.assume_multiple %add3A_490, 8 : i32
      %dma_wait3A_492 = tpu.memref_slice %arg4[%multiple_of3A_491] : memref<320000xi32, #tpu.memory_space<hbm>> -> memref<80xi32, #tpu.memory_space<hbm>>
      %dma_wait3A_493 = tpu.memref_slice %arg4[%multiple_of3A_491] : memref<320000xi32, #tpu.memory_space<hbm>> -> memref<80xi32, #tpu.memory_space<hbm>>
      tpu.wait_dma2 semaphore(%arg10 : memref<!tpu.dma_semaphore, #tpu.memory_space<semaphore_mem>>) src(%dma_wait3A_493 : memref<80xi32, #tpu.memory_space<hbm>>) dst(%arg7 : memref<80xi32, #tpu.memory_space<vmem>>)
      %dma_wait3A_494 = arith.constant 0 : i32
      %dma_wait3A_495 = arith.constant 0 : i32
      %dma_wait3A_496 = tpu.memref_slice %arg2[%dma_wait3A_494, %dma_wait3A_495] : memref<10000x128xf32, #tpu.memory_space<hbm>> -> memref<10000x128xf32, #tpu.memory_space<hbm>>
      tpu.wait_indirect_dma semaphore(%arg11 : memref<!tpu.dma_semaphore, #tpu.memory_space<semaphore_mem>>) src(%dma_wait3A_496 : memref<10000x128xf32, #tpu.memory_space<hbm>>) dst(%arg8 : memref<80x128xf32, #tpu.memory_space<vmem>>)
      %dma_start3A_497 = arith.constant 0 : i32
      %dma_start3A_498 = arith.constant 0 : i32
      %dma_start3A_499 = tpu.memref_slice %arg38[%dma_start3A_497, %dma_start3A_498] : memref<10240x128xf32, #tpu.memory_space<vmem_shared>> -> memref<10240x128xf32, #tpu.memory_space<vmem_shared>>
      tpu.enqueue_indirect_dma source(%arg8 : memref<80x128xf32, #tpu.memory_space<vmem>>) target(%dma_start3A_499 : memref<10240x128xf32, #tpu.memory_space<vmem_shared>>) offsets(%arg7 : memref<80xi32, #tpu.memory_space<vmem>>) semaphore(%arg12 : memref<!tpu.dma_semaphore, #tpu.memory_space<semaphore_mem>>) {add = true}
      %add3A_500 = arith.constant 3 : i32
      %add3A_501 = arith.addi %add3A_350, %add3A_500 : i32
      %dma_wait3A_502 = arith.constant 0 : i32
      %dma_wait3A_503 = arith.constant 0 : i32
      %dma_wait3A_504 = tpu.memref_slice %arg38[%dma_wait3A_502, %dma_wait3A_503] : memref<10240x128xf32, #tpu.memory_space<vmem_shared>> -> memref<10240x128xf32, #tpu.memory_space<vmem_shared>>
      tpu.wait_indirect_dma semaphore(%arg36 : memref<!tpu.dma_semaphore, #tpu.memory_space<semaphore_mem>>) src(%arg32 : memref<80x128xf32, #tpu.memory_space<vmem>>) dst(%dma_wait3A_504 : memref<10240x128xf32, #tpu.memory_space<vmem_shared>>)
      %mul3A_505 = arith.constant 10000 : i32
      %mul3A_506 = arith.muli %add3A, %mul3A_505 : i32
      %mul3A_507 = arith.constant 80 : i32
      %mul3A_508 = arith.muli %add3A_501, %mul3A_507 : i32
      %add3A_509 = arith.addi %mul3A_506, %mul3A_508 : i32
      %multiple_of3A_510 = tpu.assume_multiple %add3A_509, 8 : i32
      %dma_start3A_511 = tpu.memref_slice %arg3[%multiple_of3A_510] : memref<320000xi32, #tpu.memory_space<hbm>> -> memref<80xi32, #tpu.memory_space<hbm>>
      %dma_start3A_512 = tpu.memref_slice %arg3[%multiple_of3A_510] : memref<320000xi32, #tpu.memory_space<hbm>> -> memref<80xi32, #tpu.memory_space<hbm>>
      tpu.enqueue_dma source(%dma_start3A_512 : memref<80xi32, #tpu.memory_space<hbm>>) target(%arg30 : memref<80xi32, #tpu.memory_space<vmem>>) target_semaphore(%arg33 : memref<!tpu.dma_semaphore, #tpu.memory_space<semaphore_mem>>)
      %mul3A_513 = arith.constant 10000 : i32
      %mul3A_514 = arith.muli %add3A, %mul3A_513 : i32
      %mul3A_515 = arith.constant 80 : i32
      %mul3A_516 = arith.muli %add3A_501, %mul3A_515 : i32
      %add3A_517 = arith.addi %mul3A_514, %mul3A_516 : i32
      %multiple_of3A_518 = tpu.assume_multiple %add3A_517, 8 : i32
      %dma_start3A_519 = tpu.memref_slice %arg4[%multiple_of3A_518] : memref<320000xi32, #tpu.memory_space<hbm>> -> memref<80xi32, #tpu.memory_space<hbm>>
      %dma_start3A_520 = tpu.memref_slice %arg4[%multiple_of3A_518] : memref<320000xi32, #tpu.memory_space<hbm>> -> memref<80xi32, #tpu.memory_space<hbm>>
      tpu.enqueue_dma source(%dma_start3A_520 : memref<80xi32, #tpu.memory_space<hbm>>) target(%arg31 : memref<80xi32, #tpu.memory_space<vmem>>) target_semaphore(%arg34 : memref<!tpu.dma_semaphore, #tpu.memory_space<semaphore_mem>>)
      %sub3A_521 = arith.constant 1 : i32
      %sub3A_522 = arith.subi %add3A_501, %sub3A_521 : i32
      %mul3A_523 = arith.constant 10000 : i32
      %mul3A_524 = arith.muli %add3A, %mul3A_523 : i32
      %mul3A_525 = arith.constant 80 : i32
      %mul3A_526 = arith.muli %sub3A_522, %mul3A_525 : i32
      %add3A_527 = arith.addi %mul3A_524, %mul3A_526 : i32
      %multiple_of3A_528 = tpu.assume_multiple %add3A_527, 8 : i32
      %dma_wait3A_529 = tpu.memref_slice %arg3[%multiple_of3A_528] : memref<320000xi32, #tpu.memory_space<hbm>> -> memref<80xi32, #tpu.memory_space<hbm>>
      %dma_wait3A_530 = tpu.memref_slice %arg3[%multiple_of3A_528] : memref<320000xi32, #tpu.memory_space<hbm>> -> memref<80xi32, #tpu.memory_space<hbm>>
      tpu.wait_dma2 semaphore(%arg25 : memref<!tpu.dma_semaphore, #tpu.memory_space<semaphore_mem>>) src(%dma_wait3A_530 : memref<80xi32, #tpu.memory_space<hbm>>) dst(%arg22 : memref<80xi32, #tpu.memory_space<vmem>>)
      %dma_start3A_531 = arith.constant 0 : i32
      %dma_start3A_532 = arith.constant 0 : i32
      %dma_start3A_533 = tpu.memref_slice %arg2[%dma_start3A_531, %dma_start3A_532] : memref<10000x128xf32, #tpu.memory_space<hbm>> -> memref<10000x128xf32, #tpu.memory_space<hbm>>
      tpu.enqueue_indirect_dma source(%dma_start3A_533 : memref<10000x128xf32, #tpu.memory_space<hbm>>) target(%arg24 : memref<80x128xf32, #tpu.memory_space<vmem>>) offsets(%arg22 : memref<80xi32, #tpu.memory_space<vmem>>) semaphore(%arg27 : memref<!tpu.dma_semaphore, #tpu.memory_space<semaphore_mem>>)
      %sub3A_534 = arith.constant 2 : i32
      %sub3A_535 = arith.subi %add3A_501, %sub3A_534 : i32
      %mul3A_536 = arith.constant 10000 : i32
      %mul3A_537 = arith.muli %add3A, %mul3A_536 : i32
      %mul3A_538 = arith.constant 80 : i32
      %mul3A_539 = arith.muli %sub3A_535, %mul3A_538 : i32
      %add3A_540 = arith.addi %mul3A_537, %mul3A_539 : i32
      %multiple_of3A_541 = tpu.assume_multiple %add3A_540, 8 : i32
      %dma_wait3A_542 = tpu.memref_slice %arg4[%multiple_of3A_541] : memref<320000xi32, #tpu.memory_space<hbm>> -> memref<80xi32, #tpu.memory_space<hbm>>
      %dma_wait3A_543 = tpu.memref_slice %arg4[%multiple_of3A_541] : memref<320000xi32, #tpu.memory_space<hbm>> -> memref<80xi32, #tpu.memory_space<hbm>>
      tpu.wait_dma2 semaphore(%arg18 : memref<!tpu.dma_semaphore, #tpu.memory_space<semaphore_mem>>) src(%dma_wait3A_543 : memref<80xi32, #tpu.memory_space<hbm>>) dst(%arg15 : memref<80xi32, #tpu.memory_space<vmem>>)
      %dma_wait3A_544 = arith.constant 0 : i32
      %dma_wait3A_545 = arith.constant 0 : i32
      %dma_wait3A_546 = tpu.memref_slice %arg2[%dma_wait3A_544, %dma_wait3A_545] : memref<10000x128xf32, #tpu.memory_space<hbm>> -> memref<10000x128xf32, #tpu.memory_space<hbm>>
      tpu.wait_indirect_dma semaphore(%arg19 : memref<!tpu.dma_semaphore, #tpu.memory_space<semaphore_mem>>) src(%dma_wait3A_546 : memref<10000x128xf32, #tpu.memory_space<hbm>>) dst(%arg16 : memref<80x128xf32, #tpu.memory_space<vmem>>)
      %dma_start3A_547 = arith.constant 0 : i32
      %dma_start3A_548 = arith.constant 0 : i32
      %dma_start3A_549 = tpu.memref_slice %arg38[%dma_start3A_547, %dma_start3A_548] : memref<10240x128xf32, #tpu.memory_space<vmem_shared>> -> memref<10240x128xf32, #tpu.memory_space<vmem_shared>>
      tpu.enqueue_indirect_dma source(%arg16 : memref<80x128xf32, #tpu.memory_space<vmem>>) target(%dma_start3A_549 : memref<10240x128xf32, #tpu.memory_space<vmem_shared>>) offsets(%arg15 : memref<80xi32, #tpu.memory_space<vmem>>) semaphore(%arg20 : memref<!tpu.dma_semaphore, #tpu.memory_space<semaphore_mem>>) {add = true}
    }
    %scan3A_248 = arith.constant 30 : i32
    %dma_wait3A_249 = arith.constant 0 : i32
    %dma_wait3A_250 = arith.constant 0 : i32
    %dma_wait3A_251 = tpu.memref_slice %arg38[%dma_wait3A_249, %dma_wait3A_250] : memref<10240x128xf32, #tpu.memory_space<vmem_shared>> -> memref<10240x128xf32, #tpu.memory_space<vmem_shared>>
    tpu.wait_indirect_dma semaphore(%arg12 : memref<!tpu.dma_semaphore, #tpu.memory_space<semaphore_mem>>) src(%arg8 : memref<80x128xf32, #tpu.memory_space<vmem>>) dst(%dma_wait3A_251 : memref<10240x128xf32, #tpu.memory_space<vmem_shared>>)
    %mul3A_252 = arith.constant 10000 : i32
    %mul3A_253 = arith.muli %add3A, %mul3A_252 : i32
    %add3A_254 = arith.constant 9920 : i32
    %add3A_255 = arith.addi %mul3A_253, %add3A_254 : i32
    %multiple_of3A_256 = tpu.assume_multiple %add3A_255, 8 : i32
    %dma_start3A_257 = tpu.memref_slice %arg3[%multiple_of3A_256] : memref<320000xi32, #tpu.memory_space<hbm>> -> memref<80xi32, #tpu.memory_space<hbm>>
    %dma_start3A_258 = tpu.memref_slice %arg3[%multiple_of3A_256] : memref<320000xi32, #tpu.memory_space<hbm>> -> memref<80xi32, #tpu.memory_space<hbm>>
    tpu.enqueue_dma source(%dma_start3A_258 : memref<80xi32, #tpu.memory_space<hbm>>) target(%arg6 : memref<80xi32, #tpu.memory_space<vmem>>) target_semaphore(%arg9 : memref<!tpu.dma_semaphore, #tpu.memory_space<semaphore_mem>>)
    %mul3A_259 = arith.constant 10000 : i32
    %mul3A_260 = arith.muli %add3A, %mul3A_259 : i32
    %add3A_261 = arith.constant 9920 : i32
    %add3A_262 = arith.addi %mul3A_260, %add3A_261 : i32
    %multiple_of3A_263 = tpu.assume_multiple %add3A_262, 8 : i32
    %dma_start3A_264 = tpu.memref_slice %arg4[%multiple_of3A_263] : memref<320000xi32, #tpu.memory_space<hbm>> -> memref<80xi32, #tpu.memory_space<hbm>>
    %dma_start3A_265 = tpu.memref_slice %arg4[%multiple_of3A_263] : memref<320000xi32, #tpu.memory_space<hbm>> -> memref<80xi32, #tpu.memory_space<hbm>>
    tpu.enqueue_dma source(%dma_start3A_265 : memref<80xi32, #tpu.memory_space<hbm>>) target(%arg7 : memref<80xi32, #tpu.memory_space<vmem>>) target_semaphore(%arg10 : memref<!tpu.dma_semaphore, #tpu.memory_space<semaphore_mem>>)
    %mul3A_266 = arith.constant 10000 : i32
    %mul3A_267 = arith.muli %add3A, %mul3A_266 : i32
    %add3A_268 = arith.constant 9840 : i32
    %add3A_269 = arith.addi %mul3A_267, %add3A_268 : i32
    %multiple_of3A_270 = tpu.assume_multiple %add3A_269, 8 : i32
    %dma_wait3A_271 = tpu.memref_slice %arg3[%multiple_of3A_270] : memref<320000xi32, #tpu.memory_space<hbm>> -> memref<80xi32, #tpu.memory_space<hbm>>
    %dma_wait3A_272 = tpu.memref_slice %arg3[%multiple_of3A_270] : memref<320000xi32, #tpu.memory_space<hbm>> -> memref<80xi32, #tpu.memory_space<hbm>>
    tpu.wait_dma2 semaphore(%arg33 : memref<!tpu.dma_semaphore, #tpu.memory_space<semaphore_mem>>) src(%dma_wait3A_272 : memref<80xi32, #tpu.memory_space<hbm>>) dst(%arg30 : memref<80xi32, #tpu.memory_space<vmem>>)
    %dma_start3A_273 = arith.constant 0 : i32
    %dma_start3A_274 = arith.constant 0 : i32
    %dma_start3A_275 = tpu.memref_slice %arg2[%dma_start3A_273, %dma_start3A_274] : memref<10000x128xf32, #tpu.memory_space<hbm>> -> memref<10000x128xf32, #tpu.memory_space<hbm>>
    tpu.enqueue_indirect_dma source(%dma_start3A_275 : memref<10000x128xf32, #tpu.memory_space<hbm>>) target(%arg32 : memref<80x128xf32, #tpu.memory_space<vmem>>) offsets(%arg30 : memref<80xi32, #tpu.memory_space<vmem>>) semaphore(%arg35 : memref<!tpu.dma_semaphore, #tpu.memory_space<semaphore_mem>>)
    %mul3A_276 = arith.constant 10000 : i32
    %mul3A_277 = arith.muli %add3A, %mul3A_276 : i32
    %add3A_278 = arith.constant 9760 : i32
    %add3A_279 = arith.addi %mul3A_277, %add3A_278 : i32
    %multiple_of3A_280 = tpu.assume_multiple %add3A_279, 8 : i32
    %dma_wait3A_281 = tpu.memref_slice %arg4[%multiple_of3A_280] : memref<320000xi32, #tpu.memory_space<hbm>> -> memref<80xi32, #tpu.memory_space<hbm>>
    %dma_wait3A_282 = tpu.memref_slice %arg4[%multiple_of3A_280] : memref<320000xi32, #tpu.memory_space<hbm>> -> memref<80xi32, #tpu.memory_space<hbm>>
    tpu.wait_dma2 semaphore(%arg26 : memref<!tpu.dma_semaphore, #tpu.memory_space<semaphore_mem>>) src(%dma_wait3A_282 : memref<80xi32, #tpu.memory_space<hbm>>) dst(%arg23 : memref<80xi32, #tpu.memory_space<vmem>>)
    %dma_wait3A_283 = arith.constant 0 : i32
    %dma_wait3A_284 = arith.constant 0 : i32
    %dma_wait3A_285 = tpu.memref_slice %arg2[%dma_wait3A_283, %dma_wait3A_284] : memref<10000x128xf32, #tpu.memory_space<hbm>> -> memref<10000x128xf32, #tpu.memory_space<hbm>>
    tpu.wait_indirect_dma semaphore(%arg27 : memref<!tpu.dma_semaphore, #tpu.memory_space<semaphore_mem>>) src(%dma_wait3A_285 : memref<10000x128xf32, #tpu.memory_space<hbm>>) dst(%arg24 : memref<80x128xf32, #tpu.memory_space<vmem>>)
    %dma_start3A_286 = arith.constant 0 : i32
    %dma_start3A_287 = arith.constant 0 : i32
    %dma_start3A_288 = tpu.memref_slice %arg38[%dma_start3A_286, %dma_start3A_287] : memref<10240x128xf32, #tpu.memory_space<vmem_shared>> -> memref<10240x128xf32, #tpu.memory_space<vmem_shared>>
    tpu.enqueue_indirect_dma source(%arg24 : memref<80x128xf32, #tpu.memory_space<vmem>>) target(%dma_start3A_288 : memref<10240x128xf32, #tpu.memory_space<vmem_shared>>) offsets(%arg23 : memref<80xi32, #tpu.memory_space<vmem>>) semaphore(%arg28 : memref<!tpu.dma_semaphore, #tpu.memory_space<semaphore_mem>>) {add = true}
    %mul3A_289 = arith.constant 10000 : i32
    %mul3A_290 = arith.muli %add3A, %mul3A_289 : i32
    %add3A_291 = arith.constant 9920 : i32
    %add3A_292 = arith.addi %mul3A_290, %add3A_291 : i32
    %multiple_of3A_293 = tpu.assume_multiple %add3A_292, 8 : i32
    %dma_wait3A_294 = tpu.memref_slice %arg3[%multiple_of3A_293] : memref<320000xi32, #tpu.memory_space<hbm>> -> memref<80xi32, #tpu.memory_space<hbm>>
    %dma_wait3A_295 = tpu.memref_slice %arg3[%multiple_of3A_293] : memref<320000xi32, #tpu.memory_space<hbm>> -> memref<80xi32, #tpu.memory_space<hbm>>
    tpu.wait_dma2 semaphore(%arg9 : memref<!tpu.dma_semaphore, #tpu.memory_space<semaphore_mem>>) src(%dma_wait3A_295 : memref<80xi32, #tpu.memory_space<hbm>>) dst(%arg6 : memref<80xi32, #tpu.memory_space<vmem>>)
    %dma_start3A_296 = arith.constant 0 : i32
    %dma_start3A_297 = arith.constant 0 : i32
    %dma_start3A_298 = tpu.memref_slice %arg2[%dma_start3A_296, %dma_start3A_297] : memref<10000x128xf32, #tpu.memory_space<hbm>> -> memref<10000x128xf32, #tpu.memory_space<hbm>>
    tpu.enqueue_indirect_dma source(%dma_start3A_298 : memref<10000x128xf32, #tpu.memory_space<hbm>>) target(%arg8 : memref<80x128xf32, #tpu.memory_space<vmem>>) offsets(%arg6 : memref<80xi32, #tpu.memory_space<vmem>>) semaphore(%arg11 : memref<!tpu.dma_semaphore, #tpu.memory_space<semaphore_mem>>)
    %mul3A_299 = arith.constant 10000 : i32
    %mul3A_300 = arith.muli %add3A, %mul3A_299 : i32
    %add3A_301 = arith.constant 9840 : i32
    %add3A_302 = arith.addi %mul3A_300, %add3A_301 : i32
    %multiple_of3A_303 = tpu.assume_multiple %add3A_302, 8 : i32
    %dma_wait3A_304 = tpu.memref_slice %arg4[%multiple_of3A_303] : memref<320000xi32, #tpu.memory_space<hbm>> -> memref<80xi32, #tpu.memory_space<hbm>>
    %dma_wait3A_305 = tpu.memref_slice %arg4[%multiple_of3A_303] : memref<320000xi32, #tpu.memory_space<hbm>> -> memref<80xi32, #tpu.memory_space<hbm>>
    tpu.wait_dma2 semaphore(%arg34 : memref<!tpu.dma_semaphore, #tpu.memory_space<semaphore_mem>>) src(%dma_wait3A_305 : memref<80xi32, #tpu.memory_space<hbm>>) dst(%arg31 : memref<80xi32, #tpu.memory_space<vmem>>)
    %dma_wait3A_306 = arith.constant 0 : i32
    %dma_wait3A_307 = arith.constant 0 : i32
    %dma_wait3A_308 = tpu.memref_slice %arg2[%dma_wait3A_306, %dma_wait3A_307] : memref<10000x128xf32, #tpu.memory_space<hbm>> -> memref<10000x128xf32, #tpu.memory_space<hbm>>
    tpu.wait_indirect_dma semaphore(%arg35 : memref<!tpu.dma_semaphore, #tpu.memory_space<semaphore_mem>>) src(%dma_wait3A_308 : memref<10000x128xf32, #tpu.memory_space<hbm>>) dst(%arg32 : memref<80x128xf32, #tpu.memory_space<vmem>>)
    %dma_start3A_309 = arith.constant 0 : i32
    %dma_start3A_310 = arith.constant 0 : i32
    %dma_start3A_311 = tpu.memref_slice %arg38[%dma_start3A_309, %dma_start3A_310] : memref<10240x128xf32, #tpu.memory_space<vmem_shared>> -> memref<10240x128xf32, #tpu.memory_space<vmem_shared>>
    tpu.enqueue_indirect_dma source(%arg32 : memref<80x128xf32, #tpu.memory_space<vmem>>) target(%dma_start3A_311 : memref<10240x128xf32, #tpu.memory_space<vmem_shared>>) offsets(%arg31 : memref<80xi32, #tpu.memory_space<vmem>>) semaphore(%arg36 : memref<!tpu.dma_semaphore, #tpu.memory_space<semaphore_mem>>) {add = true}
    %mul3A_312 = arith.constant 10000 : i32
    %mul3A_313 = arith.muli %add3A, %mul3A_312 : i32
    %add3A_314 = arith.constant 9920 : i32
    %add3A_315 = arith.addi %mul3A_313, %add3A_314 : i32
    %multiple_of3A_316 = tpu.assume_multiple %add3A_315, 8 : i32
    %dma_wait3A_317 = tpu.memref_slice %arg4[%multiple_of3A_316] : memref<320000xi32, #tpu.memory_space<hbm>> -> memref<80xi32, #tpu.memory_space<hbm>>
    %dma_wait3A_318 = tpu.memref_slice %arg4[%multiple_of3A_316] : memref<320000xi32, #tpu.memory_space<hbm>> -> memref<80xi32, #tpu.memory_space<hbm>>
    tpu.wait_dma2 semaphore(%arg10 : memref<!tpu.dma_semaphore, #tpu.memory_space<semaphore_mem>>) src(%dma_wait3A_318 : memref<80xi32, #tpu.memory_space<hbm>>) dst(%arg7 : memref<80xi32, #tpu.memory_space<vmem>>)
    %dma_wait3A_319 = arith.constant 0 : i32
    %dma_wait3A_320 = arith.constant 0 : i32
    %dma_wait3A_321 = tpu.memref_slice %arg2[%dma_wait3A_319, %dma_wait3A_320] : memref<10000x128xf32, #tpu.memory_space<hbm>> -> memref<10000x128xf32, #tpu.memory_space<hbm>>
    tpu.wait_indirect_dma semaphore(%arg11 : memref<!tpu.dma_semaphore, #tpu.memory_space<semaphore_mem>>) src(%dma_wait3A_321 : memref<10000x128xf32, #tpu.memory_space<hbm>>) dst(%arg8 : memref<80x128xf32, #tpu.memory_space<vmem>>)
    %dma_start3A_322 = arith.constant 0 : i32
    %dma_start3A_323 = arith.constant 0 : i32
    %dma_start3A_324 = tpu.memref_slice %arg38[%dma_start3A_322, %dma_start3A_323] : memref<10240x128xf32, #tpu.memory_space<vmem_shared>> -> memref<10240x128xf32, #tpu.memory_space<vmem_shared>>
    tpu.enqueue_indirect_dma source(%arg8 : memref<80x128xf32, #tpu.memory_space<vmem>>) target(%dma_start3A_324 : memref<10240x128xf32, #tpu.memory_space<vmem_shared>>) offsets(%arg7 : memref<80xi32, #tpu.memory_space<vmem>>) semaphore(%arg12 : memref<!tpu.dma_semaphore, #tpu.memory_space<semaphore_mem>>) {add = true}
    %dma_wait3A_325 = arith.constant 0 : i32
    %dma_wait3A_326 = arith.constant 0 : i32
    %dma_wait3A_327 = tpu.memref_slice %arg38[%dma_wait3A_325, %dma_wait3A_326] : memref<10240x128xf32, #tpu.memory_space<vmem_shared>> -> memref<10240x128xf32, #tpu.memory_space<vmem_shared>>
    tpu.wait_indirect_dma semaphore(%arg20 : memref<!tpu.dma_semaphore, #tpu.memory_space<semaphore_mem>>) src(%arg16 : memref<80x128xf32, #tpu.memory_space<vmem>>) dst(%dma_wait3A_327 : memref<10240x128xf32, #tpu.memory_space<vmem_shared>>)
    %dma_wait3A_328 = arith.constant 0 : i32
    %dma_wait3A_329 = arith.constant 0 : i32
    %dma_wait3A_330 = tpu.memref_slice %arg38[%dma_wait3A_328, %dma_wait3A_329] : memref<10240x128xf32, #tpu.memory_space<vmem_shared>> -> memref<10240x128xf32, #tpu.memory_space<vmem_shared>>
    tpu.wait_indirect_dma semaphore(%arg28 : memref<!tpu.dma_semaphore, #tpu.memory_space<semaphore_mem>>) src(%arg24 : memref<80x128xf32, #tpu.memory_space<vmem>>) dst(%dma_wait3A_330 : memref<10240x128xf32, #tpu.memory_space<vmem_shared>>)
    %dma_wait3A_331 = arith.constant 0 : i32
    %dma_wait3A_332 = arith.constant 0 : i32
    %dma_wait3A_333 = tpu.memref_slice %arg38[%dma_wait3A_331, %dma_wait3A_332] : memref<10240x128xf32, #tpu.memory_space<vmem_shared>> -> memref<10240x128xf32, #tpu.memory_space<vmem_shared>>
    tpu.wait_indirect_dma semaphore(%arg36 : memref<!tpu.dma_semaphore, #tpu.memory_space<semaphore_mem>>) src(%arg32 : memref<80x128xf32, #tpu.memory_space<vmem>>) dst(%dma_wait3A_333 : memref<10240x128xf32, #tpu.memory_space<vmem_shared>>)
    %dma_wait3A_334 = arith.constant 0 : i32
    %dma_wait3A_335 = arith.constant 0 : i32
    %dma_wait3A_336 = tpu.memref_slice %arg38[%dma_wait3A_334, %dma_wait3A_335] : memref<10240x128xf32, #tpu.memory_space<vmem_shared>> -> memref<10240x128xf32, #tpu.memory_space<vmem_shared>>
    tpu.wait_indirect_dma semaphore(%arg12 : memref<!tpu.dma_semaphore, #tpu.memory_space<semaphore_mem>>) src(%arg8 : memref<80x128xf32, #tpu.memory_space<vmem>>) dst(%dma_wait3A_336 : memref<10240x128xf32, #tpu.memory_space<vmem_shared>>)
    %barrier3A_337 = arith.constant 0 : index
    tpu.barrier barrier_id(%barrier3A_337)
    %mul3A_338 = arith.constant 640 : i32
    %mul3A_339 = arith.muli %arg1, %mul3A_338 : i32
    %mul3A_340 = arith.constant 640 : i32
    %mul3A_341 = arith.muli %arg1, %mul3A_340 : i32
    "tpu.region"() ({
      %run_scoped3A = tpu.sem_alloc : memref<!tpu.dma_semaphore, #tpu.memory_space<semaphore_mem>>
      %dma_start3A_342 = arith.constant 0 : i32
      %dma_start3A_343 = tpu.memref_slice %arg5[%arg0, %mul3A_341, %dma_start3A_342] : memref<2x10240x128xf32, #tpu.memory_space<hbm>> -> memref<1x640x128xf32, #tpu.memory_space<hbm>>
      %dma_start3A_344 = tpu.memref_squeeze %dma_start3A_343 : memref<1x640x128xf32, #tpu.memory_space<hbm>> -> memref<640x128xf32, #tpu.memory_space<hbm>>
      %dma_start3A_345 = arith.constant 0 : i32
      %dma_start3A_346 = tpu.memref_slice %arg38[%mul3A_339, %dma_start3A_345] : memref<10240x128xf32, #tpu.memory_space<vmem_shared>> -> memref<640x128xf32, #tpu.memory_space<vmem_shared>>
      tpu.enqueue_dma source(%dma_start3A_346 : memref<640x128xf32, #tpu.memory_space<vmem_shared>>) target(%dma_start3A_344 : memref<640x128xf32, #tpu.memory_space<hbm>>) target_semaphore(%run_scoped3A : memref<!tpu.dma_semaphore, #tpu.memory_space<semaphore_mem>>)
      %dma_wait3A_347 = arith.constant 0 : i32
      %dma_wait3A_348 = tpu.memref_slice %arg5[%arg0, %mul3A_341, %dma_wait3A_347] : memref<2x10240x128xf32, #tpu.memory_space<hbm>> -> memref<1x640x128xf32, #tpu.memory_space<hbm>>
      %dma_wait3A_349 = tpu.memref_squeeze %dma_wait3A_348 : memref<1x640x128xf32, #tpu.memory_space<hbm>> -> memref<640x128xf32, #tpu.memory_space<hbm>>
      %dma_wait3A_350 = arith.constant 0 : i32
      %dma_wait3A_351 = tpu.memref_slice %arg38[%mul3A_339, %dma_wait3A_350] : memref<10240x128xf32, #tpu.memory_space<vmem_shared>> -> memref<640x128xf32, #tpu.memory_space<vmem_shared>>
      tpu.wait_dma2 semaphore(%run_scoped3A : memref<!tpu.dma_semaphore, #tpu.memory_space<semaphore_mem>>) src(%dma_wait3A_351 : memref<640x128xf32, #tpu.memory_space<vmem_shared>>) dst(%dma_wait3A_349 : memref<640x128xf32, #tpu.memory_space<hbm>>)
      tpu.yield
    }) : () -> ()
    return
  }
}

module attributes {stable_mosaic.version = 14 : i64} {
  func.func @_final_body(%arg0: memref<10000x128xf32, #tpu.memory_space<vmem>>, %arg1: memref<2x10240x128xf32, #tpu.memory_space<vmem>>, %arg2: memref<20480xf32, #tpu.memory_space<vmem>>, %arg3: memref<128x128xf32, #tpu.memory_space<vmem>>, %arg4: memref<128x128xf32, #tpu.memory_space<vmem>>, %arg5: memref<1x128xf32, #tpu.memory_space<vmem>>, %arg6: memref<128x128xf32, #tpu.memory_space<vmem>>, %arg7: memref<1x128xf32, #tpu.memory_space<vmem>>, %arg8: memref<128x128xf32, #tpu.memory_space<vmem>>, %arg9: memref<1x128xf32, #tpu.memory_space<vmem>>, %arg10: memref<1x128xf32, #tpu.memory_space<vmem>>) attributes {dimension_semantics = [], scalar_prefetch = 0 : i64, scratch_operands = 0 : i64, tpu.core_type = #tpu.core_type<tc>} {
    %get3A = arith.constant 0 : index
    %get3A_0 = arith.constant 0 : index
    %get3A_1 = arith.constant 0 : index
    %get3A_2 = vector.load %arg1[%get3A, %get3A_0, %get3A_1] : memref<2x10240x128xf32, #tpu.memory_space<vmem>>, vector<1x10000x128xf32>
    %get3A_3 = vector.shape_cast %get3A_2 : vector<1x10000x128xf32> to vector<10000x128xf32>
    %get3A_4 = arith.constant 1 : index
    %get3A_5 = arith.constant 0 : index
    %get3A_6 = arith.constant 0 : index
    %get3A_7 = vector.load %arg1[%get3A_4, %get3A_5, %get3A_6] : memref<2x10240x128xf32, #tpu.memory_space<vmem>>, vector<1x10000x128xf32>
    %get3A_8 = vector.shape_cast %get3A_7 : vector<1x10000x128xf32> to vector<10000x128xf32>
    %add3A = arith.addf %get3A_3, %get3A_8 : vector<10000x128xf32>
    %get3A_9 = arith.constant 0 : index
    %get3A_10 = vector.load %arg2[%get3A_9] : memref<20480xf32, #tpu.memory_space<vmem>>, vector<10000xf32>
    %get3A_11 = arith.constant 10240 : index
    %get3A_12 = vector.load %arg2[%get3A_11] : memref<20480xf32, #tpu.memory_space<vmem>>, vector<10000xf32>
    %add3A_13 = arith.addf %get3A_10, %get3A_12 : vector<10000xf32>
    %max3A = arith.constant 1.000000e+00 : f32
    %max3A_14 = vector.broadcast %max3A : f32 to vector<10000xf32>
    %max3A_15 = arith.maximumf %add3A_13, %max3A_14 : vector<10000xf32>
    %broadcast_in_dim3A = vector.shape_cast %max3A_15 : vector<10000xf32> to vector<10000x1xf32>
    %div3A = vector.broadcast %broadcast_in_dim3A : vector<10000x1xf32> to vector<10000x128xf32>
    %div3A_16 = arith.divf %add3A, %div3A : vector<10000x128xf32>
    %get3A_17 = arith.constant 0 : index
    %get3A_18 = arith.constant 0 : index
    %get3A_19 = vector.load %arg0[%get3A_17, %get3A_18] : memref<10000x128xf32, #tpu.memory_space<vmem>>, vector<10000x128xf32>
    %get3A_20 = arith.constant 0 : index
    %get3A_21 = arith.constant 0 : index
    %get3A_22 = vector.load %arg3[%get3A_20, %get3A_21] : memref<128x128xf32, #tpu.memory_space<vmem>>, vector<128x128xf32>
    %dot_general3A = arith.constant dense<0.000000e+00> : vector<10000x128xf32>
    %dot_general3A_23 = tpu.matmul %get3A_19, %get3A_22, %dot_general3A {dimension_numbers = #tpu.dot_dimension_numbers<[1], [0], [0], [1], [0, 0, 1, 1], [], []>, transpose_lhs_hint = false} : vector<10000x128xf32>, vector<128x128xf32>, vector<10000x128xf32> -> vector<10000x128xf32>
    %get3A_24 = arith.constant 0 : index
    %get3A_25 = arith.constant 0 : index
    %get3A_26 = vector.load %arg4[%get3A_24, %get3A_25] : memref<128x128xf32, #tpu.memory_space<vmem>>, vector<128x128xf32>
    %dot_general3A_27 = arith.constant dense<0.000000e+00> : vector<10000x128xf32>
    %dot_general3A_28 = tpu.matmul %div3A_16, %get3A_26, %dot_general3A_27 {dimension_numbers = #tpu.dot_dimension_numbers<[1], [0], [0], [1], [0, 0, 1, 1], [], []>, transpose_lhs_hint = false} : vector<10000x128xf32>, vector<128x128xf32>, vector<10000x128xf32> -> vector<10000x128xf32>
    %add3A_29 = arith.addf %dot_general3A_23, %dot_general3A_28 : vector<10000x128xf32>
    %get3A_30 = arith.constant 0 : index
    %get3A_31 = arith.constant 0 : index
    %get3A_32 = vector.load %arg5[%get3A_30, %get3A_31] : memref<1x128xf32, #tpu.memory_space<vmem>>, vector<1x128xf32>
    %add3A_33 = vector.broadcast %get3A_32 : vector<1x128xf32> to vector<10000x128xf32>
    %add3A_34 = arith.addf %add3A_29, %add3A_33 : vector<10000x128xf32>
    %max3A_35 = arith.constant 0.000000e+00 : f32
    %max3A_36 = vector.broadcast %max3A_35 : f32 to vector<10000x128xf32>
    %max3A_37 = arith.maximumf %add3A_34, %max3A_36 : vector<10000x128xf32>
    %reduce_max3A = arith.constant dense<0xFF800000> : vector<128xf32>
    %reduce_max3A_38 = vector.multi_reduction <maximumf>, %max3A_37, %reduce_max3A [0] : vector<10000x128xf32> to vector<128xf32>
    %broadcast_in_dim3A_39 = vector.shape_cast %reduce_max3A_38 : vector<128xf32> to vector<1x128xf32>
    %get3A_40 = arith.constant 0 : index
    %get3A_41 = arith.constant 0 : index
    %get3A_42 = vector.load %arg6[%get3A_40, %get3A_41] : memref<128x128xf32, #tpu.memory_space<vmem>>, vector<128x128xf32>
    %dot_general3A_43 = arith.constant dense<0.000000e+00> : vector<1x128xf32>
    %dot_general3A_44 = tpu.matmul %broadcast_in_dim3A_39, %get3A_42, %dot_general3A_43 {dimension_numbers = #tpu.dot_dimension_numbers<[1], [0], [0], [1], [0, 0, 1, 1], [], []>, transpose_lhs_hint = false} : vector<1x128xf32>, vector<128x128xf32>, vector<1x128xf32> -> vector<1x128xf32>
    %get3A_45 = arith.constant 0 : index
    %get3A_46 = arith.constant 0 : index
    %get3A_47 = vector.load %arg7[%get3A_45, %get3A_46] : memref<1x128xf32, #tpu.memory_space<vmem>>, vector<1x128xf32>
    %add3A_48 = arith.addf %dot_general3A_44, %get3A_47 : vector<1x128xf32>
    %max3A_49 = arith.constant 0.000000e+00 : f32
    %max3A_50 = vector.broadcast %max3A_49 : f32 to vector<1x128xf32>
    %max3A_51 = arith.maximumf %add3A_48, %max3A_50 : vector<1x128xf32>
    %get3A_52 = arith.constant 0 : index
    %get3A_53 = arith.constant 0 : index
    %get3A_54 = vector.load %arg8[%get3A_52, %get3A_53] : memref<128x128xf32, #tpu.memory_space<vmem>>, vector<128x128xf32>
    %dot_general3A_55 = arith.constant dense<0.000000e+00> : vector<1x128xf32>
    %dot_general3A_56 = tpu.matmul %max3A_51, %get3A_54, %dot_general3A_55 {dimension_numbers = #tpu.dot_dimension_numbers<[1], [0], [0], [1], [0, 0, 1, 1], [], []>, transpose_lhs_hint = false} : vector<1x128xf32>, vector<128x128xf32>, vector<1x128xf32> -> vector<1x128xf32>
    %get3A_57 = arith.constant 0 : index
    %get3A_58 = arith.constant 0 : index
    %get3A_59 = vector.load %arg9[%get3A_57, %get3A_58] : memref<1x128xf32, #tpu.memory_space<vmem>>, vector<1x128xf32>
    %add3A_60 = arith.addf %dot_general3A_56, %get3A_59 : vector<1x128xf32>
    %swap3A = arith.constant 0 : index
    %swap3A_61 = arith.constant 0 : index
    %swap3A_62 = vector.load %arg10[%swap3A, %swap3A_61] : memref<1x128xf32, #tpu.memory_space<vmem>>, vector<1x128xf32>
    tpu.vector_store %arg10[%swap3A, %swap3A_61], %add3A_60 {strides = array<i32>} : memref<1x128xf32, #tpu.memory_space<vmem>>, vector<1x128xf32>,
    return
  }
}

module attributes {stable_mosaic.version = 14 : i64} {
  func.func @_layer1_body(%arg0: memref<10000x128xf32, #tpu.memory_space<vmem>>, %arg1: memref<2x10240x128xf32, #tpu.memory_space<vmem>>, %arg2: memref<20480xf32, #tpu.memory_space<vmem>>, %arg3: memref<128x128xf32, #tpu.memory_space<vmem>>, %arg4: memref<128x128xf32, #tpu.memory_space<vmem>>, %arg5: memref<1x128xf32, #tpu.memory_space<vmem>>, %arg6: memref<10000x128xf32, #tpu.memory_space<vmem>>) attributes {dimension_semantics = [], scalar_prefetch = 0 : i64, scratch_operands = 0 : i64, tpu.core_type = #tpu.core_type<tc>} {
    %get3A = arith.constant 0 : index
    %get3A_0 = arith.constant 0 : index
    %get3A_1 = arith.constant 0 : index
    %get3A_2 = vector.load %arg1[%get3A, %get3A_0, %get3A_1] : memref<2x10240x128xf32, #tpu.memory_space<vmem>>, vector<1x10000x128xf32>
    %get3A_3 = vector.shape_cast %get3A_2 : vector<1x10000x128xf32> to vector<10000x128xf32>
    %get3A_4 = arith.constant 1 : index
    %get3A_5 = arith.constant 0 : index
    %get3A_6 = arith.constant 0 : index
    %get3A_7 = vector.load %arg1[%get3A_4, %get3A_5, %get3A_6] : memref<2x10240x128xf32, #tpu.memory_space<vmem>>, vector<1x10000x128xf32>
    %get3A_8 = vector.shape_cast %get3A_7 : vector<1x10000x128xf32> to vector<10000x128xf32>
    %add3A = arith.addf %get3A_3, %get3A_8 : vector<10000x128xf32>
    %get3A_9 = arith.constant 0 : index
    %get3A_10 = vector.load %arg2[%get3A_9] : memref<20480xf32, #tpu.memory_space<vmem>>, vector<10000xf32>
    %get3A_11 = arith.constant 10240 : index
    %get3A_12 = vector.load %arg2[%get3A_11] : memref<20480xf32, #tpu.memory_space<vmem>>, vector<10000xf32>
    %add3A_13 = arith.addf %get3A_10, %get3A_12 : vector<10000xf32>
    %max3A = arith.constant 1.000000e+00 : f32
    %max3A_14 = vector.broadcast %max3A : f32 to vector<10000xf32>
    %max3A_15 = arith.maximumf %add3A_13, %max3A_14 : vector<10000xf32>
    %broadcast_in_dim3A = vector.shape_cast %max3A_15 : vector<10000xf32> to vector<10000x1xf32>
    %div3A = vector.broadcast %broadcast_in_dim3A : vector<10000x1xf32> to vector<10000x128xf32>
    %div3A_16 = arith.divf %add3A, %div3A : vector<10000x128xf32>
    %get3A_17 = arith.constant 0 : index
    %get3A_18 = arith.constant 0 : index
    %get3A_19 = vector.load %arg0[%get3A_17, %get3A_18] : memref<10000x128xf32, #tpu.memory_space<vmem>>, vector<10000x128xf32>
    %get3A_20 = arith.constant 0 : index
    %get3A_21 = arith.constant 0 : index
    %get3A_22 = vector.load %arg3[%get3A_20, %get3A_21] : memref<128x128xf32, #tpu.memory_space<vmem>>, vector<128x128xf32>
    %dot_general3A = arith.constant dense<0.000000e+00> : vector<10000x128xf32>
    %dot_general3A_23 = tpu.matmul %get3A_19, %get3A_22, %dot_general3A {dimension_numbers = #tpu.dot_dimension_numbers<[1], [0], [0], [1], [0, 0, 1, 1], [], []>, transpose_lhs_hint = false} : vector<10000x128xf32>, vector<128x128xf32>, vector<10000x128xf32> -> vector<10000x128xf32>
    %get3A_24 = arith.constant 0 : index
    %get3A_25 = arith.constant 0 : index
    %get3A_26 = vector.load %arg4[%get3A_24, %get3A_25] : memref<128x128xf32, #tpu.memory_space<vmem>>, vector<128x128xf32>
    %dot_general3A_27 = arith.constant dense<0.000000e+00> : vector<10000x128xf32>
    %dot_general3A_28 = tpu.matmul %div3A_16, %get3A_26, %dot_general3A_27 {dimension_numbers = #tpu.dot_dimension_numbers<[1], [0], [0], [1], [0, 0, 1, 1], [], []>, transpose_lhs_hint = false} : vector<10000x128xf32>, vector<128x128xf32>, vector<10000x128xf32> -> vector<10000x128xf32>
    %add3A_29 = arith.addf %dot_general3A_23, %dot_general3A_28 : vector<10000x128xf32>
    %get3A_30 = arith.constant 0 : index
    %get3A_31 = arith.constant 0 : index
    %get3A_32 = vector.load %arg5[%get3A_30, %get3A_31] : memref<1x128xf32, #tpu.memory_space<vmem>>, vector<1x128xf32>
    %add3A_33 = vector.broadcast %get3A_32 : vector<1x128xf32> to vector<10000x128xf32>
    %add3A_34 = arith.addf %add3A_29, %add3A_33 : vector<10000x128xf32>
    %max3A_35 = arith.constant 0.000000e+00 : f32
    %max3A_36 = vector.broadcast %max3A_35 : f32 to vector<10000x128xf32>
    %max3A_37 = arith.maximumf %add3A_34, %max3A_36 : vector<10000x128xf32>
    %swap3A = arith.constant 0 : index
    %swap3A_38 = arith.constant 0 : index
    %swap3A_39 = vector.load %arg6[%swap3A, %swap3A_38] : memref<10000x128xf32, #tpu.memory_space<vmem>>, vector<10000x128xf32>
    tpu.vector_store %arg6[%swap3A, %swap3A_38], %max3A_37 {strides = array<i32>} : memref<10000x128xf32, #tpu.memory_space<vmem>>, vector<10000x128xf32>,
    return
  }
}

</mosaic_0001>

<sc_bundles>
// kernel: kernel.6.cloned.1.call-start
scs
__scs_entry_jumppad:
0x0: {  	(pc) =	sbr.rel $0x88, $3  }
0x1: {  	(tag) =	ssettag $0x0;
	lr =	simm.s32 $0x1  }
0x2: {  	[smem:$0x3F95] =	sst lr;
	_ =	strace $0xD0000000  }
0x3: {  	_ = 	snop  }
0x4: {  	_ = 	snop  }
0x5: {  	_ = 	snop  }
0x6: {  	_ = 	snop  }
0x7: {  	_ = 	snop  }
__scs_overlays_trampoline_lowered:
0x8: {  	[smem:$0x3FA4] =	sst s0  }
0x9: {  	[smem:$0x3FA5] =	sst s1  }
0xa: {  	[smem:$0x3FA6] =	sst s2  }
0xb: {  	[smem:$0x3FA7] =	sst s3  }
0xc: {  	[smem:$0x3FA8] =	sst s4  }
0xd: {  	[smem:$0x3FA9] =	sst s5  }
0xe: {  	[smem:$0x3FAA] =	sst s6  }
0xf: {  	[smem:$0x3FAB] =	sst s7  }
0x10: {  	[smem:$0x3FAC] =	sst s8  }
0x11: {  	[smem:$0x3FAD] =	sst s9;
	s0 =	simm.s32 @!p0 $0x0  }
0x12: {  	s1 =	sld [smem:$0x3F93];
	s0 =	simm.s32 @p0 $0x1  }
0x13: {  	[smem:$0x3FAE] =	sst s0;
	s0 =	simm.s32 @!p1 $0x0  }
0x14: {  	s2 =	sld [smem:$0x3F92];
	s0 =	simm.s32 @p1 $0x1  }
0x15: {  	[smem:$0x3FAF] =	sst s0;
	s0 =	simm.s32 @!p2 $0x0  }
0x16: {  	s3 =	sld [smem:$0x3FDB];
	s0 =	simm.s32 @p2 $0x1  }
0x17: {  	s4 =	simm.s32 $0x1BF5;
	[smem:$0x3FB1] =	sst s0  }
0x18: {  	s0 =	sld [smem:$0x3F94];
	_ =	swait.ge [sflag:s4], $0x0  }
0x19: {  	s7 =	sld [smem:$0x3F95]  }
0x1a: {  	s8 =	sadd.s32 $0xFFFFE003, lr  }
0x1b: {  	s9 =	sadd.s32 $0xFFFFFEF7, lr;
	s5 =	simm.s32 $0xFFFFFFFF;
	p2 =	slt.u32 s8, $0xFFFFF086  }
0x1c: {  	p1 =	slt.u32 s9, $0xF7A;
	s5 =	simm.s32 @!p2 $0x0  }
0x1d: {  	s5 =	simm.s32 @p1 $0x1;
	p0 =	seq.s32 s7, s2  }
0x1e: {  	s7 =	smul.u32 @!p0 $0xF7A, s2;
	p2 =	seq.s32 @!p0 s5, $0x0  }
0x1f: {  	s9 =	smul.u32 $0xF7A, s1;
	s8 =	simm.s32 @!p0 $0x1BF5;
	p2 =	por !p2, p0  }
0x20: {  	[sflag:s8] =	ssyncset.s32 @!p0 $0xFFFFF086;
	s6 =	sadd.s32 @!p0 s3, s7;
	s7 =	simm.s32 @!p0 $0x108  }
0x21: {  	s3 =	sadd.s32 s3, s9;
	s6 =	sadd.s32 @!p0 $0x88, s6;
	s7 =	simm.s32 @p2 $0x1082  }
0x22: {  	[simem:s7], [sflag:s8] =	dma.local @!p0 [hbm:s6], $0xF7A  }
0x23: {  	s9 =	sor.u32 $0xD0000000, s2;
	s6 =	simm.s32 $0x108;
	_ =	swait.ge @!p0 [sflag:s8], $0x0  }
0x24: {  	s3 =	sadd.s32 $0x88, s3;
	s6 =	simm.s32 @!p1 $0x1082;
	[sflag:s4] =	ssyncset.s32 $0xFFFFF086  }
0x25: {  	[simem:s6], [sflag:s4] =	dma.local [hbm:s3], $0xF7A  }
0x26: {  	[smem:$0x3F95] =	sst s1;
	(tag) =	ssettag s2;
	_ =	strace s9  }
0x27: {  	s1 =	sld [smem:$0x3FA5]  }
0x28: {  	s2 =	sld [smem:$0x3FA6]  }
0x29: {  	s4 =	sld [smem:$0x3FA8]  }
0x2a: {  	p0 =	seq.s32 s5, $0x0;
	s5 =	sld [smem:$0x3FA9]  }
0x2b: {  	s6 =	sld [smem:$0x3FAA]  }
0x2c: {  	s7 =	sld [smem:$0x3FAB]  }
0x2d: {  	s3 =	simm.s32 $0x108;
	s8 =	sld [smem:$0x3FAC]  }
0x2e: {  	s3 =	simm.s32 @!p0 $0x1082;
	s9 =	sld [smem:$0x3FAD]  }
0x2f: {  	lr =	sadd.s32 s0, s3;
	s0 =	sld [smem:$0x3FA4]  }
0x30: {  	s3 =	sld [smem:$0x3FA7]  }
0x31: {  	[smem:$0x3FB0] =	sst s10  }
0x32: {  	s10 =	sld [smem:$0x3FAE];
	_ =	sdelay $0x3  }
0x33: {  	p0 =	seq.s32 s10, $0x1;
	s10 =	sld [smem:$0x3FB0];
	_ =	sdelay $0x3  }
0x34: {  	[smem:$0x3FB0] =	sst s10  }
0x35: {  	s10 =	sld [smem:$0x3FAF];
	_ =	sdelay $0x3  }
0x36: {  	p1 =	seq.s32 s10, $0x1;
	s10 =	sld [smem:$0x3FB0];
	_ =	sdelay $0x3  }
0x37: {  	[smem:$0x3FB0] =	sst s10  }
0x38: {  	s10 =	sld [smem:$0x3FB1]  }
0x39: {  	_ = 	snop;
	(pc) =	sbr.ind lr, $3  }
0x3a: {  	_ = 	snop  }
0x3b: {  	_ = 	snop  }
0x3c: {  	p2 =	seq.s32 s10, $0x1;
	s10 =	sld [smem:$0x3FB0]  }
0x3d: {  	_ =	shalt  }
0x3e: {  	_ =	shalt  }
0x3f: {  	_ =	shalt  }
0x40: {  	_ =	shalt  }
0x41: {  	_ =	shalt  }
0x42: {  	_ =	shalt  }
0x43: {  	_ =	shalt  }
0x44: {  	_ =	shalt  }
0x45: {  	_ =	shalt  }
0x46: {  	_ =	shalt  }
0x47: {  	_ =	shalt  }
0x48: {  	_ =	shalt  }
0x49: {  	_ =	shalt  }
0x4a: {  	_ =	shalt  }
0x4b: {  	_ =	shalt  }
0x4c: {  	_ =	shalt  }
0x4d: {  	_ =	shalt  }
0x4e: {  	_ =	shalt  }
0x4f: {  	_ =	shalt  }
0x50: {  	_ =	shalt  }
0x51: {  	_ =	shalt  }
0x52: {  	_ =	shalt  }
0x53: {  	_ =	shalt  }
0x54: {  	_ =	shalt  }
0x55: {  	_ =	shalt  }
0x56: {  	_ =	shalt  }
0x57: {  	_ =	shalt  }
0x58: {  	_ =	shalt  }
0x59: {  	_ =	shalt  }
0x5a: {  	_ =	shalt  }
0x5b: {  	_ =	shalt  }
0x5c: {  	_ =	shalt  }
0x5d: {  	_ =	shalt  }
0x5e: {  	_ =	shalt  }
0x5f: {  	_ =	shalt  }
0x60: {  	_ =	shalt  }
0x61: {  	_ =	shalt  }
0x62: {  	_ =	shalt  }
0x63: {  	_ =	shalt  }
0x64: {  	_ =	shalt  }
0x65: {  	_ =	shalt  }
0x66: {  	_ =	shalt  }
0x67: {  	_ =	shalt  }
0x68: {  	_ =	shalt  }
0x69: {  	_ =	shalt  }
0x6a: {  	_ =	shalt  }
0x6b: {  	_ =	shalt  }
0x6c: {  	_ =	shalt  }
0x6d: {  	_ =	shalt  }
0x6e: {  	_ =	shalt  }
0x6f: {  	_ =	shalt  }
0x70: {  	_ =	shalt  }
0x71: {  	_ =	shalt  }
0x72: {  	_ =	shalt  }
0x73: {  	_ =	shalt  }
0x74: {  	_ =	shalt  }
0x75: {  	_ =	shalt  }
0x76: {  	_ =	shalt  }
0x77: {  	_ =	shalt  }
0x78: {  	_ =	shalt  }
0x79: {  	_ =	shalt  }
0x7a: {  	_ =	shalt  }
0x7b: {  	_ =	shalt  }
0x7c: {  	_ =	shalt  }
0x7d: {  	_ =	shalt  }
0x7e: {  	_ =	shalt  }
0x7f: {  	_ =	shalt  }
0x80: {  	_ =	shalt  }
0x81: {  	_ =	shalt  }
0x82: {  	_ =	shalt  }
0x83: {  	_ =	shalt  }
0x84: {  	_ =	shalt  }
0x85: {  	_ =	shalt  }
0x86: {  	_ =	shalt  }
0x87: {  	_ =	shalt  }
.Lfunc_end0:
.L_simem_size_0:
called_computation_lowered:
.L_overlay_start_0:
0x88: {  	s2 =	sld [smem:$0x3FD9]  }
0x89: {  	s3 =	sld [smem:$0x3FFE];
	_ =	sdelay $0x1  }
0x8a: {  	s1 =	srdreg.scid  }
0x8b: {  	s0 =	sand.u32 $0x1, s1  }
0x8c: {  	s17 =	sshll.u32 s0, $0xA;
	s2 =	sadd.s32 s3, s2  }
0x8d: {  	s2 =	sadd.s32 s2, s17  }
0x8e: {  	[smem:$0x3FBC] =	sst s2  }
0x8f: {  	_ = 	snop  }
0x90: {  	s2 =	sld [smem:$0x3FC9];
	(tm) =	ssettm $0x1  }
0x91: {  	s18 =	sld [smem:$0x3FFB];
	_ =	sdelay $0x3  }
0x92: {  	_ =	strace s18  }
0x93: {  	s3 =	sld [smem:$0x3FFC];
	_ =	sdelay $0x3  }
0x94: {  	_ =	strace s3  }
0x95: {  	s3 =	sld [smem:$0x3FFD];
	_ =	sdelay $0x3  }
0x96: {  	_ =	strace s3  }
0x97: {  	_ =	strace $0x8FFFFFFF  }
0x98: {  	s19 =	sld [smem:$0x3FDB];
	_ =	sdelay $0x1  }
0x99: {  	s4 =	simm.s32 $_scs_section_size  }
0x9a: {  	s5 =	simm.s32 $_size__tile_overlayer_lowered;
	s6 =	simm.s32 $_tile_overlayer_lowered  }
0x9b: {  	s22 =	simm.s32 $0x1BFF;
	s21 =	sshll.u32 s6, $0x1;
	s3 =	sadd.s32 s4, s19  }
0x9c: {  	s7 =	simm.s32 $0x0;
	s20 =	sshll.u32 s5, $0x1;
	s5 =	sadd.s32 s21, s3  }
0x9d: {  	[timem:s7], [sflag:s22] =	dma.local [hbm:s5], s20  }
0x9e: {  	_ =	swait.ge [sflag:s22], s20  }
0x9f: {  	s4 =	ssub.s32 $0x0, s20;
	[sflag:s22] =	ssyncset.done $0x0  }
0xa0: {  	[sflag:s22] =	ssyncadd.s32 s4;
	_ =	sdelay $0x1  }
0xa1: {  	s23 =	simm.s32 $0x1B8B  }
0xa2: {  	_ =	swait.ge [sflag:s23], $0x1  }
0xa3: {  	[sflag:s23] =	ssyncset.done $0x0  }
0xa4: {  	s25 =	simm.s32 $0x1B8E;
	s24 =	sld [smem:$0x3FFE];
	[sflag:s23] =	ssyncadd.s32 $0xFFFFFFFF  }
0xa5: {  	s26 =	simm.s32 $execute0_lowered;
	[smem:$0x3FD2] =	sst s25  }
0xa6: {  	s5 =	sshll.u32 s26, $0x1;
	_ =	strace $0x80000046;
	[dreg:$0x1] =	wrdreg $0xFFFFFFFF  }
0xa7: {  	s28 =	simm.s32 $_size_execute0_lowered;
	s3 =	sadd.s32 s3, s5;
	[dreg:$0x0] =	wrdreg $0x0  }
0xa8: {  	s5 =	sshll.u32 s28, $0x1;
	[dreg:$0x2] =	wrdreg s3  }
0xa9: {  	[dreg:$0x3] =	wrdreg s5  }
0xaa: {  	[dreg:$0x4] =	wrdreg $0xC0  }
0xab: {  	_ =	task [dreg:s7], $0x5FFFF  }
0xac: {  	[dreg:$0x1] =	wrdreg $0xFFFFFFFF  }
0xad: {  	[dreg:$0x0] =	wrdreg $0x60  }
0xae: {  	[dreg:$0x2] =	wrdreg s2  }
0xaf: {  	[dreg:$0x3] =	wrdreg s24  }
0xb0: {  	[dreg:$0x4] =	wrdreg $0xA4000  }
0xb1: {  	[dreg:$0x5] =	wrdreg $0x1E7000  }
0xb2: {  	[dreg:$0x6] =	wrdreg $0x9  }
0xb3: {  	_ =	task.clear_ibuf [dreg:s7], $0x7FFFF;
	_ =	strace $0x90000046  }
0xb4: {  	s29 =	simm.s32 $0x9;
	_ =	strace $0x80000048  }
0xb5: {  	_ =	swait.ge [sflag:s29], $0x1  }
0xb6: {  	[sflag:s29] =	ssyncadd.s32 $0xFFFFFFFF  }
0xb7: {  	_ =	strace $0x90000048  }
0xb8: {  	_ =	sfence  }
0xb9: {  	s30 =	sld [smem:$0x0];
	_ =	sdelay $0x2  }
0xba: {  	s31 =	sshll.u32 s1, $0xD;
	s1 =	sshrl.u32 s1, $0x2  }
0xbb: {  	s3 =	sand.u32 $0x4000, s31;
	s1 =	sadd.s32 s1, s30  }
0xbc: {  	s0 =	sor.u32 s3, s0;
	s1 =	sshll.u32 s1, $0x11  }
0xbd: {  	s0 =	sor.u32 s1, s0  }
0xbe: {  	s0 =	sadd.s32 $0x8F2B, s0  }
0xbf: {  	[sflag:s0] =	ssyncadd.remote.s32 $0x1  }
0xc0: {  	_ =	sfence.sel $0xFFFF  }
0xc1: {  	[dreg:$0x0] =	wrdreg $0xFFFFFFFF;
	(pc) =	sbr.abs _section_cstart, $3  }
0xc2: {  	[dreg:$0x1] =	wrdreg $0xFFFFFFFF  }
0xc3: {  	_ =	task.clear_ibuf [dreg:s7], $0x2FFFF;
	_ =	strace $0x9FFFFFFF  }
0xc4: {  	(tm) =	ssettm $0x7FFFFFFF  }
0xc5: {  	_ =	shalt  }
tec
execute0_lowered:
.L_overlay_start_1:
0x0: {  	(tag) =	ssettag $0x1  }
0x1: {  	s3 =	rddreg [dreg:$0x0]  }
0x2: {  	s1 =	rddreg [dreg:$0x1]  }
0x3: {  	s2 =	srdreg.scid;
	s12 =	stileid.u32  }
0x4: {  	s4 =	rddreg [dreg:$0x2];
	s7 =	smul.u32 $0x14000, s12  }
0x5: {  	s29 =	rddreg [dreg:$0x3];
	s8 =	smul.u32 $0x280, s12  }
0x6: {  	s5 =	simm.s32 $0x0;
	s2 =	sand.u32 $0x1, s2;
	s10 =	smul.u32 $0x50000, s12  }
0x7: {  	[smem:$0x7FF] =	sst s5;
	s16 =	sadd.s32 $0xCA00, s1;
	s22 =	smul.u32 $0x4E20, s12  }
0x8: {  	s13 =	sadd.s32 $0x2C00, s1;
	s9 =	sshll.u32 s12, $0x1;
	s6 =	smul.u32 $0x140000, s2  }
0x9: {  	s20 =	smul.u32 $0x2800, s2;
	_ =	strace $0x80000047;
	s21 =	ssub.s32 $0x2, s2  }
0xa: {  	s9 =	sor.u32 s2, s9;
	s2 =	smul.u32 $0x2710, s2;
	[dreg:$0xb] =	wrdreg s13  }
0xb: {  	s11 =	sshrl.u32 s21, $0x1;
	s10 =	sshrl.u32 s10, $0x2;
	s9 =	smul.u32 $0x2710, s9  }
0xc: {  	s23 =	sadd.s32 s8, s29;
	s6 =	sadd.s32 s7, s6;
	s7 =	sadd.s32 s8, s20  }
0xd: {  	s17 =	sadd.s32 s10, s4;
	s2 =	sadd.s32 s2, s22;
	[dreg:$0xf] =	wrdreg s23  }
0xe: {  	s6 =	sshrl.u32 s6, $0x3;
	s7 =	sshrl.u32 s7, $0x3;
	s24 =	sadd.s32 $0x2800, s17  }
0xf: {  	s9 =	sshrl.u32 s9, $0x3;
	s25 =	sadd.s32 $0x5000, s17;
	[dreg:$0xc] =	wrdreg s17  }
0x10: {  	s14 =	sadd.s32 $0x230, s2;
	s6 =	sadd.s32 s6, s1;
	[dreg:$0xd] =	wrdreg s24  }
0x11: {  	s1 =	sadd.s32 s7, s1;
	[dreg:$0xe] =	wrdreg s25;
	s26 =	sadd.s32 s16, s9  }
0x12: {  	s30 =	sadd.s32 s13, s9;
	s0 =	sadd.s32 $0xA, s9;
	[dreg:$0x10] =	wrdreg s26  }
0x13: {  	s7 =	ssub.s32 s21, s11;
	[dreg:$0x11] =	wrdreg s30;
	s11 =	sadd.s32 s16, s0  }
0x14: {  	s12 =	sadd.s32 $0x14, s9;
	s8 =	sadd.s32 s13, s0;
	[dreg:$0x12] =	wrdreg s11  }
0x15: {  	s20 =	sadd.s32 $0x1E0, s2;
	s15 =	sadd.s32 s16, s12;
	[dreg:$0x13] =	wrdreg s8  }
0x16: {  	s18 =	sshrl.u32 s14, $0x3;
	s10 =	sadd.s32 s13, s12;
	[dreg:$0x14] =	wrdreg s15  }
0x17: {  	s21 =	sshrl.u32 s20, $0x3;
	s19 =	sadd.s32 s18, s13;
	[dreg:$0x15] =	wrdreg s10  }
0x18: {  	s22 =	sadd.s32 s21, s13;
	[dreg:$0x5] =	wrdreg s19  }
0x19: {  	s25 =	sadd.s32 s21, s16;
	[dreg:$0x7] =	wrdreg s22  }
0x1a: {  	s6 =	sadd.s32 $0x16800, s6;
	[dreg:$0x8] =	wrdreg s25  }
0x1b: {  	s1 =	sadd.s32 $0x66800, s1;
	[dreg:$0x1a] =	wrdreg s6  }
0x1c: {  	s20 =	smax.u32 s7, $0x1;
	[dreg:$0x1b] =	wrdreg s1  }
0x1d: {  	s24 =	sadd.s32 $0x190, s2;
	s21 =	sadd.s32 $0x140, s2;
	[dreg:$0x1c] =	wrdreg s20  }
0x1e: {  	s26 =	sshrl.u32 s24, $0x3;
	s24 =	sadd.s32 $0xA000, s17;
	[dreg:$0x1d] =	wrdreg s21  }
0x1f: {  	s8 =	sadd.s32 s18, s16;
	[dreg:$0x1f] =	wrdreg s24  }
0x20: {  	s30 =	sadd.s32 $0x1E, s9;
	s0 =	sadd.s32 s26, s13;
	[dreg:$0x6] =	wrdreg s8  }
0x21: {  	s12 =	sadd.s32 s16, s30;
	[dreg:$0x9] =	wrdreg s0  }
0x22: {  	s15 =	sadd.s32 s13, s30;
	[dreg:$0x16] =	wrdreg s12  }
0x23: {  	s9 =	sadd.s32 $0x4D8, s9;
	s14 =	sadd.s32 s26, s16;
	[dreg:$0x17] =	wrdreg s15  }
0x24: {  	s18 =	sadd.s32 s16, s9;
	[dreg:$0xa] =	wrdreg s14  }
0x25: {  	s19 =	sadd.s32 s13, s9;
	[dreg:$0x18] =	wrdreg s18  }
0x26: {  	s22 =	sadd.s32 $0x7800, s17;
	[dreg:$0x19] =	wrdreg s19  }
0x27: {  	s28 =	simm.s32 $0x5200;
	s25 =	sadd.s32 $0xC800, s17;
	[dreg:$0x1e] =	wrdreg s22  }
0x28: {  	s31 =	simm.s32 $0xE;
	s26 =	sadd.s32 $0xF000, s17;
	[smem:$0x7FB] =	sst s25  }
0x29: {  	s30 =	sadd.s32 $0x11800, s17;
	s1 =	simm.s32 $0x0;
	[smem:$0x7FC] =	sst s26  }
0x2a: {  	[smem:$0x7FD] =	sst s30;
	s14 =	simm.s32 $0x1E480;
	s18 =	simm.s32 $0x50  }
0x2b: {  	v0 =	vimm.f32 $0.0e+00;
	v1 =	vimm.f32 $1.000000000e+00;
	s0 =	simm.s32 $0x1E400;
	s22 =	simm.s32 $0x1E400;
	s19 =	simm.s32 $0xD  }
.LBB2_1:
0x2c: {  	[smem:$0x7FA] =	sst s1;
	s9 =	simm.s32 $0x0;
	s12 =	simm.s32 $0x200  }
.LBB2_2:
0x2d: {  	p0 =	sne.s32 s12, $0x9E00;
	[tilespmem:s9+$0x7C70] =	vst v0  }
0x2e: {  	[tilespmem:s9+$0x7C00] =	vst v0  }
0x2f: {  	[tilespmem:s9+$0x7C10] =	vst v0  }
.Ltmp0:
0x30: {  	[tilespmem:s9+$0x7C20] =	vst v0;
	(pc) =	sbr.rel @p0 .LBB2_2-.Ltmp0, $4  }
0x31: {  	[tilespmem:s9+$0x7C30] =	vst v0  }
0x32: {  	[tilespmem:s9+$0x7C40] =	vst v0  }
0x33: {  	[tilespmem:s9+$0x7C50] =	vst v0  }
0x34: {  	[tilespmem:s9+$0x7C60] =	vst v0;
	s9 =	sshra.s32 s12, $0x2;
	s12 =	sadd.s32 $0x200, s12  }
0x35: {  	[tilespmem:s9+$0x7C70] =	vst v0  }
0x36: {  	[tilespmem:s9+$0x7C00] =	vst v0  }
0x37: {  	[tilespmem:s9+$0x7C10] =	vst v0  }
0x38: {  	[tilespmem:s9+$0x7C20] =	vst v0  }
0x39: {  	[tilespmem:s9+$0x7C30] =	vst v0  }
0x3a: {  	[tilespmem:s9+$0x7C40] =	vst v0  }
0x3b: {  	[tilespmem:s9+$0x7C50] =	vst v0  }
0x3c: {  	[tilespmem:s9+$0x7C60] =	vst v0  }
0x3d: {  	[tilespmem:$0x1E480] =	vst v0  }
0x3e: {  	[tilespmem:$0x1E490] =	vst v0  }
0x3f: {  	[tilespmem:$0x1E4A0] =	vst v0  }
0x40: {  	[tilespmem:$0x1E4B0] =	vst v0  }
0x41: {  	[tilespmem:$0x1E4C0] =	vst v0  }
0x42: {  	[tilespmem:$0x1E4D0] =	vst v0  }
0x43: {  	[tilespmem:$0x1E4E0] =	vst v0  }
0x44: {  	[tilespmem:$0x1E4F0] =	vst v0  }
0x45: {  	[tilespmem:$0x1E500] =	vst v0  }
0x46: {  	[tilespmem:$0x1E510] =	vst v0  }
0x47: {  	[tilespmem:$0x1E520] =	vst v0  }
0x48: {  	[tilespmem:$0x1E530] =	vst v0  }
0x49: {  	[tilespmem:$0x1E540] =	vst v0  }
0x4a: {  	[tilespmem:$0x1E550] =	vst v0  }
0x4b: {  	[tilespmem:$0x1E560] =	vst v0  }
0x4c: {  	[tilespmem:$0x1E570] =	vst v0  }
0x4d: {  	[tilespmem:$0x1E580] =	vst v0  }
0x4e: {  	[tilespmem:$0x1E590] =	vst v0  }
0x4f: {  	[tilespmem:$0x1E5A0] =	vst v0  }
0x50: {  	[tilespmem:$0x1E5B0] =	vst v0  }
0x51: {  	[tilespmem:$0x1E5C0] =	vst v0  }
0x52: {  	[tilespmem:$0x1E5D0] =	vst v0  }
0x53: {  	[tilespmem:$0x1E5E0] =	vst v0  }
0x54: {  	[tilespmem:$0x1E5F0] =	vst v0  }
0x55: {  	[tilespmem:$0x1E600] =	vst v0  }
0x56: {  	[tilespmem:$0x1E610] =	vst v0  }
0x57: {  	[tilespmem:$0x1E620] =	vst v0  }
0x58: {  	[tilespmem:$0x1E630] =	vst v0  }
0x59: {  	[tilespmem:$0x1E640] =	vst v0  }
0x5a: {  	[tilespmem:$0x1E650] =	vst v0  }
0x5b: {  	[tilespmem:$0x1E660] =	vst v0  }
0x5c: {  	[tilespmem:$0x1E670] =	vst v0  }
0x5d: {  	[tilespmem:$0x1E680] =	vst v0  }
0x5e: {  	[tilespmem:$0x1E690] =	vst v0  }
0x5f: {  	[tilespmem:$0x1E6A0] =	vst v0  }
0x60: {  	[tilespmem:$0x1E6B0] =	vst v0  }
0x61: {  	[tilespmem:$0x1E6C0] =	vst v0  }
0x62: {  	[tilespmem:$0x1E6D0] =	vst v0  }
0x63: {  	[tilespmem:$0x1E6E0] =	vst v0  }
0x64: {  	[tilespmem:$0x1E6F0] =	vst v0  }
0x65: {  	[tilespmem:$0x1E400] =	vst v1  }
0x66: {  	[tilespmem:$0x1E410] =	vst v1  }
0x67: {  	[tilespmem:$0x1E420] =	vst v1  }
0x68: {  	[tilespmem:$0x1E430] =	vst v1  }
0x69: {  	s1 =	simm.s32 $0x7C00;
	s20 =	rddreg [dreg:$0xd];
	[tilespmem:$0x1E440] =	vst v1  }
0x6a: {  	[spmem:s17] =	stream.linear.scatter [tilespmem:s1], [sflag:$0x15], $0x2800, $0x38;
	[tilespmem:$0x1E980] =	vst v63  }
0x6b: {  	s21 =	rddreg [dreg:$0xe]  }
0x6c: {  	[spmem:s20] =	stream.linear.scatter [tilespmem:s1], [sflag:$0x15], $0x2800, $0x38;
	[tilespmem:$0x1E980] =	vst v63  }
0x6d: {  	s24 =	rddreg [dreg:$0x1e]  }
0x6e: {  	[spmem:s21] =	stream.linear.scatter [tilespmem:s1], [sflag:$0x15], $0x2800, $0x38;
	[tilespmem:$0x1E980] =	vst v63  }
0x6f: {  	s25 =	rddreg [dreg:$0x1f]  }
0x70: {  	[spmem:s24] =	stream.linear.scatter [tilespmem:s1], [sflag:$0x15], $0x2800, $0x38;
	[tilespmem:$0x1E980] =	vst v63  }
0x71: {  	s26 =	sld [smem:$0x7FB]  }
0x72: {  	[spmem:s25] =	stream.linear.scatter [tilespmem:s1], [sflag:$0x15], $0x2800, $0x38;
	[tilespmem:$0x1E980] =	vst v63  }
0x73: {  	s2 =	sld [smem:$0x7FC]  }
0x74: {  	[spmem:s26] =	stream.linear.scatter [tilespmem:s1], [sflag:$0x15], $0x2800, $0x38;
	[tilespmem:$0x1E980] =	vst v63  }
0x75: {  	s6 =	sld [smem:$0x7FD]  }
0x76: {  	[spmem:s2] =	stream.linear.scatter [tilespmem:s1], [sflag:$0x15], $0x2800, $0x38;
	[tilespmem:$0x1E980] =	vst v63  }
0x77: {  	_ = 	snop  }
0x78: {  	[spmem:s6] =	stream.linear.scatter [tilespmem:s1], [sflag:$0x15], $0x2800, $0x38;
	[tilespmem:$0x1E980] =	vst v63  }
0x79: {  	_ = 	snop  }
0x7a: {  	[spmem:s23] =	stream.linear.scatter [tilespmem:s14], [sflag:$0x15], $0x280, $0x38;
	[tilespmem:$0x1E980] =	vst v63  }
0x7b: {  	s7 =	simm.s32 $0x0;
	s12 =	rddreg [dreg:$0x10]  }
0x7c: {  	[tilespmem:s7], [sflag:$0x1] =	stream.linear.gather [hbm4b:s12+s7], $0x50, $0x38;
	[tilespmem:$0x1E980] =	vst v63  }
0x7d: {  	s8 =	rddreg [dreg:$0x11];
	s2 =	simm.s32 $0x80  }
0x7e: {  	[tilespmem:s2], [sflag:$0x2] =	stream.linear.gather [hbm4b:s8+s7], $0x50, $0x38;
	[tilespmem:$0x1E980] =	vst v63  }
0x7f: {  	s10 =	rddreg [dreg:$0x12];
	s25 =	simm.s32 $0x2900  }
0x80: {  	[tilespmem:s25], [sflag:$0x6] =	stream.linear.gather [hbm4b:s10+s7], $0x50, $0x38;
	[tilespmem:$0x1E980] =	vst v63  }
0x81: {  	s11 =	rddreg [dreg:$0x13];
	s14 =	simm.s32 $0x2980  }
0x82: {  	[tilespmem:s14], [sflag:$0x7] =	stream.linear.gather [hbm4b:s11+s7], $0x50, $0x38;
	[tilespmem:$0x1E980] =	vst v63  }
0x83: {  	s15 =	rddreg [dreg:$0x14]  }
0x84: {  	[tilespmem:s28], [sflag:$0xB] =	stream.linear.gather [hbm4b:s15+s7], $0x50, $0x38;
	[tilespmem:$0x1E980] =	vst v63  }
0x85: {  	s17 =	rddreg [dreg:$0x15];
	s23 =	simm.s32 $0x5280  }
0x86: {  	[tilespmem:s23], [sflag:$0xC] =	stream.linear.gather [hbm4b:s17+s7], $0x50, $0x38;
	[tilespmem:$0x1E980] =	vst v63  }
0x87: {  	s20 =	rddreg [dreg:$0x16];
	s6 =	simm.s32 $0x7B00  }
0x88: {  	[tilespmem:s6], [sflag:$0x10] =	stream.linear.gather [hbm4b:s20+s7], $0x50, $0x38;
	[tilespmem:$0x1E980] =	vst v63  }
0x89: {  	s21 =	rddreg [dreg:$0x17];
	s24 =	simm.s32 $0x7B80;
	s20 =	simm.s32 $0x1  }
0x8a: {  	[tilespmem:s24], [sflag:$0x11] =	stream.linear.gather [hbm4b:s21+s7], $0x50, $0x38;
	[tilespmem:$0x1E980] =	vst v63  }
0x8b: {  	_ =	swait.ge [sflag:s20], $0x50  }
0x8c: {  	[sflag:s20] =	ssyncset.done $0x0  }
0x8d: {  	s24 =	simm.s32 $0x100;
	s21 =	simm.s32 $0x6;
	[sflag:s20] =	ssyncadd.s32 $0xFFFFFFB0  }
0x8e: {  	[tilespmem:s24], [sflag:$0x3] =	stream.indirect.gather [hbm4b:s3+s18], $0x80, s7, s18, $0xb8;
	[tilespmem:$0x1E980] =	vst v63  }
0x8f: {  	_ =	swait.ge [sflag:s21], $0x50  }
0x90: {  	[sflag:s21] =	ssyncset.done $0x0  }
0x91: {  	s26 =	simm.s32 $0x2A00;
	s10 =	simm.s32 $0xB;
	[sflag:s21] =	ssyncadd.s32 $0xFFFFFFB0  }
0x92: {  	[tilespmem:s26], [sflag:$0x8] =	stream.indirect.gather [hbm4b:s3+s18], $0x80, s25, s18, $0xb8;
	[tilespmem:$0x1E980] =	vst v63  }
0x93: {  	_ =	swait.ge [sflag:s10], $0x50  }
0x94: {  	[sflag:s10] =	ssyncset.done $0x0  }
0x95: {  	s8 =	simm.s32 $0x15;
	s7 =	simm.s32 $0x5300;
	[sflag:s10] =	ssyncadd.s32 $0xFFFFFFB0  }
0x96: {  	[tilespmem:s7], [sflag:$0xD] =	stream.indirect.gather [hbm4b:s3+s18], $0x80, s28, s18, $0xb8;
	[tilespmem:$0x1E980] =	vst v63  }
0x97: {  	_ =	swait.ge [sflag:s8], $0x2800  }
0x98: {  	[sflag:s8] =	ssyncset.done $0x0  }
0x99: {  	[sflag:s8] =	ssyncadd.s32 $0xFFFFD800  }
0x9a: {  	_ =	swait.ge [sflag:s8], $0x2800  }
0x9b: {  	[sflag:s8] =	ssyncset.done $0x0  }
0x9c: {  	[sflag:s8] =	ssyncadd.s32 $0xFFFFD800  }
0x9d: {  	_ =	swait.ge [sflag:s8], $0x2800  }
0x9e: {  	[sflag:s8] =	ssyncset.done $0x0  }
0x9f: {  	[sflag:s8] =	ssyncadd.s32 $0xFFFFD800  }
0xa0: {  	_ =	swait.ge [sflag:s8], $0x2800  }
0xa1: {  	[sflag:s8] =	ssyncset.done $0x0  }
0xa2: {  	[sflag:s8] =	ssyncadd.s32 $0xFFFFD800  }
0xa3: {  	_ =	swait.ge [sflag:s8], $0x2800  }
0xa4: {  	[sflag:s8] =	ssyncset.done $0x0  }
0xa5: {  	[sflag:s8] =	ssyncadd.s32 $0xFFFFD800  }
0xa6: {  	_ =	swait.ge [sflag:s8], $0x2800  }
0xa7: {  	[sflag:s8] =	ssyncset.done $0x0  }
0xa8: {  	[sflag:s8] =	ssyncadd.s32 $0xFFFFD800  }
0xa9: {  	_ =	swait.ge [sflag:s8], $0x2800  }
0xaa: {  	[sflag:s8] =	ssyncset.done $0x0  }
0xab: {  	[sflag:s8] =	ssyncadd.s32 $0xFFFFD800  }
0xac: {  	_ =	swait.ge [sflag:s8], $0x2800  }
0xad: {  	[sflag:s8] =	ssyncset.done $0x0  }
0xae: {  	[sflag:s8] =	ssyncadd.s32 $0xFFFFD800  }
0xaf: {  	_ =	swait.ge [sflag:s8], $0x280  }
0xb0: {  	[sflag:s8] =	ssyncset.done $0x0  }
0xb1: {  	[sflag:s8] =	ssyncadd.s32 $0xFFFFFD80  }
0xb2: {  	s6 =	simm.s32 $0x2;
	[bflag:$0x0] =	sbarrier.arrive $0xFFFF  }
0xb3: {  	_ =	swait.ge [sflag:s6], $0x50  }
0xb4: {  	[sflag:s6] =	ssyncset.done $0x0  }
0xb5: {  	s26 =	simm.s32 $0x3;
	[sflag:s6] =	ssyncadd.s32 $0xFFFFFFB0  }
0xb6: {  	_ =	swait.ge [sflag:s26], $0x2800  }
0xb7: {  	[sflag:s26] =	ssyncset.done $0x0  }
0xb8: {  	[sflag:s26] =	ssyncadd.s32 $0xFFFFD800  }
0xb9: {  	[spmem:s4] =	stream.indirect.scatter.add.f32 [tilespmem:s24], [sflag:$0x4], $0x80, s2, s18, $0xb8;
	[tilespmem:$0x1E980] =	vst v63  }
0xba: {  	s7 =	simm.s32 $0x7  }
0xbb: {  	[spmem:s29] =	stream.indirect.scatter.add.f32 [tilespmem:s0], [sflag:$0x5], $0x1, s2, s18, $0xb8;
	[tilespmem:$0x1E980] =	vst v63  }
0xbc: {  	_ =	swait.ge [sflag:s7], $0x50  }
0xbd: {  	[sflag:s7] =	ssyncset.done $0x0  }
0xbe: {  	s8 =	simm.s32 $0x8;
	[sflag:s7] =	ssyncadd.s32 $0xFFFFFFB0  }
0xbf: {  	_ =	swait.ge [sflag:s8], $0x2800  }
0xc0: {  	[sflag:s8] =	ssyncset.done $0x0  }
0xc1: {  	s11 =	simm.s32 $0x2A00;
	[sflag:s8] =	ssyncadd.s32 $0xFFFFD800  }
0xc2: {  	[spmem:s4] =	stream.indirect.scatter.add.f32 [tilespmem:s11], [sflag:$0x9], $0x80, s14, s18, $0xb8;
	[tilespmem:$0x1E980] =	vst v63  }
0xc3: {  	s11 =	simm.s32 $0x4  }
0xc4: {  	[spmem:s29] =	stream.indirect.scatter.add.f32 [tilespmem:s22], [sflag:$0xA], $0x1, s14, s18, $0xb8;
	[tilespmem:$0x1E980] =	vst v63  }
0xc5: {  	_ =	swait.ge [sflag:s11], $0x2800  }
0xc6: {  	[sflag:s11] =	ssyncset.done $0x0  }
0xc7: {  	s12 =	simm.s32 $0x5;
	[sflag:s11] =	ssyncadd.s32 $0xFFFFD800  }
0xc8: {  	_ =	swait.ge [sflag:s12], $0x50  }
0xc9: {  	s17 =	rddreg [dreg:$0x1d]  }
0xca: {  	[sflag:s12] =	ssyncset.done $0x0;
	s9 =	sshrl.u32 s17, $0x3  }
0xcb: {  	[sflag:s12] =	ssyncadd.s32 $0xFFFFFFB0;
	s11 =	sadd.s32 s16, s9  }
0xcc: {  	[tilespmem:s5], [sflag:$0x1] =	stream.linear.gather [hbm4b:s11+s5], $0x50, $0x38;
	[tilespmem:$0x1E980] =	vst v63  }
0xcd: {  	s9 =	sadd.s32 s13, s9;
	s13 =	simm.s32 $0x10  }
0xce: {  	[tilespmem:s2], [sflag:$0x2] =	stream.linear.gather [hbm4b:s9+s5], $0x50, $0x38;
	[tilespmem:$0x1E980] =	vst v63  }
0xcf: {  	_ =	swait.ge [sflag:s13], $0x50  }
0xd0: {  	[sflag:s13] =	ssyncset.done $0x0  }
0xd1: {  	s15 =	simm.s32 $0x7B00;
	[sflag:s13] =	ssyncadd.s32 $0xFFFFFFB0  }
0xd2: {  	[tilespmem:s1], [sflag:$0x12] =	stream.indirect.gather [hbm4b:s3+s18], $0x80, s15, s18, $0xb8;
	[tilespmem:$0x1E980] =	vst v63  }
0xd3: {  	s15 =	simm.s32 $0xC  }
0xd4: {  	_ =	swait.ge [sflag:s15], $0x50  }
0xd5: {  	[sflag:s15] =	ssyncset.done $0x0  }
0xd6: {  	[sflag:s15] =	ssyncadd.s32 $0xFFFFFFB0  }
0xd7: {  	_ =	swait.ge [sflag:s19], $0x2800  }
0xd8: {  	[sflag:s19] =	ssyncset.done $0x0  }
0xd9: {  	s30 =	simm.s32 $0x5300;
	[sflag:s19] =	ssyncadd.s32 $0xFFFFD800  }
0xda: {  	[spmem:s4] =	stream.indirect.scatter.add.f32 [tilespmem:s30], [sflag:$0xE], $0x80, s23, s18, $0xb8;
	[tilespmem:$0x1E980] =	vst v63  }
0xdb: {  	s12 =	simm.s32 $0x9  }
0xdc: {  	[spmem:s29] =	stream.indirect.scatter.add.f32 [tilespmem:s22], [sflag:$0xF], $0x1, s23, s18, $0xb8;
	[tilespmem:$0x1E980] =	vst v63  }
0xdd: {  	_ =	swait.ge [sflag:s12], $0x2800  }
0xde: {  	[sflag:s12] =	ssyncset.done $0x0  }
0xdf: {  	s9 =	simm.s32 $0xA;
	[sflag:s12] =	ssyncadd.s32 $0xFFFFD800  }
0xe0: {  	_ =	swait.ge [sflag:s9], $0x50  }
0xe1: {  	s12 =	rddreg [dreg:$0xa];
	[sflag:s9] =	ssyncset.done $0x0  }
0xe2: {  	s11 =	rddreg [dreg:$0x9];
	[sflag:s9] =	ssyncadd.s32 $0xFFFFFFB0;
	s9 =	sadd.s32 $0x0, s12  }
0xe3: {  	[tilespmem:s25], [sflag:$0x6] =	stream.linear.gather [hbm4b:s9+s5], $0x50, $0x38;
	[tilespmem:$0x1E980] =	vst v63  }
0xe4: {  	s0 =	sadd.s32 $0x0, s11  }
0xe5: {  	[tilespmem:s14], [sflag:$0x7] =	stream.linear.gather [hbm4b:s0+s5], $0x50, $0x38;
	[tilespmem:$0x1E980] =	vst v63  }
0xe6: {  	_ =	swait.ge [sflag:s20], $0x50  }
0xe7: {  	[sflag:s20] =	ssyncset.done $0x0  }
0xe8: {  	s0 =	simm.s32 $0x11;
	[sflag:s20] =	ssyncadd.s32 $0xFFFFFFB0  }
0xe9: {  	[tilespmem:s24], [sflag:$0x3] =	stream.indirect.gather [hbm4b:s3+s18], $0x80, s5, s18, $0xb8;
	[tilespmem:$0x1E980] =	vst v63  }
0xea: {  	_ =	swait.ge [sflag:s0], $0x50  }
0xeb: {  	[sflag:s0] =	ssyncset.done $0x0  }
0xec: {  	s20 =	simm.s32 $0x12;
	[sflag:s0] =	ssyncadd.s32 $0xFFFFFFB0  }
0xed: {  	_ =	swait.ge [sflag:s20], $0x2800  }
0xee: {  	[sflag:s20] =	ssyncset.done $0x0  }
0xef: {  	s11 =	simm.s32 $0x7B80;
	[sflag:s20] =	ssyncadd.s32 $0xFFFFD800  }
0xf0: {  	[spmem:s4] =	stream.indirect.scatter.add.f32 [tilespmem:s1], [sflag:$0x13], $0x80, s11, s18, $0xb8;
	[tilespmem:$0x1E980] =	vst v63  }
0xf1: {  	_ = 	snop  }
0xf2: {  	[spmem:s29] =	stream.indirect.scatter.add.f32 [tilespmem:s22], [sflag:$0x14], $0x1, s11, s18, $0xb8;
	[tilespmem:$0x1E980] =	vst v63  }
0xf3: {  	_ =	swait.ge [sflag:s31], $0x2800  }
0xf4: {  	[sflag:s31] =	ssyncset.done $0x0  }
0xf5: {  	s30 =	simm.s32 $0xF;
	[sflag:s31] =	ssyncadd.s32 $0xFFFFD800  }
0xf6: {  	_ =	swait.ge [sflag:s30], $0x50  }
0xf7: {  	s12 =	rddreg [dreg:$0x8];
	[sflag:s30] =	ssyncset.done $0x0  }
0xf8: {  	s1 =	rddreg [dreg:$0x7];
	[sflag:s30] =	ssyncadd.s32 $0xFFFFFFB0;
	s9 =	sadd.s32 $0x0, s12  }
0xf9: {  	[tilespmem:s28], [sflag:$0xB] =	stream.linear.gather [hbm4b:s9+s5], $0x50, $0x38;
	[tilespmem:$0x1E980] =	vst v63  }
0xfa: {  	s1 =	sadd.s32 $0x0, s1  }
0xfb: {  	[tilespmem:s23], [sflag:$0xC] =	stream.linear.gather [hbm4b:s1+s5], $0x50, $0x38;
	[tilespmem:$0x1E980] =	vst v63  }
0xfc: {  	_ =	swait.ge [sflag:s21], $0x50  }
0xfd: {  	[sflag:s21] =	ssyncset.done $0x0  }
0xfe: {  	[sflag:s21] =	ssyncadd.s32 $0xFFFFFFB0;
	s21 =	simm.s32 $0x2A00  }
0xff: {  	[tilespmem:s21], [sflag:$0x8] =	stream.indirect.gather [hbm4b:s3+s18], $0x80, s25, s18, $0xb8;
	[tilespmem:$0x1E980] =	vst v63  }
0x100: {  	_ =	swait.ge [sflag:s6], $0x50  }
0x101: {  	[sflag:s6] =	ssyncset.done $0x0  }
0x102: {  	[sflag:s6] =	ssyncadd.s32 $0xFFFFFFB0  }
0x103: {  	_ =	swait.ge [sflag:s26], $0x2800  }
0x104: {  	[sflag:s26] =	ssyncset.done $0x0  }
0x105: {  	[sflag:s26] =	ssyncadd.s32 $0xFFFFD800  }
0x106: {  	[spmem:s4] =	stream.indirect.scatter.add.f32 [tilespmem:s24], [sflag:$0x4], $0x80, s2, s18, $0xb8;
	[tilespmem:$0x1E980] =	vst v63  }
0x107: {  	s1 =	simm.s32 $0x13  }
0x108: {  	[spmem:s29] =	stream.indirect.scatter.add.f32 [tilespmem:s22], [sflag:$0x5], $0x1, s2, s18, $0xb8;
	[tilespmem:$0x1E980] =	vst v63  }
0x109: {  	_ =	swait.ge [sflag:s1], $0x2800  }
0x10a: {  	[sflag:s1] =	ssyncset.done $0x0  }
0x10b: {  	s2 =	simm.s32 $0x14;
	[sflag:s1] =	ssyncadd.s32 $0xFFFFD800  }
0x10c: {  	_ =	swait.ge [sflag:s2], $0x50  }
0x10d: {  	s24 =	simm.s32 $0x7B00;
	s12 =	rddreg [dreg:$0x6];
	[sflag:s2] =	ssyncset.done $0x0  }
0x10e: {  	s23 =	rddreg [dreg:$0x5];
	[sflag:s2] =	ssyncadd.s32 $0xFFFFFFB0;
	s9 =	sadd.s32 $0x0, s12  }
0x10f: {  	[tilespmem:s24], [sflag:$0x10] =	stream.linear.gather [hbm4b:s9+s5], $0x50, $0x38;
	[tilespmem:$0x1E980] =	vst v63  }
0x110: {  	s11 =	simm.s32 $0x7B80;
	s25 =	sadd.s32 $0x0, s23  }
0x111: {  	[tilespmem:s11], [sflag:$0x11] =	stream.linear.gather [hbm4b:s25+s5], $0x50, $0x38;
	[tilespmem:$0x1E980] =	vst v63  }
0x112: {  	_ =	swait.ge [sflag:s10], $0x50  }
0x113: {  	[sflag:s10] =	ssyncset.done $0x0  }
0x114: {  	s26 =	simm.s32 $0x5300;
	[sflag:s10] =	ssyncadd.s32 $0xFFFFFFB0  }
0x115: {  	[tilespmem:s26], [sflag:$0xD] =	stream.indirect.gather [hbm4b:s3+s18], $0x80, s28, s18, $0xb8;
	[tilespmem:$0x1E980] =	vst v63  }
0x116: {  	_ =	swait.ge [sflag:s7], $0x50  }
0x117: {  	[sflag:s7] =	ssyncset.done $0x0  }
0x118: {  	[sflag:s7] =	ssyncadd.s32 $0xFFFFFFB0  }
0x119: {  	_ =	swait.ge [sflag:s8], $0x2800  }
0x11a: {  	[sflag:s8] =	ssyncset.done $0x0  }
0x11b: {  	s23 =	simm.s32 $0x28;
	s9 =	sadd.s32 $0x140, s17;
	[sflag:s8] =	ssyncadd.s32 $0xFFFFD800  }
0x11c: {  	[spmem:s4] =	stream.indirect.scatter.add.f32 [tilespmem:s21], [sflag:$0x9], $0x80, s14, s18, $0xb8;
	[tilespmem:$0x1E980] =	vst v63  }
.LBB2_4:
0x11d: {  	[spmem:s29] =	stream.indirect.scatter.add.f32 [tilespmem:s22], [sflag:$0xA], $0x1, s14, s18, $0xb8;
	[tilespmem:$0x1E980] =	vst v63  }
0x11e: {  	s8 =	simm.s32 $0x4  }
0x11f: {  	_ =	swait.ge [sflag:s8], $0x2800  }
0x120: {  	[sflag:s8] =	ssyncset.done $0x0  }
0x121: {  	s25 =	simm.s32 $0x5;
	[sflag:s8] =	ssyncadd.s32 $0xFFFFD800  }
0x122: {  	_ =	swait.ge [sflag:s25], $0x50  }
0x123: {  	s26 =	sshrl.u32 s9, $0x3;
	[sflag:s25] =	ssyncset.done $0x0  }
0x124: {  	s6 =	sadd.s32 s16, s26;
	[sflag:s25] =	ssyncadd.s32 $0xFFFFFFB0  }
0x125: {  	[tilespmem:s5], [sflag:$0x1] =	stream.linear.gather [hbm4b:s6+s5], $0x50, $0x38;
	[tilespmem:$0x1E980] =	vst v63  }
0x126: {  	s6 =	rddreg [dreg:$0xb]  }
0x127: {  	s11 =	simm.s32 $0x80;
	s14 =	sadd.s32 s6, s26  }
0x128: {  	[tilespmem:s11], [sflag:$0x2] =	stream.linear.gather [hbm4b:s14+s5], $0x50, $0x38;
	[tilespmem:$0x1E980] =	vst v63  }
0x129: {  	_ =	swait.ge [sflag:s13], $0x50  }
0x12a: {  	[sflag:s13] =	ssyncset.done $0x0  }
0x12b: {  	s10 =	simm.s32 $0x7C00;
	s21 =	simm.s32 $0x7B00;
	[sflag:s13] =	ssyncadd.s32 $0xFFFFFFB0  }
0x12c: {  	[tilespmem:s10], [sflag:$0x12] =	stream.indirect.gather [hbm4b:s3+s18], $0x80, s21, s18, $0xb8;
	[tilespmem:$0x1E980] =	vst v63  }
0x12d: {  	_ =	swait.ge [sflag:s15], $0x50  }
0x12e: {  	[sflag:s15] =	ssyncset.done $0x0  }
0x12f: {  	[sflag:s15] =	ssyncadd.s32 $0xFFFFFFB0  }
0x130: {  	_ =	swait.ge [sflag:s19], $0x2800  }
0x131: {  	[sflag:s19] =	ssyncset.done $0x0  }
0x132: {  	s8 =	simm.s32 $0x5280;
	s25 =	simm.s32 $0x5300;
	[sflag:s19] =	ssyncadd.s32 $0xFFFFD800  }
0x133: {  	[spmem:s4] =	stream.indirect.scatter.add.f32 [tilespmem:s25], [sflag:$0xE], $0x80, s8, s18, $0xb8;
	[tilespmem:$0x1E980] =	vst v63  }
0x134: {  	s7 =	simm.s32 $0x9  }
0x135: {  	[spmem:s29] =	stream.indirect.scatter.add.f32 [tilespmem:s22], [sflag:$0xF], $0x1, s8, s18, $0xb8;
	[tilespmem:$0x1E980] =	vst v63  }
0x136: {  	_ =	swait.ge [sflag:s7], $0x2800  }
0x137: {  	[sflag:s7] =	ssyncset.done $0x0  }
0x138: {  	s14 =	simm.s32 $0xA;
	[sflag:s7] =	ssyncadd.s32 $0xFFFFD800  }
0x139: {  	s12 =	smov.u32 s23;
	s17 =	smov.u32 s16;
	_ =	swait.ge [sflag:s14], $0x50  }
0x13a: {  	s6 =	simm.s32 $0x2900;
	s16 =	rddreg [dreg:$0xa];
	[sflag:s14] =	ssyncset.done $0x0  }
0x13b: {  	s24 =	rddreg [dreg:$0x9];
	[sflag:s14] =	ssyncadd.s32 $0xFFFFFFB0;
	s14 =	sadd.s32 s12, s16  }
0x13c: {  	[tilespmem:s6], [sflag:$0x6] =	stream.linear.gather [hbm4b:s14+s5], $0x50, $0x38;
	[tilespmem:$0x1E980] =	vst v63  }
0x13d: {  	s28 =	simm.s32 $0x2980;
	s7 =	simm.s32 $0x1;
	s26 =	sadd.s32 s12, s24  }
0x13e: {  	[tilespmem:s28], [sflag:$0x7] =	stream.linear.gather [hbm4b:s26+s5], $0x50, $0x38;
	[tilespmem:$0x1E980] =	vst v63  }
0x13f: {  	_ =	swait.ge [sflag:s7], $0x50  }
0x140: {  	[sflag:s7] =	ssyncset.done $0x0  }
0x141: {  	s24 =	simm.s32 $0x100;
	[sflag:s7] =	ssyncadd.s32 $0xFFFFFFB0  }
0x142: {  	[tilespmem:s24], [sflag:$0x3] =	stream.indirect.gather [hbm4b:s3+s18], $0x80, s5, s18, $0xb8;
	[tilespmem:$0x1E980] =	vst v63  }
0x143: {  	_ =	swait.ge [sflag:s0], $0x50  }
0x144: {  	[sflag:s0] =	ssyncset.done $0x0  }
0x145: {  	[sflag:s0] =	ssyncadd.s32 $0xFFFFFFB0  }
0x146: {  	_ =	swait.ge [sflag:s20], $0x2800  }
0x147: {  	[sflag:s20] =	ssyncset.done $0x0  }
0x148: {  	s26 =	simm.s32 $0x7B80;
	[sflag:s20] =	ssyncadd.s32 $0xFFFFD800  }
0x149: {  	[spmem:s4] =	stream.indirect.scatter.add.f32 [tilespmem:s10], [sflag:$0x13], $0x80, s26, s18, $0xb8;
	[tilespmem:$0x1E980] =	vst v63  }
0x14a: {  	_ = 	snop  }
0x14b: {  	[spmem:s29] =	stream.indirect.scatter.add.f32 [tilespmem:s22], [sflag:$0x14], $0x1, s26, s18, $0xb8;
	[tilespmem:$0x1E980] =	vst v63  }
0x14c: {  	_ =	swait.ge [sflag:s31], $0x2800  }
0x14d: {  	[sflag:s31] =	ssyncset.done $0x0  }
0x14e: {  	[sflag:s31] =	ssyncadd.s32 $0xFFFFD800  }
0x14f: {  	_ =	swait.ge [sflag:s30], $0x50  }
0x150: {  	s28 =	simm.s32 $0x5200;
	s16 =	rddreg [dreg:$0x8];
	[sflag:s30] =	ssyncset.done $0x0  }
0x151: {  	s7 =	rddreg [dreg:$0x7];
	[sflag:s30] =	ssyncadd.s32 $0xFFFFFFB0;
	s14 =	sadd.s32 s12, s16  }
0x152: {  	[tilespmem:s28], [sflag:$0xB] =	stream.linear.gather [hbm4b:s14+s5], $0x50, $0x38;
	[tilespmem:$0x1E980] =	vst v63  }
0x153: {  	s10 =	sadd.s32 s12, s7;
	s14 =	simm.s32 $0x6  }
0x154: {  	[tilespmem:s8], [sflag:$0xC] =	stream.linear.gather [hbm4b:s10+s5], $0x50, $0x38;
	[tilespmem:$0x1E980] =	vst v63  }
0x155: {  	_ =	swait.ge [sflag:s14], $0x50  }
0x156: {  	[sflag:s14] =	ssyncset.done $0x0  }
0x157: {  	s7 =	simm.s32 $0x2A00;
	s16 =	simm.s32 $0x2;
	[sflag:s14] =	ssyncadd.s32 $0xFFFFFFB0  }
0x158: {  	[tilespmem:s7], [sflag:$0x8] =	stream.indirect.gather [hbm4b:s3+s18], $0x80, s6, s18, $0xb8;
	[tilespmem:$0x1E980] =	vst v63  }
0x159: {  	_ =	swait.ge [sflag:s16], $0x50  }
0x15a: {  	[sflag:s16] =	ssyncset.done $0x0  }
0x15b: {  	s8 =	simm.s32 $0x3;
	[sflag:s16] =	ssyncadd.s32 $0xFFFFFFB0  }
0x15c: {  	_ =	swait.ge [sflag:s8], $0x2800  }
0x15d: {  	[sflag:s8] =	ssyncset.done $0x0  }
0x15e: {  	[sflag:s8] =	ssyncadd.s32 $0xFFFFD800  }
0x15f: {  	[spmem:s4] =	stream.indirect.scatter.add.f32 [tilespmem:s24], [sflag:$0x4], $0x80, s11, s18, $0xb8;
	[tilespmem:$0x1E980] =	vst v63  }
0x160: {  	_ = 	snop  }
0x161: {  	[spmem:s29] =	stream.indirect.scatter.add.f32 [tilespmem:s22], [sflag:$0x5], $0x1, s11, s18, $0xb8;
	[tilespmem:$0x1E980] =	vst v63  }
0x162: {  	_ =	swait.ge [sflag:s1], $0x2800  }
0x163: {  	[sflag:s1] =	ssyncset.done $0x0  }
0x164: {  	[sflag:s1] =	ssyncadd.s32 $0xFFFFD800  }
0x165: {  	_ =	swait.ge [sflag:s2], $0x50  }
0x166: {  	s10 =	rddreg [dreg:$0x6];
	[sflag:s2] =	ssyncset.done $0x0  }
0x167: {  	s11 =	rddreg [dreg:$0x5];
	[sflag:s2] =	ssyncadd.s32 $0xFFFFFFB0;
	s14 =	sadd.s32 s12, s10  }
0x168: {  	[tilespmem:s21], [sflag:$0x10] =	stream.linear.gather [hbm4b:s14+s5], $0x50, $0x38;
	[tilespmem:$0x1E980] =	vst v63  }
0x169: {  	s24 =	simm.s32 $0xB;
	s12 =	sadd.s32 s12, s11  }
0x16a: {  	[tilespmem:s26], [sflag:$0x11] =	stream.linear.gather [hbm4b:s12+s5], $0x50, $0x38;
	[tilespmem:$0x1E980] =	vst v63  }
0x16b: {  	_ =	swait.ge [sflag:s24], $0x50  }
0x16c: {  	[sflag:s24] =	ssyncset.done $0x0  }
0x16d: {  	[sflag:s24] =	ssyncadd.s32 $0xFFFFFFB0  }
0x16e: {  	[tilespmem:s25], [sflag:$0xD] =	stream.indirect.gather [hbm4b:s3+s18], $0x80, s28, s18, $0xb8;
	[tilespmem:$0x1E980] =	vst v63  }
0x16f: {  	s25 =	simm.s32 $0x7  }
0x170: {  	_ =	swait.ge [sflag:s25], $0x50  }
0x171: {  	p0 =	sne.s32 s23, $0x488;
	[sflag:s25] =	ssyncset.done $0x0  }
.Ltmp1:
0x172: {  	s26 =	simm.s32 $0x8;
	[sflag:s25] =	ssyncadd.s32 $0xFFFFFFB0;
	(pc) =	sbr.rel @p0 .LBB2_4-.Ltmp1, $4  }
0x173: {  	s23 =	sadd.s32 $0x28, s23;
	s9 =	sadd.s32 $0x140, s9;
	_ =	swait.ge [sflag:s26], $0x2800  }
0x174: {  	s16 =	smov.u32 s17;
	s8 =	simm.s32 $0x7B00;
	[sflag:s26] =	ssyncset.done $0x0  }
0x175: {  	s10 =	simm.s32 $0x5300;
	s14 =	simm.s32 $0x2980;
	[sflag:s26] =	ssyncadd.s32 $0xFFFFD800  }
0x176: {  	[spmem:s4] =	stream.indirect.scatter.add.f32 [tilespmem:s7], [sflag:$0x9], $0x80, s14, s18, $0xb8;
	[tilespmem:$0x1E980] =	vst v63  }
0x177: {  	[spmem:s29] =	stream.indirect.scatter.add.f32 [tilespmem:s22], [sflag:$0xA], $0x1, s14, s18, $0xb8;
	[tilespmem:$0x1E980] =	vst v63  }
0x178: {  	s11 =	simm.s32 $0x4  }
0x179: {  	_ =	swait.ge [sflag:s11], $0x2800  }
0x17a: {  	[sflag:s11] =	ssyncset.done $0x0  }
0x17b: {  	s12 =	simm.s32 $0x5;
	[sflag:s11] =	ssyncadd.s32 $0xFFFFD800  }
0x17c: {  	_ =	swait.ge [sflag:s12], $0x50  }
0x17d: {  	[sflag:s12] =	ssyncset.done $0x0  }
0x17e: {  	s9 =	rddreg [dreg:$0x18];
	[sflag:s12] =	ssyncadd.s32 $0xFFFFFFB0  }
0x17f: {  	[tilespmem:s5], [sflag:$0x1] =	stream.linear.gather [hbm4b:s9+s5], $0x50, $0x38;
	[tilespmem:$0x1E980] =	vst v63  }
0x180: {  	s7 =	simm.s32 $0x80;
	s21 =	rddreg [dreg:$0x19]  }
0x181: {  	[tilespmem:s7], [sflag:$0x2] =	stream.linear.gather [hbm4b:s21+s5], $0x50, $0x38;
	[tilespmem:$0x1E980] =	vst v63  }
0x182: {  	_ =	swait.ge [sflag:s13], $0x50  }
0x183: {  	[sflag:s13] =	ssyncset.done $0x0  }
0x184: {  	s6 =	simm.s32 $0x7C00;
	[sflag:s13] =	ssyncadd.s32 $0xFFFFFFB0  }
0x185: {  	[tilespmem:s6], [sflag:$0x12] =	stream.indirect.gather [hbm4b:s3+s18], $0x80, s8, s18, $0xb8;
	[tilespmem:$0x1E980] =	vst v63  }
0x186: {  	_ =	swait.ge [sflag:s15], $0x50  }
0x187: {  	[sflag:s15] =	ssyncset.done $0x0  }
0x188: {  	[sflag:s15] =	ssyncadd.s32 $0xFFFFFFB0  }
0x189: {  	_ =	swait.ge [sflag:s19], $0x2800  }
0x18a: {  	[sflag:s19] =	ssyncset.done $0x0  }
0x18b: {  	s23 =	simm.s32 $0x5280;
	[sflag:s19] =	ssyncadd.s32 $0xFFFFD800  }
0x18c: {  	[spmem:s4] =	stream.indirect.scatter.add.f32 [tilespmem:s10], [sflag:$0xE], $0x80, s23, s18, $0xb8;
	[tilespmem:$0x1E980] =	vst v63  }
0x18d: {  	s24 =	simm.s32 $0x1  }
0x18e: {  	[spmem:s29] =	stream.indirect.scatter.add.f32 [tilespmem:s22], [sflag:$0xF], $0x1, s23, s18, $0xb8;
	[tilespmem:$0x1E980] =	vst v63  }
0x18f: {  	_ =	swait.ge [sflag:s24], $0x50  }
0x190: {  	[sflag:s24] =	ssyncset.done $0x0  }
0x191: {  	s25 =	simm.s32 $0x100;
	[sflag:s24] =	ssyncadd.s32 $0xFFFFFFB0  }
0x192: {  	[tilespmem:s25], [sflag:$0x3] =	stream.indirect.gather [hbm4b:s3+s18], $0x80, s5, s18, $0xb8;
	[tilespmem:$0x1E980] =	vst v63  }
0x193: {  	_ =	swait.ge [sflag:s0], $0x50  }
0x194: {  	[sflag:s0] =	ssyncset.done $0x0  }
0x195: {  	[sflag:s0] =	ssyncadd.s32 $0xFFFFFFB0  }
0x196: {  	_ =	swait.ge [sflag:s20], $0x2800  }
0x197: {  	[sflag:s20] =	ssyncset.done $0x0  }
0x198: {  	s26 =	simm.s32 $0x7B80;
	[sflag:s20] =	ssyncadd.s32 $0xFFFFD800  }
0x199: {  	[spmem:s4] =	stream.indirect.scatter.add.f32 [tilespmem:s6], [sflag:$0x13], $0x80, s26, s18, $0xb8;
	[tilespmem:$0x1E980] =	vst v63  }
0x19a: {  	s6 =	simm.s32 $0x2  }
0x19b: {  	[spmem:s29] =	stream.indirect.scatter.add.f32 [tilespmem:s22], [sflag:$0x14], $0x1, s26, s18, $0xb8;
	[tilespmem:$0x1E980] =	vst v63  }
0x19c: {  	_ =	swait.ge [sflag:s6], $0x50  }
0x19d: {  	[sflag:s6] =	ssyncset.done $0x0  }
0x19e: {  	s9 =	simm.s32 $0x3;
	[sflag:s6] =	ssyncadd.s32 $0xFFFFFFB0  }
0x19f: {  	_ =	swait.ge [sflag:s9], $0x2800  }
0x1a0: {  	[sflag:s9] =	ssyncset.done $0x0  }
0x1a1: {  	[sflag:s9] =	ssyncadd.s32 $0xFFFFD800  }
0x1a2: {  	[spmem:s4] =	stream.indirect.scatter.add.f32 [tilespmem:s25], [sflag:$0x4], $0x80, s7, s18, $0xb8;
	[tilespmem:$0x1E980] =	vst v63  }
0x1a3: {  	s10 =	simm.s32 $0x9  }
0x1a4: {  	[spmem:s29] =	stream.indirect.scatter.add.f32 [tilespmem:s22], [sflag:$0x5], $0x1, s7, s18, $0xb8;
	[tilespmem:$0x1E980] =	vst v63  }
0x1a5: {  	_ =	swait.ge [sflag:s10], $0x2800  }
0x1a6: {  	[sflag:s10] =	ssyncset.done $0x0  }
0x1a7: {  	s13 =	simm.s32 $0xA;
	[sflag:s10] =	ssyncadd.s32 $0xFFFFD800  }
0x1a8: {  	_ =	swait.ge [sflag:s13], $0x50  }
0x1a9: {  	[sflag:s13] =	ssyncset.done $0x0  }
0x1aa: {  	[sflag:s13] =	ssyncadd.s32 $0xFFFFFFB0  }
0x1ab: {  	_ =	swait.ge [sflag:s31], $0x2800  }
0x1ac: {  	[sflag:s31] =	ssyncset.done $0x0  }
0x1ad: {  	[sflag:s31] =	ssyncadd.s32 $0xFFFFD800  }
0x1ae: {  	_ =	swait.ge [sflag:s30], $0x50  }
0x1af: {  	[sflag:s30] =	ssyncset.done $0x0  }
0x1b0: {  	[sflag:s30] =	ssyncadd.s32 $0xFFFFFFB0  }
0x1b1: {  	_ =	swait.ge [sflag:s1], $0x2800  }
0x1b2: {  	[sflag:s1] =	ssyncset.done $0x0  }
0x1b3: {  	[sflag:s1] =	ssyncadd.s32 $0xFFFFD800  }
0x1b4: {  	_ =	swait.ge [sflag:s2], $0x50  }
0x1b5: {  	[sflag:s2] =	ssyncset.done $0x0  }
0x1b6: {  	[sflag:s2] =	ssyncadd.s32 $0xFFFFFFB0  }
0x1b7: {  	_ =	swait.ge [sflag:s11], $0x2800  }
0x1b8: {  	[sflag:s11] =	ssyncset.done $0x0  }
0x1b9: {  	[sflag:s11] =	ssyncadd.s32 $0xFFFFD800  }
0x1ba: {  	_ =	swait.ge [sflag:s12], $0x50  }
0x1bb: {  	[sflag:s12] =	ssyncset.done $0x0  }
0x1bc: {  	[sflag:s12] =	ssyncadd.s32 $0xFFFFFFB0  }
0x1bd: {  	s14 =	stileid.u32;
	[bflag:$0x0] =	sbarrier.arrive $0xFFFF  }
0x1be: {  	s21 =	simm.s32 $0x16;
	s9 =	sshll.u32 s14, $0x6;
	s17 =	rddreg [dreg:$0xc]  }
0x1bf: {  	s9 =	sor.u32 $0x1C16, s9;
	s20 =	rddreg [dreg:$0x1a];
	s15 =	sshrl.u32 s17, $0x3  }
0x1c0: {  	[hbm:s20], [sflag:s9] =	dma.local [spmem:s15], $0x2800  }
0x1c1: {  	_ =	swait.ge [sflag:s21], $0x2800  }
0x1c2: {  	[sflag:s21] =	ssyncset.done $0x0  }
0x1c3: {  	s24 =	simm.s32 $0x1E480;
	s23 =	rddreg [dreg:$0xf];
	[sflag:s21] =	ssyncadd.s32 $0xFFFFD800  }
0x1c4: {  	[tilespmem:s24], [sflag:$0x16] =	stream.linear.gather [spmem:s23], $0x280, $0x38;
	[tilespmem:$0x1E980] =	vst v63  }
0x1c5: {  	_ =	swait.ge [sflag:s21], $0x280  }
0x1c6: {  	[sflag:s21] =	ssyncset.done $0x0  }
0x1c7: {  	s25 =	rddreg [dreg:$0x1b];
	[sflag:s21] =	ssyncadd.s32 $0xFFFFFD80  }
0x1c8: {  	[hbm4b:s25+s5] =	stream.linear.scatter [tilespmem:s24], [sflag:$0x16], $0x280, $0x38;
	[tilespmem:$0x1E980] =	vst v63  }
0x1c9: {  	_ =	swait.ge [sflag:s21], $0x280  }
0x1ca: {  	s26 =	sld [smem:$0x7FA];
	_ =	sdelay $0x2  }
0x1cb: {  	s30 =	rddreg [dreg:$0x1c];
	s1 =	sadd.s32 $0x1, s26  }
0x1cc: {  	p0 =	sne.s32 s1, s30  }
.Ltmp2:
0x1cd: {  	_ = 	snop;
	(pc) =	sbr.rel @p0 .LBB2_1-.Ltmp2, $3  }
0x1ce: {  	_ =	sdelay $0x1  }
0x1cf: {  	s0 =	simm.s32 $0x1E400;
	[sflag:s21] =	ssyncset.done $0x0  }
0x1d0: {  	s14 =	simm.s32 $0x1E480;
	s13 =	rddreg [dreg:$0xb];
	[sflag:s21] =	ssyncadd.s32 $0xFFFFFD80  }
0x1d1: {  	_ =	sfence.sel $0x180000  }
0x1d2: {  	[bflag:$0x0] =	sbarrier.arrive $0xFFFF  }
0x1d3: {  	_ =	strace $0x90000047  }
0x1d4: {  	s0 =	stileid.u32;
	[bflag:$0x2] =	sbarrier.arrive $0xFFFF  }
0x1d5: {  	p0 =	sne.s32 s0, $0x0;
	s0 =	rddreg [dreg:$0x4]  }
0x1d6: {  	s0 =	sadd.s32 @!p0 $0x100000, s0  }
0x1d7: {  	[sflag:s0] =	ssyncadd.tile.s32 @!p0 $0x1;
	_ =	shalt  }
.Lfunc_end2:
_tile_overlayer_lowered:
.L_overlay_start_2:
0x1d8: {  	(tag) =	ssettag $0x2  }
0x1d9: {  	s0 =	rddreg [dreg:$0x0];
	s2 =	stileid.u32  }
0x1da: {  	s1 =	rddreg [dreg:$0x1];
	p0 =	sne.s32 s2, $0x0  }
0x1db: {  	s3 =	rddreg [dreg:$0x2];
	[bflag:$0x3] =	sbarrier.arrive $0xFFFF;
	s2 =	simm.s32 @!p0 $0x1C16  }
0x1dc: {  	[timem:s3], [sflag:s2] =	dma.local @!p0 [hbm:s0], s1  }
0x1dd: {  	s0 =	simm.s32 @!p0 $0x16  }
0x1de: {  	_ =	swait.ge @!p0 [sflag:s0], s1  }
0x1df: {  	s1 =	ssub.s32 @!p0 $0x0, s1;
	[sflag:s0] =	ssyncset.done @!p0 $0x0  }
0x1e0: {  	[sflag:s0] =	ssyncadd.s32 @!p0 s1  }
0x1e1: {  	[bflag:$0x3] =	sbarrier.arrive $0xFFFF  }
0x1e2: {  	_ =	shalt  }

// kernel: kernel.9.cloned.1.call-start
scs
__scs_entry_jumppad:
0x0: {  	(pc) =	sbr.rel $0x88, $3  }
0x1: {  	(tag) =	ssettag $0x0;
	lr =	simm.s32 $0x1  }
0x2: {  	[smem:$0x3F95] =	sst lr;
	_ =	strace $0xD0000000  }
0x3: {  	_ = 	snop  }
0x4: {  	_ = 	snop  }
0x5: {  	_ = 	snop  }
0x6: {  	_ = 	snop  }
0x7: {  	_ = 	snop  }
__scs_overlays_trampoline_lowered:
0x8: {  	[smem:$0x3FA4] =	sst s0  }
0x9: {  	[smem:$0x3FA5] =	sst s1  }
0xa: {  	[smem:$0x3FA6] =	sst s2  }
0xb: {  	[smem:$0x3FA7] =	sst s3  }
0xc: {  	[smem:$0x3FA8] =	sst s4  }
0xd: {  	[smem:$0x3FA9] =	sst s5  }
0xe: {  	[smem:$0x3FAA] =	sst s6  }
0xf: {  	[smem:$0x3FAB] =	sst s7  }
0x10: {  	[smem:$0x3FAC] =	sst s8  }
0x11: {  	[smem:$0x3FAD] =	sst s9;
	s0 =	simm.s32 @!p0 $0x0  }
0x12: {  	s1 =	sld [smem:$0x3F93];
	s0 =	simm.s32 @p0 $0x1  }
0x13: {  	[smem:$0x3FAE] =	sst s0;
	s0 =	simm.s32 @!p1 $0x0  }
0x14: {  	s2 =	sld [smem:$0x3F92];
	s0 =	simm.s32 @p1 $0x1  }
0x15: {  	[smem:$0x3FAF] =	sst s0;
	s0 =	simm.s32 @!p2 $0x0  }
0x16: {  	s3 =	sld [smem:$0x3FDB];
	s0 =	simm.s32 @p2 $0x1  }
0x17: {  	s4 =	simm.s32 $0x1BF5;
	[smem:$0x3FB1] =	sst s0  }
0x18: {  	s0 =	sld [smem:$0x3F94];
	_ =	swait.ge [sflag:s4], $0x0  }
0x19: {  	s7 =	sld [smem:$0x3F95]  }
0x1a: {  	s8 =	sadd.s32 $0xFFFFE003, lr  }
0x1b: {  	s9 =	sadd.s32 $0xFFFFFEF7, lr;
	s5 =	simm.s32 $0xFFFFFFFF;
	p2 =	slt.u32 s8, $0xFFFFF086  }
0x1c: {  	p1 =	slt.u32 s9, $0xF7A;
	s5 =	simm.s32 @!p2 $0x0  }
0x1d: {  	s5 =	simm.s32 @p1 $0x1;
	p0 =	seq.s32 s7, s2  }
0x1e: {  	s7 =	smul.u32 @!p0 $0xF7A, s2;
	p2 =	seq.s32 @!p0 s5, $0x0  }
0x1f: {  	s9 =	smul.u32 $0xF7A, s1;
	s8 =	simm.s32 @!p0 $0x1BF5;
	p2 =	por !p2, p0  }
0x20: {  	[sflag:s8] =	ssyncset.s32 @!p0 $0xFFFFF086;
	s6 =	sadd.s32 @!p0 s3, s7;
	s7 =	simm.s32 @!p0 $0x108  }
0x21: {  	s3 =	sadd.s32 s3, s9;
	s6 =	sadd.s32 @!p0 $0x88, s6;
	s7 =	simm.s32 @p2 $0x1082  }
0x22: {  	[simem:s7], [sflag:s8] =	dma.local @!p0 [hbm:s6], $0xF7A  }
0x23: {  	s9 =	sor.u32 $0xD0000000, s2;
	s6 =	simm.s32 $0x108;
	_ =	swait.ge @!p0 [sflag:s8], $0x0  }
0x24: {  	s3 =	sadd.s32 $0x88, s3;
	s6 =	simm.s32 @!p1 $0x1082;
	[sflag:s4] =	ssyncset.s32 $0xFFFFF086  }
0x25: {  	[simem:s6], [sflag:s4] =	dma.local [hbm:s3], $0xF7A  }
0x26: {  	[smem:$0x3F95] =	sst s1;
	(tag) =	ssettag s2;
	_ =	strace s9  }
0x27: {  	s1 =	sld [smem:$0x3FA5]  }
0x28: {  	s2 =	sld [smem:$0x3FA6]  }
0x29: {  	s4 =	sld [smem:$0x3FA8]  }
0x2a: {  	p0 =	seq.s32 s5, $0x0;
	s5 =	sld [smem:$0x3FA9]  }
0x2b: {  	s6 =	sld [smem:$0x3FAA]  }
0x2c: {  	s7 =	sld [smem:$0x3FAB]  }
0x2d: {  	s3 =	simm.s32 $0x108;
	s8 =	sld [smem:$0x3FAC]  }
0x2e: {  	s3 =	simm.s32 @!p0 $0x1082;
	s9 =	sld [smem:$0x3FAD]  }
0x2f: {  	lr =	sadd.s32 s0, s3;
	s0 =	sld [smem:$0x3FA4]  }
0x30: {  	s3 =	sld [smem:$0x3FA7]  }
0x31: {  	[smem:$0x3FB0] =	sst s10  }
0x32: {  	s10 =	sld [smem:$0x3FAE];
	_ =	sdelay $0x3  }
0x33: {  	p0 =	seq.s32 s10, $0x1;
	s10 =	sld [smem:$0x3FB0];
	_ =	sdelay $0x3  }
0x34: {  	[smem:$0x3FB0] =	sst s10  }
0x35: {  	s10 =	sld [smem:$0x3FAF];
	_ =	sdelay $0x3  }
0x36: {  	p1 =	seq.s32 s10, $0x1;
	s10 =	sld [smem:$0x3FB0];
	_ =	sdelay $0x3  }
0x37: {  	[smem:$0x3FB0] =	sst s10  }
0x38: {  	s10 =	sld [smem:$0x3FB1]  }
0x39: {  	_ = 	snop;
	(pc) =	sbr.ind lr, $3  }
0x3a: {  	_ = 	snop  }
0x3b: {  	_ = 	snop  }
0x3c: {  	p2 =	seq.s32 s10, $0x1;
	s10 =	sld [smem:$0x3FB0]  }
0x3d: {  	_ =	shalt  }
0x3e: {  	_ =	shalt  }
0x3f: {  	_ =	shalt  }
0x40: {  	_ =	shalt  }
0x41: {  	_ =	shalt  }
0x42: {  	_ =	shalt  }
0x43: {  	_ =	shalt  }
0x44: {  	_ =	shalt  }
0x45: {  	_ =	shalt  }
0x46: {  	_ =	shalt  }
0x47: {  	_ =	shalt  }
0x48: {  	_ =	shalt  }
0x49: {  	_ =	shalt  }
0x4a: {  	_ =	shalt  }
0x4b: {  	_ =	shalt  }
0x4c: {  	_ =	shalt  }
0x4d: {  	_ =	shalt  }
0x4e: {  	_ =	shalt  }
0x4f: {  	_ =	shalt  }
0x50: {  	_ =	shalt  }
0x51: {  	_ =	shalt  }
0x52: {  	_ =	shalt  }
0x53: {  	_ =	shalt  }
0x54: {  	_ =	shalt  }
0x55: {  	_ =	shalt  }
0x56: {  	_ =	shalt  }
0x57: {  	_ =	shalt  }
0x58: {  	_ =	shalt  }
0x59: {  	_ =	shalt  }
0x5a: {  	_ =	shalt  }
0x5b: {  	_ =	shalt  }
0x5c: {  	_ =	shalt  }
0x5d: {  	_ =	shalt  }
0x5e: {  	_ =	shalt  }
0x5f: {  	_ =	shalt  }
0x60: {  	_ =	shalt  }
0x61: {  	_ =	shalt  }
0x62: {  	_ =	shalt  }
0x63: {  	_ =	shalt  }
0x64: {  	_ =	shalt  }
0x65: {  	_ =	shalt  }
0x66: {  	_ =	shalt  }
0x67: {  	_ =	shalt  }
0x68: {  	_ =	shalt  }
0x69: {  	_ =	shalt  }
0x6a: {  	_ =	shalt  }
0x6b: {  	_ =	shalt  }
0x6c: {  	_ =	shalt  }
0x6d: {  	_ =	shalt  }
0x6e: {  	_ =	shalt  }
0x6f: {  	_ =	shalt  }
0x70: {  	_ =	shalt  }
0x71: {  	_ =	shalt  }
0x72: {  	_ =	shalt  }
0x73: {  	_ =	shalt  }
0x74: {  	_ =	shalt  }
0x75: {  	_ =	shalt  }
0x76: {  	_ =	shalt  }
0x77: {  	_ =	shalt  }
0x78: {  	_ =	shalt  }
0x79: {  	_ =	shalt  }
0x7a: {  	_ =	shalt  }
0x7b: {  	_ =	shalt  }
0x7c: {  	_ =	shalt  }
0x7d: {  	_ =	shalt  }
0x7e: {  	_ =	shalt  }
0x7f: {  	_ =	shalt  }
0x80: {  	_ =	shalt  }
0x81: {  	_ =	shalt  }
0x82: {  	_ =	shalt  }
0x83: {  	_ =	shalt  }
0x84: {  	_ =	shalt  }
0x85: {  	_ =	shalt  }
0x86: {  	_ =	shalt  }
0x87: {  	_ =	shalt  }
.Lfunc_end0:
.L_simem_size_0:
called_computation.1_lowered:
.L_overlay_start_0:
0x88: {  	s2 =	sld [smem:$0x3FD9]  }
0x89: {  	s3 =	sld [smem:$0x3FFE];
	_ =	sdelay $0x1  }
0x8a: {  	s1 =	srdreg.scid  }
0x8b: {  	s0 =	sand.u32 $0x1, s1  }
0x8c: {  	s16 =	sshll.u32 s0, $0xA;
	s2 =	sadd.s32 s3, s2  }
0x8d: {  	s2 =	sadd.s32 s2, s16  }
0x8e: {  	[smem:$0x3FBC] =	sst s2  }
0x8f: {  	_ = 	snop  }
0x90: {  	(tm) =	ssettm $0x1  }
0x91: {  	s17 =	sld [smem:$0x3FFB];
	_ =	sdelay $0x3  }
0x92: {  	_ =	strace s17  }
0x93: {  	s2 =	sld [smem:$0x3FFC];
	_ =	sdelay $0x3  }
0x94: {  	_ =	strace s2  }
0x95: {  	s2 =	sld [smem:$0x3FFD];
	_ =	sdelay $0x3  }
0x96: {  	_ =	strace s2  }
0x97: {  	_ =	strace $0x8FFFFFFF  }
0x98: {  	s18 =	sld [smem:$0x3FDB];
	_ =	sdelay $0x1  }
0x99: {  	s19 =	simm.s32 $_scs_section_size  }
0x9a: {  	s4 =	simm.s32 $_size__tile_overlayer_lowered;
	s5 =	simm.s32 $_tile_overlayer_lowered  }
0x9b: {  	s22 =	simm.s32 $0x1BFF;
	s21 =	sshll.u32 s5, $0x1;
	s2 =	sadd.s32 s19, s18  }
0x9c: {  	s6 =	simm.s32 $0x0;
	s20 =	sshll.u32 s4, $0x1;
	s4 =	sadd.s32 s21, s2  }
0x9d: {  	[timem:s6], [sflag:s22] =	dma.local [hbm:s4], s20  }
0x9e: {  	_ =	swait.ge [sflag:s22], s20  }
0x9f: {  	s3 =	ssub.s32 $0x0, s20;
	[sflag:s22] =	ssyncset.done $0x0  }
0xa0: {  	[sflag:s22] =	ssyncadd.s32 s3;
	_ =	sdelay $0x1  }
0xa1: {  	s23 =	simm.s32 $0x1B8B  }
0xa2: {  	_ =	swait.ge [sflag:s23], $0x1  }
0xa3: {  	[sflag:s23] =	ssyncset.done $0x0  }
0xa4: {  	s25 =	simm.s32 $0x1B8E;
	s24 =	sld [smem:$0x3FFE];
	[sflag:s23] =	ssyncadd.s32 $0xFFFFFFFF  }
0xa5: {  	s26 =	simm.s32 $execute0_lowered;
	[smem:$0x3FD2] =	sst s25  }
0xa6: {  	s4 =	sshll.u32 s26, $0x1;
	_ =	strace $0x80000049;
	[dreg:$0x1] =	wrdreg $0xFFFFFFFF  }
0xa7: {  	s28 =	simm.s32 $_size_execute0_lowered;
	s2 =	sadd.s32 s2, s4;
	[dreg:$0x0] =	wrdreg $0x0  }
0xa8: {  	s4 =	sshll.u32 s28, $0x1;
	[dreg:$0x2] =	wrdreg s2  }
0xa9: {  	[dreg:$0x3] =	wrdreg s4  }
0xaa: {  	[dreg:$0x4] =	wrdreg $0xC0  }
0xab: {  	_ =	task [dreg:s6], $0x5FFFF  }
0xac: {  	[dreg:$0x1] =	wrdreg $0xFFFFFFFF  }
0xad: {  	[dreg:$0x0] =	wrdreg $0x60  }
0xae: {  	[dreg:$0x2] =	wrdreg s24  }
0xaf: {  	[dreg:$0x3] =	wrdreg $0xA4000  }
0xb0: {  	[dreg:$0x4] =	wrdreg $0x9  }
0xb1: {  	_ =	task.clear_ibuf [dreg:s6], $0x5FFFF;
	_ =	strace $0x90000049  }
0xb2: {  	s29 =	simm.s32 $0x9;
	_ =	strace $0x8000004B  }
0xb3: {  	_ =	swait.ge [sflag:s29], $0x1  }
0xb4: {  	[sflag:s29] =	ssyncadd.s32 $0xFFFFFFFF  }
0xb5: {  	_ =	strace $0x9000004B  }
0xb6: {  	_ =	sfence  }
0xb7: {  	s30 =	sld [smem:$0x0];
	_ =	sdelay $0x2  }
0xb8: {  	s31 =	sshll.u32 s1, $0xD;
	s1 =	sshrl.u32 s1, $0x2  }
0xb9: {  	s3 =	sand.u32 $0x4000, s31;
	s1 =	sadd.s32 s1, s30  }
0xba: {  	s0 =	sor.u32 s3, s0;
	s1 =	sshll.u32 s1, $0x11  }
0xbb: {  	s0 =	sor.u32 s1, s0  }
0xbc: {  	s0 =	sadd.s32 $0x8F2B, s0  }
0xbd: {  	[sflag:s0] =	ssyncadd.remote.s32 $0x1  }
0xbe: {  	_ =	sfence.sel $0xFFFF  }
0xbf: {  	[dreg:$0x0] =	wrdreg $0xFFFFFFFF;
	(pc) =	sbr.abs _section_cstart, $3  }
0xc0: {  	[dreg:$0x1] =	wrdreg $0xFFFFFFFF  }
0xc1: {  	_ =	task.clear_ibuf [dreg:s6], $0x2FFFF;
	_ =	strace $0x9FFFFFFF  }
0xc2: {  	(tm) =	ssettm $0x7FFFFFFF  }
0xc3: {  	_ =	shalt  }
tec
execute0_lowered:
.L_overlay_start_1:
0x0: {  	(tag) =	ssettag $0x1  }
0x1: {  	s0 =	rddreg [dreg:$0x0]  }
0x2: {  	s1 =	srdreg.scid;
	s25 =	rddreg [dreg:$0x1]  }
0x3: {  	s9 =	stileid.u32;
	s3 =	simm.s32 $0x0;
	s31 =	simm.s32 $0x2A00  }
0x4: {  	s28 =	simm.s32 $0xE;
	s1 =	sand.u32 $0x1, s1;
	s6 =	smul.u32 $0x14000, s9  }
0x5: {  	[smem:$0x7FF] =	sst s3;
	s4 =	sadd.s32 $0x16800, s0;
	s11 =	smul.u32 $0x50000, s9  }
0x6: {  	s20 =	sadd.s32 $0xCA00, s0;
	s24 =	sadd.s32 $0x2C00, s0;
	s5 =	smul.u32 $0x140000, s1  }
0x7: {  	s12 =	sshll.u32 s9, $0x1;
	s14 =	smul.u32 $0x4E20, s9;
	_ =	strace $0x8000004A  }
0x8: {  	s7 =	ssub.s32 $0x2, s1;
	[dreg:$0x9] =	wrdreg s24;
	s5 =	sadd.s32 s6, s5  }
0x9: {  	[dreg:$0xa] =	wrdreg s20;
	s6 =	sshrl.u32 s11, $0x2;
	s5 =	sshrl.u32 s5, $0x3  }
0xa: {  	s0 =	sadd.s32 s5, s0;
	s5 =	sor.u32 s1, s12;
	s12 =	sadd.s32 s6, s25  }
0xb: {  	s8 =	sshrl.u32 s7, $0x1;
	s13 =	sadd.s32 $0x2800, s12;
	[dreg:$0xb] =	wrdreg s12  }
0xc: {  	s6 =	ssub.s32 s7, s8;
	s15 =	sadd.s32 $0x5000, s12;
	[dreg:$0xc] =	wrdreg s13  }
0xd: {  	s1 =	smul.u32 $0x2710, s1;
	s16 =	sadd.s32 $0x7800, s12;
	[dreg:$0xd] =	wrdreg s15  }
0xe: {  	s5 =	smul.u32 $0x2710, s5;
	s17 =	sadd.s32 $0xA000, s12;
	[dreg:$0xe] =	wrdreg s16  }
0xf: {  	s18 =	sadd.s32 $0xC800, s12;
	s0 =	sadd.s32 $0x67200, s0;
	[dreg:$0xf] =	wrdreg s17  }
0x10: {  	[dreg:$0x10] =	wrdreg s18;
	s1 =	sadd.s32 s1, s14;
	s5 =	sshrl.u32 s5, $0x3  }
0x11: {  	[dreg:$0x1b] =	wrdreg s0;
	s26 =	sadd.s32 $0x230, s1;
	s19 =	sadd.s32 s20, s5  }
0x12: {  	s21 =	sadd.s32 $0xA, s5;
	s22 =	sadd.s32 s24, s5;
	[dreg:$0x11] =	wrdreg s19  }
0x13: {  	s7 =	sshrl.u32 s26, $0x3;
	s26 =	sadd.s32 $0x140, s1;
	[dreg:$0x12] =	wrdreg s22  }
0x14: {  	s9 =	simm.s32 $0x2980;
	s23 =	sadd.s32 s20, s21;
	[dreg:$0x1d] =	wrdreg s26  }
0x15: {  	s29 =	sadd.s32 $0x14, s5;
	s8 =	sadd.s32 s24, s21;
	[dreg:$0x13] =	wrdreg s23  }
0x16: {  	s10 =	sadd.s32 $0x1E0, s1;
	s30 =	sadd.s32 s20, s29;
	[dreg:$0x14] =	wrdreg s8  }
0x17: {  	s13 =	sadd.s32 $0x190, s1;
	s2 =	sadd.s32 s7, s24;
	[dreg:$0x15] =	wrdreg s30  }
0x18: {  	s10 =	sshrl.u32 s10, $0x3;
	s7 =	sadd.s32 s7, s20;
	[dreg:$0x3] =	wrdreg s2  }
0x19: {  	s15 =	sshrl.u32 s13, $0x3;
	s11 =	sadd.s32 s10, s24;
	[dreg:$0x4] =	wrdreg s7  }
0x1a: {  	s16 =	sadd.s32 $0x1E, s5;
	s14 =	sadd.s32 s10, s20;
	[dreg:$0x5] =	wrdreg s11  }
0x1b: {  	s5 =	sadd.s32 $0x4D8, s5;
	s17 =	sadd.s32 s15, s24;
	[dreg:$0x6] =	wrdreg s14  }
0x1c: {  	s1 =	simm.s32 $0x2900;
	s18 =	sadd.s32 s20, s16;
	[dreg:$0x7] =	wrdreg s17  }
0x1d: {  	s13 =	simm.s32 $0x7B00;
	s19 =	sadd.s32 s24, s16;
	[dreg:$0x17] =	wrdreg s18  }
0x1e: {  	s21 =	sadd.s32 s15, s20;
	s22 =	sadd.s32 s20, s5;
	[dreg:$0x18] =	wrdreg s19  }
0x1f: {  	s5 =	sadd.s32 s24, s5;
	s15 =	simm.s32 $0x5200;
	[dreg:$0x8] =	wrdreg s21  }
0x20: {  	s10 =	simm.s32 $0x5280;
	s26 =	simm.s32 $0x7;
	[dreg:$0x19] =	wrdreg s22  }
0x21: {  	s16 =	simm.s32 $0x0;
	s8 =	sadd.s32 s24, s29;
	[dreg:$0x1a] =	wrdreg s5  }
0x22: {  	s23 =	smax.u32 s6, $0x1;
	s29 =	sadd.s32 $0xF000, s12;
	s30 =	sadd.s32 $0x11800, s12  }
0x23: {  	s11 =	simm.s32 $0x1;
	s12 =	simm.s32 $0x50;
	s17 =	simm.s32 $0x100  }
0x24: {  	s19 =	simm.s32 $0x9;
	s22 =	simm.s32 $0x5300;
	s21 =	simm.s32 $0x2  }
0x25: {  	s14 =	simm.s32 $0x6;
	s7 =	simm.s32 $0x4;
	[dreg:$0x16] =	wrdreg s8  }
0x26: {  	s18 =	simm.s32 $0xD;
	s5 =	simm.s32 $0xA;
	[dreg:$0x1c] =	wrdreg s23  }
0x27: {  	s6 =	simm.s32 $0xB;
	s2 =	simm.s32 $0x8;
	[dreg:$0x1e] =	wrdreg s29  }
0x28: {  	v0 =	vimm.f32 $0.0e+00;
	[dreg:$0x1f] =	wrdreg s30;
	s8 =	simm.s32 $0x5;
	s23 =	simm.s32 $0x3  }
.LBB2_1:
0x29: {  	[smem:$0x7FD] =	sst s16;
	s29 =	simm.s32 $0x0;
	s30 =	simm.s32 $0x200  }
.LBB2_2:
0x2a: {  	p0 =	sne.s32 s30, $0x9E00;
	[tilespmem:s29+$0x7C70] =	vst v0  }
0x2b: {  	[tilespmem:s29+$0x7C00] =	vst v0  }
0x2c: {  	[tilespmem:s29+$0x7C10] =	vst v0  }
.Ltmp0:
0x2d: {  	[tilespmem:s29+$0x7C20] =	vst v0;
	(pc) =	sbr.rel @p0 .LBB2_2-.Ltmp0, $4  }
0x2e: {  	[tilespmem:s29+$0x7C30] =	vst v0  }
0x2f: {  	[tilespmem:s29+$0x7C40] =	vst v0  }
0x30: {  	[tilespmem:s29+$0x7C50] =	vst v0  }
0x31: {  	[tilespmem:s29+$0x7C60] =	vst v0;
	s29 =	sshra.s32 s30, $0x2;
	s30 =	sadd.s32 $0x200, s30  }
0x32: {  	[tilespmem:s29+$0x7C70] =	vst v0  }
0x33: {  	[tilespmem:s29+$0x7C00] =	vst v0  }
0x34: {  	[tilespmem:s29+$0x7C10] =	vst v0  }
0x35: {  	[tilespmem:s29+$0x7C20] =	vst v0  }
0x36: {  	[tilespmem:s29+$0x7C30] =	vst v0  }
0x37: {  	[tilespmem:s29+$0x7C40] =	vst v0  }
0x38: {  	[tilespmem:s29+$0x7C50] =	vst v0  }
0x39: {  	[tilespmem:s29+$0x7C60] =	vst v0;
	s0 =	rddreg [dreg:$0xb];
	s16 =	simm.s32 $0x7C00  }
0x3a: {  	[spmem:s0] =	stream.linear.scatter [tilespmem:s16], [sflag:$0x11], $0x2800, $0x38;
	[tilespmem:$0x1E400] =	vst v63  }
0x3b: {  	s24 =	rddreg [dreg:$0xc]  }
0x3c: {  	[spmem:s24] =	stream.linear.scatter [tilespmem:s16], [sflag:$0x11], $0x2800, $0x38;
	[tilespmem:$0x1E400] =	vst v63  }
0x3d: {  	s24 =	rddreg [dreg:$0xd]  }
0x3e: {  	[spmem:s24] =	stream.linear.scatter [tilespmem:s16], [sflag:$0x11], $0x2800, $0x38;
	[tilespmem:$0x1E400] =	vst v63  }
0x3f: {  	s24 =	rddreg [dreg:$0xe]  }
0x40: {  	[spmem:s24] =	stream.linear.scatter [tilespmem:s16], [sflag:$0x11], $0x2800, $0x38;
	[tilespmem:$0x1E400] =	vst v63  }
0x41: {  	s24 =	rddreg [dreg:$0xf]  }
0x42: {  	[spmem:s24] =	stream.linear.scatter [tilespmem:s16], [sflag:$0x11], $0x2800, $0x38;
	[tilespmem:$0x1E400] =	vst v63  }
0x43: {  	s24 =	rddreg [dreg:$0x10]  }
0x44: {  	[spmem:s24] =	stream.linear.scatter [tilespmem:s16], [sflag:$0x11], $0x2800, $0x38;
	[tilespmem:$0x1E400] =	vst v63  }
0x45: {  	s24 =	rddreg [dreg:$0x1e]  }
0x46: {  	[spmem:s24] =	stream.linear.scatter [tilespmem:s16], [sflag:$0x11], $0x2800, $0x38;
	[tilespmem:$0x1E400] =	vst v63  }
0x47: {  	s24 =	rddreg [dreg:$0x1f]  }
0x48: {  	[spmem:s24] =	stream.linear.scatter [tilespmem:s16], [sflag:$0x11], $0x2800, $0x38;
	[tilespmem:$0x1E400] =	vst v63  }
0x49: {  	s29 =	simm.s32 $0x0;
	s24 =	rddreg [dreg:$0x11]  }
0x4a: {  	[tilespmem:s29], [sflag:$0x1] =	stream.linear.gather [hbm4b:s24+s29], $0x50, $0x38;
	[tilespmem:$0x1E400] =	vst v63  }
0x4b: {  	s0 =	rddreg [dreg:$0x12];
	s24 =	simm.s32 $0x80  }
0x4c: {  	[tilespmem:s24], [sflag:$0x2] =	stream.linear.gather [hbm4b:s0+s29], $0x50, $0x38;
	[tilespmem:$0x1E400] =	vst v63  }
0x4d: {  	s0 =	rddreg [dreg:$0x13]  }
0x4e: {  	[tilespmem:s1], [sflag:$0x5] =	stream.linear.gather [hbm4b:s0+s29], $0x50, $0x38;
	[tilespmem:$0x1E400] =	vst v63  }
0x4f: {  	s0 =	rddreg [dreg:$0x14]  }
0x50: {  	[tilespmem:s9], [sflag:$0x6] =	stream.linear.gather [hbm4b:s0+s29], $0x50, $0x38;
	[tilespmem:$0x1E400] =	vst v63  }
0x51: {  	s0 =	rddreg [dreg:$0x15]  }
0x52: {  	[tilespmem:s15], [sflag:$0x9] =	stream.linear.gather [hbm4b:s0+s29], $0x50, $0x38;
	[tilespmem:$0x1E400] =	vst v63  }
0x53: {  	s0 =	rddreg [dreg:$0x16]  }
0x54: {  	[tilespmem:s10], [sflag:$0xA] =	stream.linear.gather [hbm4b:s0+s29], $0x50, $0x38;
	[tilespmem:$0x1E400] =	vst v63  }
0x55: {  	s0 =	rddreg [dreg:$0x17]  }
0x56: {  	[tilespmem:s13], [sflag:$0xD] =	stream.linear.gather [hbm4b:s0+s29], $0x50, $0x38;
	[tilespmem:$0x1E400] =	vst v63  }
0x57: {  	s30 =	simm.s32 $0x7B80;
	s0 =	rddreg [dreg:$0x18]  }
0x58: {  	[tilespmem:s30], [sflag:$0xE] =	stream.linear.gather [hbm4b:s0+s29], $0x50, $0x38;
	[tilespmem:$0x1E400] =	vst v63  }
0x59: {  	_ =	swait.ge [sflag:s11], $0x50  }
0x5a: {  	[sflag:s11] =	ssyncset.done $0x0  }
0x5b: {  	[sflag:s11] =	ssyncadd.s32 $0xFFFFFFB0  }
0x5c: {  	[tilespmem:s17], [sflag:$0x3] =	stream.indirect.gather [hbm4b:s4+s12], $0x80, s29, s12, $0xb8;
	[tilespmem:$0x1E400] =	vst v63  }
0x5d: {  	_ =	swait.ge [sflag:s8], $0x50  }
0x5e: {  	[sflag:s8] =	ssyncset.done $0x0  }
0x5f: {  	[sflag:s8] =	ssyncadd.s32 $0xFFFFFFB0  }
0x60: {  	[tilespmem:s31], [sflag:$0x7] =	stream.indirect.gather [hbm4b:s4+s12], $0x80, s1, s12, $0xb8;
	[tilespmem:$0x1E400] =	vst v63  }
0x61: {  	_ =	swait.ge [sflag:s19], $0x50  }
0x62: {  	[sflag:s19] =	ssyncset.done $0x0  }
0x63: {  	s0 =	simm.s32 $0x11;
	[sflag:s19] =	ssyncadd.s32 $0xFFFFFFB0  }
0x64: {  	[tilespmem:s22], [sflag:$0xB] =	stream.indirect.gather [hbm4b:s4+s12], $0x80, s15, s12, $0xb8;
	[tilespmem:$0x1E400] =	vst v63  }
0x65: {  	_ =	swait.ge [sflag:s0], $0x2800  }
0x66: {  	[sflag:s0] =	ssyncset.done $0x0  }
0x67: {  	[sflag:s0] =	ssyncadd.s32 $0xFFFFD800  }
0x68: {  	_ =	swait.ge [sflag:s0], $0x2800  }
0x69: {  	[sflag:s0] =	ssyncset.done $0x0  }
0x6a: {  	[sflag:s0] =	ssyncadd.s32 $0xFFFFD800  }
0x6b: {  	_ =	swait.ge [sflag:s0], $0x2800  }
0x6c: {  	[sflag:s0] =	ssyncset.done $0x0  }
0x6d: {  	[sflag:s0] =	ssyncadd.s32 $0xFFFFD800  }
0x6e: {  	_ =	swait.ge [sflag:s0], $0x2800  }
0x6f: {  	[sflag:s0] =	ssyncset.done $0x0  }
0x70: {  	[sflag:s0] =	ssyncadd.s32 $0xFFFFD800  }
0x71: {  	_ =	swait.ge [sflag:s0], $0x2800  }
0x72: {  	[sflag:s0] =	ssyncset.done $0x0  }
0x73: {  	[sflag:s0] =	ssyncadd.s32 $0xFFFFD800  }
0x74: {  	_ =	swait.ge [sflag:s0], $0x2800  }
0x75: {  	[sflag:s0] =	ssyncset.done $0x0  }
0x76: {  	[sflag:s0] =	ssyncadd.s32 $0xFFFFD800  }
0x77: {  	_ =	swait.ge [sflag:s0], $0x2800  }
0x78: {  	[sflag:s0] =	ssyncset.done $0x0  }
0x79: {  	[sflag:s0] =	ssyncadd.s32 $0xFFFFD800  }
0x7a: {  	_ =	swait.ge [sflag:s0], $0x2800  }
0x7b: {  	[sflag:s0] =	ssyncset.done $0x0  }
0x7c: {  	[sflag:s0] =	ssyncadd.s32 $0xFFFFD800  }
0x7d: {  	[bflag:$0x0] =	sbarrier.arrive $0xFFFF  }
0x7e: {  	_ =	swait.ge [sflag:s21], $0x50  }
0x7f: {  	[sflag:s21] =	ssyncset.done $0x0  }
0x80: {  	[sflag:s21] =	ssyncadd.s32 $0xFFFFFFB0  }
0x81: {  	_ =	swait.ge [sflag:s23], $0x2800  }
0x82: {  	[sflag:s23] =	ssyncset.done $0x0  }
0x83: {  	[sflag:s23] =	ssyncadd.s32 $0xFFFFD800  }
0x84: {  	[spmem:s25] =	stream.indirect.scatter.add.f32 [tilespmem:s17], [sflag:$0x4], $0x80, s24, s12, $0xb8;
	[tilespmem:$0x1E400] =	vst v63  }
0x85: {  	_ =	swait.ge [sflag:s14], $0x50  }
0x86: {  	[sflag:s14] =	ssyncset.done $0x0  }
0x87: {  	[sflag:s14] =	ssyncadd.s32 $0xFFFFFFB0  }
0x88: {  	_ =	swait.ge [sflag:s26], $0x2800  }
0x89: {  	[sflag:s26] =	ssyncset.done $0x0  }
0x8a: {  	[sflag:s26] =	ssyncadd.s32 $0xFFFFD800  }
0x8b: {  	[spmem:s25] =	stream.indirect.scatter.add.f32 [tilespmem:s31], [sflag:$0x8], $0x80, s9, s12, $0xb8;
	[tilespmem:$0x1E400] =	vst v63  }
0x8c: {  	_ =	swait.ge [sflag:s7], $0x2800  }
0x8d: {  	s0 =	rddreg [dreg:$0x1d]  }
0x8e: {  	[sflag:s7] =	ssyncset.done $0x0;
	s29 =	sshrl.u32 s0, $0x3  }
0x8f: {  	[sflag:s7] =	ssyncadd.s32 $0xFFFFD800;
	s30 =	sadd.s32 s20, s29;
	s20 =	rddreg [dreg:$0x9]  }
0x90: {  	[tilespmem:s3], [sflag:$0x1] =	stream.linear.gather [hbm4b:s30+s3], $0x50, $0x38;
	[tilespmem:$0x1E400] =	vst v63  }
0x91: {  	s29 =	sadd.s32 s20, s29  }
0x92: {  	[tilespmem:s24], [sflag:$0x2] =	stream.linear.gather [hbm4b:s29+s3], $0x50, $0x38;
	[tilespmem:$0x1E400] =	vst v63  }
0x93: {  	_ =	swait.ge [sflag:s18], $0x50  }
0x94: {  	[sflag:s18] =	ssyncset.done $0x0  }
0x95: {  	[sflag:s18] =	ssyncadd.s32 $0xFFFFFFB0  }
0x96: {  	[tilespmem:s16], [sflag:$0xF] =	stream.indirect.gather [hbm4b:s4+s12], $0x80, s13, s12, $0xb8;
	[tilespmem:$0x1E400] =	vst v63  }
0x97: {  	_ =	swait.ge [sflag:s5], $0x50  }
0x98: {  	[sflag:s5] =	ssyncset.done $0x0  }
0x99: {  	[sflag:s5] =	ssyncadd.s32 $0xFFFFFFB0  }
0x9a: {  	_ =	swait.ge [sflag:s6], $0x2800  }
0x9b: {  	[sflag:s6] =	ssyncset.done $0x0  }
0x9c: {  	[sflag:s6] =	ssyncadd.s32 $0xFFFFD800  }
0x9d: {  	[spmem:s25] =	stream.indirect.scatter.add.f32 [tilespmem:s22], [sflag:$0xC], $0x80, s10, s12, $0xb8;
	[tilespmem:$0x1E400] =	vst v63  }
0x9e: {  	_ =	swait.ge [sflag:s2], $0x2800  }
0x9f: {  	s29 =	rddreg [dreg:$0x8];
	[sflag:s2] =	ssyncset.done $0x0  }
0xa0: {  	s30 =	rddreg [dreg:$0x7];
	[sflag:s2] =	ssyncadd.s32 $0xFFFFD800;
	s29 =	sadd.s32 $0x0, s29  }
0xa1: {  	[tilespmem:s1], [sflag:$0x5] =	stream.linear.gather [hbm4b:s29+s3], $0x50, $0x38;
	[tilespmem:$0x1E400] =	vst v63  }
0xa2: {  	s29 =	sadd.s32 $0x0, s30  }
0xa3: {  	[tilespmem:s9], [sflag:$0x6] =	stream.linear.gather [hbm4b:s29+s3], $0x50, $0x38;
	[tilespmem:$0x1E400] =	vst v63  }
0xa4: {  	_ =	swait.ge [sflag:s11], $0x50  }
0xa5: {  	[sflag:s11] =	ssyncset.done $0x0  }
0xa6: {  	[sflag:s11] =	ssyncadd.s32 $0xFFFFFFB0  }
0xa7: {  	[tilespmem:s17], [sflag:$0x3] =	stream.indirect.gather [hbm4b:s4+s12], $0x80, s3, s12, $0xb8;
	[tilespmem:$0x1E400] =	vst v63  }
0xa8: {  	_ =	swait.ge [sflag:s28], $0x50  }
0xa9: {  	[sflag:s28] =	ssyncset.done $0x0  }
0xaa: {  	s11 =	simm.s32 $0xF;
	[sflag:s28] =	ssyncadd.s32 $0xFFFFFFB0  }
0xab: {  	_ =	swait.ge [sflag:s11], $0x2800  }
0xac: {  	[sflag:s11] =	ssyncset.done $0x0  }
0xad: {  	s20 =	simm.s32 $0xC;
	s18 =	simm.s32 $0x7B80;
	[sflag:s11] =	ssyncadd.s32 $0xFFFFD800  }
0xae: {  	[spmem:s25] =	stream.indirect.scatter.add.f32 [tilespmem:s16], [sflag:$0x10], $0x80, s18, s12, $0xb8;
	[tilespmem:$0x1E400] =	vst v63  }
0xaf: {  	_ =	swait.ge [sflag:s20], $0x2800  }
0xb0: {  	s29 =	rddreg [dreg:$0x6];
	[sflag:s20] =	ssyncset.done $0x0  }
0xb1: {  	s30 =	rddreg [dreg:$0x5];
	[sflag:s20] =	ssyncadd.s32 $0xFFFFD800;
	s29 =	sadd.s32 $0x0, s29  }
0xb2: {  	[tilespmem:s15], [sflag:$0x9] =	stream.linear.gather [hbm4b:s29+s3], $0x50, $0x38;
	[tilespmem:$0x1E400] =	vst v63  }
0xb3: {  	s29 =	sadd.s32 $0x0, s30  }
0xb4: {  	[tilespmem:s10], [sflag:$0xA] =	stream.linear.gather [hbm4b:s29+s3], $0x50, $0x38;
	[tilespmem:$0x1E400] =	vst v63  }
0xb5: {  	_ =	swait.ge [sflag:s8], $0x50  }
0xb6: {  	[sflag:s8] =	ssyncset.done $0x0  }
0xb7: {  	[sflag:s8] =	ssyncadd.s32 $0xFFFFFFB0  }
0xb8: {  	[tilespmem:s31], [sflag:$0x7] =	stream.indirect.gather [hbm4b:s4+s12], $0x80, s1, s12, $0xb8;
	[tilespmem:$0x1E400] =	vst v63  }
0xb9: {  	_ =	swait.ge [sflag:s21], $0x50  }
0xba: {  	[sflag:s21] =	ssyncset.done $0x0  }
0xbb: {  	[sflag:s21] =	ssyncadd.s32 $0xFFFFFFB0  }
0xbc: {  	_ =	swait.ge [sflag:s23], $0x2800  }
0xbd: {  	[sflag:s23] =	ssyncset.done $0x0  }
0xbe: {  	s31 =	simm.s32 $0x10;
	[sflag:s23] =	ssyncadd.s32 $0xFFFFD800  }
0xbf: {  	[spmem:s25] =	stream.indirect.scatter.add.f32 [tilespmem:s17], [sflag:$0x4], $0x80, s24, s12, $0xb8;
	[tilespmem:$0x1E400] =	vst v63  }
0xc0: {  	_ =	swait.ge [sflag:s31], $0x2800  }
0xc1: {  	s29 =	rddreg [dreg:$0x4];
	[sflag:s31] =	ssyncset.done $0x0  }
0xc2: {  	s30 =	rddreg [dreg:$0x3];
	[sflag:s31] =	ssyncadd.s32 $0xFFFFD800;
	s29 =	sadd.s32 $0x0, s29  }
0xc3: {  	[tilespmem:s13], [sflag:$0xD] =	stream.linear.gather [hbm4b:s29+s3], $0x50, $0x38;
	[tilespmem:$0x1E400] =	vst v63  }
0xc4: {  	s29 =	sadd.s32 $0x0, s30  }
0xc5: {  	[tilespmem:s18], [sflag:$0xE] =	stream.linear.gather [hbm4b:s29+s3], $0x50, $0x38;
	[tilespmem:$0x1E400] =	vst v63  }
0xc6: {  	_ =	swait.ge [sflag:s19], $0x50  }
0xc7: {  	[sflag:s19] =	ssyncset.done $0x0  }
0xc8: {  	[sflag:s19] =	ssyncadd.s32 $0xFFFFFFB0  }
0xc9: {  	[tilespmem:s22], [sflag:$0xB] =	stream.indirect.gather [hbm4b:s4+s12], $0x80, s15, s12, $0xb8;
	[tilespmem:$0x1E400] =	vst v63  }
0xca: {  	s5 =	simm.s32 $0xA;
	_ =	swait.ge [sflag:s14], $0x50  }
0xcb: {  	s6 =	simm.s32 $0xB;
	s9 =	simm.s32 $0x7;
	[sflag:s14] =	ssyncset.done $0x0  }
0xcc: {  	s28 =	simm.s32 $0x6;
	s8 =	simm.s32 $0xE;
	[sflag:s14] =	ssyncadd.s32 $0xFFFFFFB0  }
0xcd: {  	s21 =	simm.s32 $0x9;
	s30 =	simm.s32 $0x28;
	_ =	swait.ge [sflag:s26], $0x2800  }
0xce: {  	s29 =	sadd.s32 $0x140, s0;
	s18 =	simm.s32 $0xD;
	[sflag:s26] =	ssyncset.done $0x0  }
0xcf: {  	s19 =	simm.s32 $0x5;
	s14 =	simm.s32 $0x1;
	[sflag:s26] =	ssyncadd.s32 $0xFFFFD800  }
.LBB2_4:
0xd0: {  	s24 =	simm.s32 $0x2A00;
	s7 =	simm.s32 $0x2980;
	s1 =	simm.s32 $0x4  }
0xd1: {  	[spmem:s25] =	stream.indirect.scatter.add.f32 [tilespmem:s24], [sflag:$0x8], $0x80, s7, s12, $0xb8;
	[tilespmem:$0x1E400] =	vst v63  }
0xd2: {  	_ =	swait.ge [sflag:s1], $0x2800  }
0xd3: {  	s0 =	sshrl.u32 s29, $0x3;
	[sflag:s1] =	ssyncset.done $0x0;
	s15 =	rddreg [dreg:$0xa]  }
0xd4: {  	s16 =	rddreg [dreg:$0x9];
	[sflag:s1] =	ssyncadd.s32 $0xFFFFD800;
	s1 =	sadd.s32 s15, s0  }
0xd5: {  	[tilespmem:s3], [sflag:$0x1] =	stream.linear.gather [hbm4b:s1+s3], $0x50, $0x38;
	[tilespmem:$0x1E400] =	vst v63  }
0xd6: {  	s11 =	simm.s32 $0x80;
	s0 =	sadd.s32 s16, s0  }
0xd7: {  	[tilespmem:s11], [sflag:$0x2] =	stream.linear.gather [hbm4b:s0+s3], $0x50, $0x38;
	[tilespmem:$0x1E400] =	vst v63  }
0xd8: {  	_ =	swait.ge [sflag:s18], $0x50  }
0xd9: {  	[sflag:s18] =	ssyncset.done $0x0  }
0xda: {  	s13 =	simm.s32 $0x7C00;
	s20 =	simm.s32 $0x7B00;
	[sflag:s18] =	ssyncadd.s32 $0xFFFFFFB0  }
0xdb: {  	[tilespmem:s13], [sflag:$0xF] =	stream.indirect.gather [hbm4b:s4+s12], $0x80, s20, s12, $0xb8;
	[tilespmem:$0x1E400] =	vst v63  }
0xdc: {  	_ =	swait.ge [sflag:s5], $0x50  }
0xdd: {  	[sflag:s5] =	ssyncset.done $0x0  }
0xde: {  	[sflag:s5] =	ssyncadd.s32 $0xFFFFFFB0  }
0xdf: {  	_ =	swait.ge [sflag:s6], $0x2800  }
0xe0: {  	s2 =	simm.s32 $0x8;
	[sflag:s6] =	ssyncset.done $0x0  }
0xe1: {  	s15 =	simm.s32 $0x5300;
	s16 =	simm.s32 $0x5280;
	[sflag:s6] =	ssyncadd.s32 $0xFFFFD800  }
0xe2: {  	[spmem:s25] =	stream.indirect.scatter.add.f32 [tilespmem:s15], [sflag:$0xC], $0x80, s16, s12, $0xb8;
	[tilespmem:$0x1E400] =	vst v63  }
0xe3: {  	s31 =	smov.u32 s30;
	_ =	swait.ge [sflag:s2], $0x2800  }
0xe4: {  	s23 =	simm.s32 $0x2900;
	s17 =	rddreg [dreg:$0x8];
	[sflag:s2] =	ssyncset.done $0x0  }
0xe5: {  	s22 =	rddreg [dreg:$0x7];
	[sflag:s2] =	ssyncadd.s32 $0xFFFFD800;
	s0 =	sadd.s32 s31, s17  }
0xe6: {  	[tilespmem:s23], [sflag:$0x5] =	stream.linear.gather [hbm4b:s0+s3], $0x50, $0x38;
	[tilespmem:$0x1E400] =	vst v63  }
0xe7: {  	s26 =	sadd.s32 s31, s22  }
0xe8: {  	[tilespmem:s7], [sflag:$0x6] =	stream.linear.gather [hbm4b:s26+s3], $0x50, $0x38;
	[tilespmem:$0x1E400] =	vst v63  }
0xe9: {  	_ =	swait.ge [sflag:s14], $0x50  }
0xea: {  	[sflag:s14] =	ssyncset.done $0x0  }
0xeb: {  	s17 =	simm.s32 $0x100;
	[sflag:s14] =	ssyncadd.s32 $0xFFFFFFB0  }
0xec: {  	[tilespmem:s17], [sflag:$0x3] =	stream.indirect.gather [hbm4b:s4+s12], $0x80, s3, s12, $0xb8;
	[tilespmem:$0x1E400] =	vst v63  }
0xed: {  	_ =	swait.ge [sflag:s8], $0x50  }
0xee: {  	[sflag:s8] =	ssyncset.done $0x0  }
0xef: {  	s1 =	simm.s32 $0xF;
	[sflag:s8] =	ssyncadd.s32 $0xFFFFFFB0  }
0xf0: {  	_ =	swait.ge [sflag:s1], $0x2800  }
0xf1: {  	[sflag:s1] =	ssyncset.done $0x0  }
0xf2: {  	s10 =	simm.s32 $0xC;
	s22 =	simm.s32 $0x7B80;
	[sflag:s1] =	ssyncadd.s32 $0xFFFFD800  }
0xf3: {  	[spmem:s25] =	stream.indirect.scatter.add.f32 [tilespmem:s13], [sflag:$0x10], $0x80, s22, s12, $0xb8;
	[tilespmem:$0x1E400] =	vst v63  }
0xf4: {  	_ =	swait.ge [sflag:s10], $0x2800  }
0xf5: {  	s26 =	simm.s32 $0x5200;
	s7 =	rddreg [dreg:$0x6];
	[sflag:s10] =	ssyncset.done $0x0  }
0xf6: {  	s13 =	rddreg [dreg:$0x5];
	[sflag:s10] =	ssyncadd.s32 $0xFFFFD800;
	s0 =	sadd.s32 s31, s7  }
0xf7: {  	[tilespmem:s26], [sflag:$0x9] =	stream.linear.gather [hbm4b:s0+s3], $0x50, $0x38;
	[tilespmem:$0x1E400] =	vst v63  }
0xf8: {  	s7 =	sadd.s32 s31, s13  }
0xf9: {  	[tilespmem:s16], [sflag:$0xA] =	stream.linear.gather [hbm4b:s7+s3], $0x50, $0x38;
	[tilespmem:$0x1E400] =	vst v63  }
0xfa: {  	_ =	swait.ge [sflag:s19], $0x50  }
0xfb: {  	[sflag:s19] =	ssyncset.done $0x0  }
0xfc: {  	s13 =	simm.s32 $0x2;
	[sflag:s19] =	ssyncadd.s32 $0xFFFFFFB0  }
0xfd: {  	[tilespmem:s24], [sflag:$0x7] =	stream.indirect.gather [hbm4b:s4+s12], $0x80, s23, s12, $0xb8;
	[tilespmem:$0x1E400] =	vst v63  }
0xfe: {  	_ =	swait.ge [sflag:s13], $0x50  }
0xff: {  	[sflag:s13] =	ssyncset.done $0x0  }
0x100: {  	s16 =	simm.s32 $0x3;
	[sflag:s13] =	ssyncadd.s32 $0xFFFFFFB0  }
0x101: {  	_ =	swait.ge [sflag:s16], $0x2800  }
0x102: {  	[sflag:s16] =	ssyncset.done $0x0  }
0x103: {  	[sflag:s16] =	ssyncadd.s32 $0xFFFFD800  }
0x104: {  	[spmem:s25] =	stream.indirect.scatter.add.f32 [tilespmem:s17], [sflag:$0x4], $0x80, s11, s12, $0xb8;
	[tilespmem:$0x1E400] =	vst v63  }
0x105: {  	s17 =	simm.s32 $0x10  }
0x106: {  	_ =	swait.ge [sflag:s17], $0x2800  }
0x107: {  	s23 =	rddreg [dreg:$0x4];
	[sflag:s17] =	ssyncset.done $0x0  }
0x108: {  	s24 =	rddreg [dreg:$0x3];
	[sflag:s17] =	ssyncadd.s32 $0xFFFFD800;
	s0 =	sadd.s32 s31, s23  }
0x109: {  	[tilespmem:s20], [sflag:$0xD] =	stream.linear.gather [hbm4b:s0+s3], $0x50, $0x38;
	[tilespmem:$0x1E400] =	vst v63  }
0x10a: {  	s31 =	sadd.s32 s31, s24  }
0x10b: {  	[tilespmem:s22], [sflag:$0xE] =	stream.linear.gather [hbm4b:s31+s3], $0x50, $0x38;
	[tilespmem:$0x1E400] =	vst v63  }
0x10c: {  	_ =	swait.ge [sflag:s21], $0x50  }
0x10d: {  	[sflag:s21] =	ssyncset.done $0x0  }
0x10e: {  	[sflag:s21] =	ssyncadd.s32 $0xFFFFFFB0  }
0x10f: {  	[tilespmem:s15], [sflag:$0xB] =	stream.indirect.gather [hbm4b:s4+s12], $0x80, s26, s12, $0xb8;
	[tilespmem:$0x1E400] =	vst v63  }
0x110: {  	p0 =	sne.s32 s30, $0x488;
	_ =	swait.ge [sflag:s28], $0x50  }
.Ltmp1:
0x111: {  	[sflag:s28] =	ssyncset.done $0x0;
	(pc) =	sbr.rel @p0 .LBB2_4-.Ltmp1, $4  }
0x112: {  	s30 =	sadd.s32 $0x28, s30;
	s29 =	sadd.s32 $0x140, s29;
	[sflag:s28] =	ssyncadd.s32 $0xFFFFFFB0  }
0x113: {  	s2 =	simm.s32 $0x2980;
	s10 =	simm.s32 $0x5280;
	_ =	swait.ge [sflag:s9], $0x2800  }
0x114: {  	s7 =	simm.s32 $0x2A00;
	s13 =	simm.s32 $0x5300;
	[sflag:s9] =	ssyncset.done $0x0  }
0x115: {  	s16 =	simm.s32 $0x7B00;
	s11 =	simm.s32 $0x7B80;
	[sflag:s9] =	ssyncadd.s32 $0xFFFFD800  }
0x116: {  	[spmem:s25] =	stream.indirect.scatter.add.f32 [tilespmem:s7], [sflag:$0x8], $0x80, s2, s12, $0xb8;
	[tilespmem:$0x1E400] =	vst v63  }
0x117: {  	s2 =	simm.s32 $0x4  }
0x118: {  	_ =	swait.ge [sflag:s2], $0x2800  }
0x119: {  	[sflag:s2] =	ssyncset.done $0x0  }
0x11a: {  	s0 =	rddreg [dreg:$0x19];
	[sflag:s2] =	ssyncadd.s32 $0xFFFFD800  }
0x11b: {  	[tilespmem:s3], [sflag:$0x1] =	stream.linear.gather [hbm4b:s0+s3], $0x50, $0x38;
	[tilespmem:$0x1E400] =	vst v63  }
0x11c: {  	s1 =	simm.s32 $0x80;
	s9 =	rddreg [dreg:$0x1a]  }
0x11d: {  	[tilespmem:s1], [sflag:$0x2] =	stream.linear.gather [hbm4b:s9+s3], $0x50, $0x38;
	[tilespmem:$0x1E400] =	vst v63  }
0x11e: {  	_ =	swait.ge [sflag:s18], $0x50  }
0x11f: {  	[sflag:s18] =	ssyncset.done $0x0  }
0x120: {  	s15 =	simm.s32 $0x7C00;
	[sflag:s18] =	ssyncadd.s32 $0xFFFFFFB0  }
0x121: {  	[tilespmem:s15], [sflag:$0xF] =	stream.indirect.gather [hbm4b:s4+s12], $0x80, s16, s12, $0xb8;
	[tilespmem:$0x1E400] =	vst v63  }
0x122: {  	_ =	swait.ge [sflag:s5], $0x50  }
0x123: {  	[sflag:s5] =	ssyncset.done $0x0  }
0x124: {  	[sflag:s5] =	ssyncadd.s32 $0xFFFFFFB0  }
0x125: {  	_ =	swait.ge [sflag:s6], $0x2800  }
0x126: {  	[sflag:s6] =	ssyncset.done $0x0  }
0x127: {  	[sflag:s6] =	ssyncadd.s32 $0xFFFFD800  }
0x128: {  	[spmem:s25] =	stream.indirect.scatter.add.f32 [tilespmem:s13], [sflag:$0xC], $0x80, s10, s12, $0xb8;
	[tilespmem:$0x1E400] =	vst v63  }
0x129: {  	_ =	swait.ge [sflag:s14], $0x50  }
0x12a: {  	[sflag:s14] =	ssyncset.done $0x0  }
0x12b: {  	s16 =	simm.s32 $0x100;
	[sflag:s14] =	ssyncadd.s32 $0xFFFFFFB0  }
0x12c: {  	[tilespmem:s16], [sflag:$0x3] =	stream.indirect.gather [hbm4b:s4+s12], $0x80, s3, s12, $0xb8;
	[tilespmem:$0x1E400] =	vst v63  }
0x12d: {  	_ =	swait.ge [sflag:s8], $0x50  }
0x12e: {  	[sflag:s8] =	ssyncset.done $0x0  }
0x12f: {  	s17 =	simm.s32 $0xF;
	[sflag:s8] =	ssyncadd.s32 $0xFFFFFFB0  }
0x130: {  	_ =	swait.ge [sflag:s17], $0x2800  }
0x131: {  	[sflag:s17] =	ssyncset.done $0x0  }
0x132: {  	s18 =	simm.s32 $0x2;
	[sflag:s17] =	ssyncadd.s32 $0xFFFFD800  }
0x133: {  	[spmem:s25] =	stream.indirect.scatter.add.f32 [tilespmem:s15], [sflag:$0x10], $0x80, s11, s12, $0xb8;
	[tilespmem:$0x1E400] =	vst v63  }
0x134: {  	_ =	swait.ge [sflag:s18], $0x50  }
0x135: {  	[sflag:s18] =	ssyncset.done $0x0  }
0x136: {  	s19 =	simm.s32 $0x3;
	[sflag:s18] =	ssyncadd.s32 $0xFFFFFFB0  }
0x137: {  	_ =	swait.ge [sflag:s19], $0x2800  }
0x138: {  	[sflag:s19] =	ssyncset.done $0x0  }
0x139: {  	s20 =	simm.s32 $0x8;
	[sflag:s19] =	ssyncadd.s32 $0xFFFFD800  }
0x13a: {  	[spmem:s25] =	stream.indirect.scatter.add.f32 [tilespmem:s16], [sflag:$0x4], $0x80, s1, s12, $0xb8;
	[tilespmem:$0x1E400] =	vst v63  }
0x13b: {  	_ =	swait.ge [sflag:s20], $0x2800  }
0x13c: {  	[sflag:s20] =	ssyncset.done $0x0  }
0x13d: {  	s21 =	simm.s32 $0xC;
	[sflag:s20] =	ssyncadd.s32 $0xFFFFD800  }
0x13e: {  	_ =	swait.ge [sflag:s21], $0x2800  }
0x13f: {  	[sflag:s21] =	ssyncset.done $0x0  }
0x140: {  	s22 =	simm.s32 $0x10;
	[sflag:s21] =	ssyncadd.s32 $0xFFFFD800  }
0x141: {  	_ =	swait.ge [sflag:s22], $0x2800  }
0x142: {  	[sflag:s22] =	ssyncset.done $0x0  }
0x143: {  	[sflag:s22] =	ssyncadd.s32 $0xFFFFD800  }
0x144: {  	_ =	swait.ge [sflag:s2], $0x2800  }
0x145: {  	[sflag:s2] =	ssyncset.done $0x0  }
0x146: {  	[sflag:s2] =	ssyncadd.s32 $0xFFFFD800  }
0x147: {  	s23 =	stileid.u32;
	[bflag:$0x0] =	sbarrier.arrive $0xFFFF  }
0x148: {  	s26 =	simm.s32 $0x12;
	s0 =	sshll.u32 s23, $0x6;
	s24 =	rddreg [dreg:$0xb]  }
0x149: {  	s0 =	sor.u32 $0x1C12, s0;
	s29 =	rddreg [dreg:$0x1b];
	s1 =	sshrl.u32 s24, $0x3  }
0x14a: {  	[hbm:s29], [sflag:s0] =	dma.local [spmem:s1], $0x2800  }
0x14b: {  	_ =	swait.ge [sflag:s26], $0x2800  }
0x14c: {  	s31 =	simm.s32 $0x2A00;
	s29 =	sld [smem:$0x7FD]  }
0x14d: {  	s7 =	simm.s32 $0x4;
	s28 =	simm.s32 $0xE;
	s23 =	simm.s32 $0x3  }
0x14e: {  	s9 =	simm.s32 $0x2980;
	s5 =	simm.s32 $0xA;
	s6 =	simm.s32 $0xB  }
0x14f: {  	s10 =	simm.s32 $0x5280;
	s30 =	rddreg [dreg:$0x1c];
	s16 =	sadd.s32 $0x1, s29  }
0x150: {  	s13 =	simm.s32 $0x7B00;
	s14 =	simm.s32 $0x6;
	p0 =	sne.s32 s16, s30  }
.Ltmp2:
0x151: {  	s8 =	simm.s32 $0x5;
	s17 =	simm.s32 $0x100;
	(pc) =	sbr.rel @p0 .LBB2_1-.Ltmp2, $4  }
0x152: {  	s15 =	simm.s32 $0x5200;
	s11 =	simm.s32 $0x1;
	s18 =	simm.s32 $0xD  }
0x153: {  	s19 =	simm.s32 $0x9;
	s21 =	simm.s32 $0x2;
	s22 =	simm.s32 $0x5300  }
0x154: {  	s2 =	simm.s32 $0x8;
	s1 =	simm.s32 $0x2900;
	[sflag:s26] =	ssyncset.done $0x0  }
0x155: {  	s20 =	rddreg [dreg:$0xa];
	[sflag:s26] =	ssyncadd.s32 $0xFFFFD800;
	s26 =	simm.s32 $0x7  }
0x156: {  	_ =	sfence.sel $0x180000  }
0x157: {  	[bflag:$0x0] =	sbarrier.arrive $0xFFFF  }
0x158: {  	_ =	strace $0x9000004A  }
0x159: {  	s0 =	stileid.u32;
	[bflag:$0x2] =	sbarrier.arrive $0xFFFF  }
0x15a: {  	p0 =	sne.s32 s0, $0x0;
	s0 =	rddreg [dreg:$0x2]  }
0x15b: {  	s0 =	sadd.s32 @!p0 $0x100000, s0  }
0x15c: {  	[sflag:s0] =	ssyncadd.tile.s32 @!p0 $0x1;
	_ =	shalt  }
.Lfunc_end2:
_tile_overlayer_lowered:
.L_overlay_start_2:
0x15d: {  	(tag) =	ssettag $0x2  }
0x15e: {  	s0 =	rddreg [dreg:$0x0];
	s2 =	stileid.u32  }
0x15f: {  	s1 =	rddreg [dreg:$0x1];
	p0 =	sne.s32 s2, $0x0  }
0x160: {  	s3 =	rddreg [dreg:$0x2];
	[bflag:$0x3] =	sbarrier.arrive $0xFFFF;
	s2 =	simm.s32 @!p0 $0x1C12  }
0x161: {  	[timem:s3], [sflag:s2] =	dma.local @!p0 [hbm:s0], s1  }
0x162: {  	s0 =	simm.s32 @!p0 $0x12  }
0x163: {  	_ =	swait.ge @!p0 [sflag:s0], s1  }
0x164: {  	s1 =	ssub.s32 @!p0 $0x0, s1;
	[sflag:s0] =	ssyncset.done @!p0 $0x0  }
0x165: {  	[sflag:s0] =	ssyncadd.s32 @!p0 s1  }
0x166: {  	[bflag:$0x3] =	sbarrier.arrive $0xFFFF  }
0x167: {  	_ =	shalt  }

</sc_bundles>
